<compile_context>
chip_gen: v7x
topology: tpu7x:2x2x1
jax: 0.10.2.dev20260603
libtpu: 0.0.44.dev20260713+nightly
codegen_flags: <defaults>
</compile_context>

<pallas_src>
import functools

import jax
import jax.numpy as jnp
from jax import lax
from jax.experimental import pallas as pl
from jax.experimental.pallas import tpu as pltpu
from jax.experimental.pallas import tpu_sc as plsc

NC = 2
NS = 16
L = 16
EPS = 1e-5
C = 128
NBUF = 2


def _rsqrt(v):
    i = plsc.bitcast(v, jnp.int32)
    y = plsc.bitcast(jnp.int32(0x5F3759DF) - (i >> 1), jnp.float32)
    for _ in range(1):
        y = y * (1.5 - 0.5 * v * y * y)
    return y


@functools.partial(jax.jit, static_argnames=("n_tok", "seq_len", "embed"))
def _run(x_flat, sg_flat, tok_table, pos_table, seg_table, gamma, beta,
         n_tok, seq_len, embed):
    NW = NC * NS
    n_per = n_tok // NW
    n_chunks = n_per // C
    KV = embed // L
    mesh = plsc.VectorSubcoreMesh(core_axis_name="c", subcore_axis_name="s",
                                  num_cores=NC, num_subcores=NS)

    @functools.partial(
        pl.kernel,
        out_type=jax.ShapeDtypeStruct((n_tok, embed), jnp.float32),
        mesh=mesh,
        compiler_params=pltpu.CompilerParams(needs_layout_passes=False),
        scratch_types=[
            pltpu.VMEM((n_per,), jnp.int32),
            pltpu.VMEM((n_per,), jnp.int32),
            pltpu.VMEM((NBUF, C, embed), jnp.float32),
            pltpu.VMEM((NBUF, C, embed), jnp.float32),
            pltpu.VMEM((2 * seq_len * embed,), jnp.float32),
            pltpu.VMEM((2, embed), jnp.float32),
            pltpu.VMEM((embed,), jnp.float32),
            pltpu.VMEM((embed,), jnp.float32),
        ] + [pltpu.SemaphoreType.DMA] * (2 * NBUF) + [
        ],
    )
    def k(x_hbm, sg_hbm, tok_hbm, pos_hbm, segt_hbm, gam_hbm, bet_hbm,
          out_hbm, idx_all, seg_all, grows, obuf, pese_v, segrow_v,
          gam_v, bet_v, *sems):
        wid = lax.axis_index("s") * NC + lax.axis_index("c")
        base = wid * n_per
        gsem = list(sems[:NBUF])
        osem = list(sems[NBUF:])

        pltpu.sync_copy(gam_hbm, gam_v)
        pltpu.sync_copy(bet_hbm, bet_v)
        pltpu.sync_copy(segt_hbm, segrow_v)
        pltpu.sync_copy(pos_hbm.at[pl.ds(0, C)], grows.at[0])
        pltpu.sync_copy(pos_hbm.at[pl.ds(C, seq_len - C)],
                        grows.at[1, pl.ds(0, seq_len - C)])
        pltpu.sync_copy(x_hbm.at[pl.ds(base, n_per)], idx_all)
        pltpu.sync_copy(sg_hbm.at[pl.ds(base, n_per)], seg_all)

        seg0 = [segrow_v[0, pl.ds(k0 * L, L)] for k0 in range(KV)]
        seg1 = [segrow_v[1, pl.ds(k0 * L, L)] for k0 in range(KV)]
        gam = [gam_v[pl.ds(k0 * L, L)] for k0 in range(KV)]
        bet = [bet_v[pl.ds(k0 * L, L)] for k0 in range(KV)]

        def fill(n_rows, src_buf, row_off):
            @plsc.parallel_loop(0, n_rows, 1)
            def fill_rows(j):
                for k0 in range(KV):
                    row = src_buf[j, pl.ds(k0 * L, L)]
                    o = (row_off + j) * embed + k0 * L
                    pese_v[pl.ds(o, L)] = row + seg0[k0]
                    o2 = (seq_len + row_off + j) * embed + k0 * L
                    pese_v[pl.ds(o2, L)] = row + seg1[k0]

        fill(C, grows.at[0], 0)
        fill(seq_len - C, grows.at[1], C)

        iota = lax.iota(jnp.int32, L)
        inv_d = jnp.float32(1.0 / embed)

        @plsc.parallel_loop(0, n_per // L, 1)
        def mkcidx(i):
            o = i * L
            sv = lax.rem(base + o + iota, seq_len)
            seg_all[pl.ds(o, L)] = (
                (seg_all[pl.ds(o, L)] * seq_len + sv) * embed)

        def start_gather(ci, b):
            pltpu.async_copy(tok_hbm.at[idx_all.at[pl.ds(ci * C, C)]],
                             grows.at[b], gsem[b])

        def wait_gather(ci, b):
            pltpu.make_async_copy(tok_hbm.at[idx_all.at[pl.ds(ci * C, C)]],
                                  grows.at[b], gsem[b]).wait()

        def start_out(ci, b):
            pltpu.async_copy(obuf.at[b], out_hbm.at[pl.ds(base + ci * C, C)],
                             osem[b])

        def wait_out(ci, b):
            pltpu.make_async_copy(obuf.at[b],
                                  out_hbm.at[pl.ds(base + ci * C, C)],
                                  osem[b]).wait()

        def compute(ci, b):
            g_v = grows.at[b]
            o_v = obuf.at[b]

            @plsc.parallel_loop(0, C, 1, unroll=2)
            def token(t):
                u = lax.rem(t, L)
                cvec = seg_all[pl.ds(ci * C + t - u, L)]
                csp = jnp.take_along_axis(
                    cvec, jnp.full((L,), u, dtype=jnp.int32), axis=0)
                hs = []
                for k0 in range(KV):
                    pe = plsc.load_gather(pese_v, [csp + (k0 * L + iota)])
                    hs.append(g_v[t, pl.ds(k0 * L, L)] + pe)
                ss = list(hs)
                qq = [h * h for h in hs]
                while len(ss) > 1:
                    ss = [a + b for a, b in zip(ss[::2], ss[1::2])]
                    qq = [a + b for a, b in zip(qq[::2], qq[1::2])]
                s, q = ss[0], qq[0]
                for sh in (8, 4, 2, 1):
                    perm = iota ^ sh
                    s = s + jnp.take_along_axis(s, perm, axis=0)
                    q = q + jnp.take_along_axis(q, perm, axis=0)
                mean = s * inv_d
                var = q * inv_d - mean * mean
                r = _rsqrt(var + EPS)
                for k0 in range(KV):
                    o_v[t, pl.ds(k0 * L, L)] = (
                        (hs[k0] - mean) * r * gam[k0] + bet[k0])

        for b in range(NBUF):
            start_gather(b, b)

        def step(ci, b):
            wait_gather(ci, b)
            pl.when(ci >= NBUF)(lambda: wait_out(ci - NBUF, b))
            compute(ci, b)
            pl.when(ci + NBUF < n_chunks)(
                lambda: start_gather(ci + NBUF, b))
            start_out(ci, b)

        def pipeline(i, carry):
            ci = i * NBUF
            for b in range(NBUF):
                step(ci + b, b)
            return carry

        lax.fori_loop(0, n_chunks // NBUF, pipeline, 0)
        for b in range(NBUF):
            wait_out(n_chunks - NBUF + b, b)

    return k(x_flat, sg_flat, tok_table, pos_table, seg_table, gamma, beta)


def kernel(x, segment_label, tok_table, pos_table, seg_table, gamma, beta):
    b, s = x.shape
    embed = tok_table.shape[1]
    out = _run(x.reshape(-1).astype(jnp.int32),
               segment_label.reshape(-1).astype(jnp.int32),
               tok_table, pos_table, seg_table, gamma, beta,
               n_tok=b * s, seq_len=s, embed=embed)
    return out.reshape(b, s, embed)

# --- scband reference (transcript-rebuilt; emitter-appended) ---
"""Pipeline reference for scband-bertembeddings-22832046146271 (READ-ONLY COPY).

The authoritative reference and input builder live on the scoring server;
editing this copy changes nothing except your own understanding.
"""

import jax, jax.numpy as jnp
import numpy as np

VOCAB = 100000
EMBED = 128
MAX_LEN = 512
B = 1024
S = 200
EPS = 1e-5

def setup_inputs(seed: int = 0) -> dict:
    key = jax.random.key(seed)
    k1, k2, k3, k4, k5 = jax.random.split(key, 5)
    x = jax.random.randint(k1, (B, S), 0, VOCAB, dtype=jnp.int64) if jax.config.jax_enable_x64 else jax.random.randint(k1, (B, S), 0, VOCAB).astype(jnp.int32)
    segment_label = jax.random.randint(k2, (B, S), 0, 2).astype(x.dtype)
    tok_table = jax.random.normal(k3, (VOCAB, EMBED), dtype=jnp.float32) * 0.02
    pos_table = jax.random.normal(k4, (MAX_LEN, EMBED), dtype=jnp.float32) * 0.02
    seg_table = jax.random.normal(k5, (2, EMBED), dtype=jnp.float32) * 0.02
    gamma = jnp.ones((EMBED,), dtype=jnp.float32)
    beta = jnp.zeros((EMBED,), dtype=jnp.float32)
    return {"x": x, "segment_label": segment_label, "tok_table": tok_table, "pos_table": pos_table, "seg_table": seg_table, "gamma": gamma, "beta": beta}

def _layernorm(h, gamma, beta):
    mean = jnp.mean(h, axis=-1, keepdims=True)
    var = jnp.mean(jnp.square(h - mean), axis=-1, keepdims=True)
    return (h - mean) / jnp.sqrt(var + EPS) * gamma + beta

def reference(x, segment_label, tok_table, pos_table, seg_table, gamma, beta):
    seq_len = x.shape[1]
    pos = jnp.arange(seq_len, dtype=x.dtype)
    pos = jnp.broadcast_to(pos[None, :], x.shape)
    tok = jnp.take(tok_table, x, axis=0)
    pe = jnp.take(pos_table, pos, axis=0)
    se = jnp.take(seg_table, segment_label, axis=0)
    embedding = tok + pe + se
    # dropout is identity in eval mode
    return _layernorm(embedding, gamma, beta)

if __name__ == "__main__":
    import jax
    _d = setup_inputs()
    print(jax.jit(kernel)(*tuple(_d.values())))

</pallas_src>

<mosaic_0001>
#map = affine_map<(d0, d1) -> (0)>
#map1 = affine_map<(d0, d1) -> (0, 0)>
module attributes {stable_mosaic.version = 14 : i64} {
  func.func @k(%arg0: i32, %arg1: i32, %arg2: memref<204800xi32, #tpu.memory_space<hbm>>, %arg3: memref<204800xi32, #tpu.memory_space<hbm>>, %arg4: memref<100000x128xf32, #tpu.memory_space<hbm>>, %arg5: memref<512x128xf32, #tpu.memory_space<hbm>>, %arg6: memref<2x128xf32, #tpu.memory_space<hbm>>, %arg7: memref<128xf32, #tpu.memory_space<hbm>>, %arg8: memref<128xf32, #tpu.memory_space<hbm>>, %arg9: memref<204800x128xf32, #tpu.memory_space<hbm>>, %arg10: memref<6400xi32, #tpu.memory_space<vmem>>, %arg11: memref<6400xi32, #tpu.memory_space<vmem>>, %arg12: memref<2x128x128xf32, #tpu.memory_space<vmem>>, %arg13: memref<2x128x128xf32, #tpu.memory_space<vmem>>, %arg14: memref<51200xf32, #tpu.memory_space<vmem>>, %arg15: memref<2x128xf32, #tpu.memory_space<vmem>>, %arg16: memref<128xf32, #tpu.memory_space<vmem>>, %arg17: memref<128xf32, #tpu.memory_space<vmem>>, %arg18: memref<!tpu.dma_semaphore, #tpu.memory_space<semaphore_mem>>, %arg19: memref<!tpu.dma_semaphore, #tpu.memory_space<semaphore_mem>>, %arg20: memref<!tpu.dma_semaphore, #tpu.memory_space<semaphore_mem>>, %arg21: memref<!tpu.dma_semaphore, #tpu.memory_space<semaphore_mem>>) attributes {dimension_semantics = [#tpu.dimension_semantics<core_parallel>, #tpu.dimension_semantics<subcore_parallel>], iteration_bounds = array<i64: 2, 16>, scalar_prefetch = 0 : i64, scratch_operands = 12 : i64, tpu.core_type = #tpu.core_type<sc_vector_subcore>, window_params = [{transform_indices = #map}, {transform_indices = #map}, {transform_indices = #map1}, {transform_indices = #map1}, {transform_indices = #map1}, {transform_indices = #map}, {transform_indices = #map}, {transform_indices = #map1}]} {
    %mul3A = arith.constant 2 : i32
    %mul3A_0 = arith.muli %arg1, %mul3A : i32
    %add3A = arith.addi %mul3A_0, %arg0 : i32
    %mul3A_1 = arith.constant 6400 : i32
    %mul3A_2 = arith.muli %add3A, %mul3A_1 : i32
    "tpu.region"() ({
      %run_scoped3A_163 = tpu.sem_alloc : memref<!tpu.dma_semaphore, #tpu.memory_space<semaphore_mem>>
      tpu.enqueue_dma source(%arg7 : memref<128xf32, #tpu.memory_space<hbm>>) target(%arg16 : memref<128xf32, #tpu.memory_space<vmem>>) target_semaphore(%run_scoped3A_163 : memref<!tpu.dma_semaphore, #tpu.memory_space<semaphore_mem>>)
      tpu.wait_dma2 semaphore(%run_scoped3A_163 : memref<!tpu.dma_semaphore, #tpu.memory_space<semaphore_mem>>) src(%arg7 : memref<128xf32, #tpu.memory_space<hbm>>) dst(%arg16 : memref<128xf32, #tpu.memory_space<vmem>>)
      tpu.yield
    }) : () -> ()
    "tpu.region"() ({
      %run_scoped3A_163 = tpu.sem_alloc : memref<!tpu.dma_semaphore, #tpu.memory_space<semaphore_mem>>
      tpu.enqueue_dma source(%arg8 : memref<128xf32, #tpu.memory_space<hbm>>) target(%arg17 : memref<128xf32, #tpu.memory_space<vmem>>) target_semaphore(%run_scoped3A_163 : memref<!tpu.dma_semaphore, #tpu.memory_space<semaphore_mem>>)
      tpu.wait_dma2 semaphore(%run_scoped3A_163 : memref<!tpu.dma_semaphore, #tpu.memory_space<semaphore_mem>>) src(%arg8 : memref<128xf32, #tpu.memory_space<hbm>>) dst(%arg17 : memref<128xf32, #tpu.memory_space<vmem>>)
      tpu.yield
    }) : () -> ()
    "tpu.region"() ({
      %run_scoped3A_163 = tpu.sem_alloc : memref<!tpu.dma_semaphore, #tpu.memory_space<semaphore_mem>>
      tpu.enqueue_dma source(%arg6 : memref<2x128xf32, #tpu.memory_space<hbm>>) target(%arg15 : memref<2x128xf32, #tpu.memory_space<vmem>>) target_semaphore(%run_scoped3A_163 : memref<!tpu.dma_semaphore, #tpu.memory_space<semaphore_mem>>)
      tpu.wait_dma2 semaphore(%run_scoped3A_163 : memref<!tpu.dma_semaphore, #tpu.memory_space<semaphore_mem>>) src(%arg6 : memref<2x128xf32, #tpu.memory_space<hbm>>) dst(%arg15 : memref<2x128xf32, #tpu.memory_space<vmem>>)
      tpu.yield
    }) : () -> ()
    %run_scoped3A = arith.constant 0 : i32
    "tpu.region"() ({
      %run_scoped3A_163 = tpu.sem_alloc : memref<!tpu.dma_semaphore, #tpu.memory_space<semaphore_mem>>
      %dma_start3A_164 = arith.constant 0 : i32
      %dma_start3A_165 = arith.constant 0 : i32
      %dma_start3A_166 = tpu.memref_slice %arg12[%run_scoped3A, %dma_start3A_164, %dma_start3A_165] : memref<2x128x128xf32, #tpu.memory_space<vmem>> -> memref<1x128x128xf32, #tpu.memory_space<vmem>>
      %dma_start3A_167 = tpu.memref_squeeze %dma_start3A_166 : memref<1x128x128xf32, #tpu.memory_space<vmem>> -> memref<128x128xf32, #tpu.memory_space<vmem>>
      %dma_start3A_168 = arith.constant 0 : i32
      %dma_start3A_169 = arith.constant 0 : i32
      %dma_start3A_170 = tpu.memref_slice %arg5[%dma_start3A_168, %dma_start3A_169] : memref<512x128xf32, #tpu.memory_space<hbm>> -> memref<128x128xf32, #tpu.memory_space<hbm>>
      %dma_start3A_171 = arith.constant 0 : i32
      %dma_start3A_172 = arith.constant 0 : i32
      %dma_start3A_173 = tpu.memref_slice %arg12[%run_scoped3A, %dma_start3A_171, %dma_start3A_172] : memref<2x128x128xf32, #tpu.memory_space<vmem>> -> memref<1x128x128xf32, #tpu.memory_space<vmem>>
      %dma_start3A_174 = tpu.memref_squeeze %dma_start3A_173 : memref<1x128x128xf32, #tpu.memory_space<vmem>> -> memref<128x128xf32, #tpu.memory_space<vmem>>
      %dma_start3A_175 = arith.constant 0 : i32
      %dma_start3A_176 = arith.constant 0 : i32
      %dma_start3A_177 = tpu.memref_slice %arg5[%dma_start3A_175, %dma_start3A_176] : memref<512x128xf32, #tpu.memory_space<hbm>> -> memref<128x128xf32, #tpu.memory_space<hbm>>
      tpu.enqueue_dma source(%dma_start3A_177 : memref<128x128xf32, #tpu.memory_space<hbm>>) target(%dma_start3A_174 : memref<128x128xf32, #tpu.memory_space<vmem>>) target_semaphore(%run_scoped3A_163 : memref<!tpu.dma_semaphore, #tpu.memory_space<semaphore_mem>>)
      %dma_wait3A_178 = arith.constant 0 : i32
      %dma_wait3A_179 = arith.constant 0 : i32
      %dma_wait3A_180 = tpu.memref_slice %arg12[%run_scoped3A, %dma_wait3A_178, %dma_wait3A_179] : memref<2x128x128xf32, #tpu.memory_space<vmem>> -> memref<1x128x128xf32, #tpu.memory_space<vmem>>
      %dma_wait3A_181 = tpu.memref_squeeze %dma_wait3A_180 : memref<1x128x128xf32, #tpu.memory_space<vmem>> -> memref<128x128xf32, #tpu.memory_space<vmem>>
      %dma_wait3A_182 = arith.constant 0 : i32
      %dma_wait3A_183 = arith.constant 0 : i32
      %dma_wait3A_184 = tpu.memref_slice %arg5[%dma_wait3A_182, %dma_wait3A_183] : memref<512x128xf32, #tpu.memory_space<hbm>> -> memref<128x128xf32, #tpu.memory_space<hbm>>
      %dma_wait3A_185 = arith.constant 0 : i32
      %dma_wait3A_186 = arith.constant 0 : i32
      %dma_wait3A_187 = tpu.memref_slice %arg12[%run_scoped3A, %dma_wait3A_185, %dma_wait3A_186] : memref<2x128x128xf32, #tpu.memory_space<vmem>> -> memref<1x128x128xf32, #tpu.memory_space<vmem>>
      %dma_wait3A_188 = tpu.memref_squeeze %dma_wait3A_187 : memref<1x128x128xf32, #tpu.memory_space<vmem>> -> memref<128x128xf32, #tpu.memory_space<vmem>>
      %dma_wait3A_189 = arith.constant 0 : i32
      %dma_wait3A_190 = arith.constant 0 : i32
      %dma_wait3A_191 = tpu.memref_slice %arg5[%dma_wait3A_189, %dma_wait3A_190] : memref<512x128xf32, #tpu.memory_space<hbm>> -> memref<128x128xf32, #tpu.memory_space<hbm>>
      tpu.wait_dma2 semaphore(%run_scoped3A_163 : memref<!tpu.dma_semaphore, #tpu.memory_space<semaphore_mem>>) src(%dma_wait3A_191 : memref<128x128xf32, #tpu.memory_space<hbm>>) dst(%dma_wait3A_188 : memref<128x128xf32, #tpu.memory_space<vmem>>)
      tpu.yield
    }) : () -> ()
    %run_scoped3A_3 = arith.constant 1 : i32
    "tpu.region"() ({
      %run_scoped3A_163 = tpu.sem_alloc : memref<!tpu.dma_semaphore, #tpu.memory_space<semaphore_mem>>
      %dma_start3A_164 = arith.constant 0 : i32
      %dma_start3A_165 = arith.constant 0 : i32
      %dma_start3A_166 = tpu.memref_slice %arg12[%run_scoped3A_3, %dma_start3A_164, %dma_start3A_165] : memref<2x128x128xf32, #tpu.memory_space<vmem>> -> memref<1x72x128xf32, #tpu.memory_space<vmem>>
      %dma_start3A_167 = tpu.memref_squeeze %dma_start3A_166 : memref<1x72x128xf32, #tpu.memory_space<vmem>> -> memref<72x128xf32, #tpu.memory_space<vmem>>
      %dma_start3A_168 = arith.constant 128 : i32
      %dma_start3A_169 = arith.constant 0 : i32
      %dma_start3A_170 = tpu.memref_slice %arg5[%dma_start3A_168, %dma_start3A_169] : memref<512x128xf32, #tpu.memory_space<hbm>> -> memref<72x128xf32, #tpu.memory_space<hbm>>
      %dma_start3A_171 = arith.constant 0 : i32
      %dma_start3A_172 = arith.constant 0 : i32
      %dma_start3A_173 = tpu.memref_slice %arg12[%run_scoped3A_3, %dma_start3A_171, %dma_start3A_172] : memref<2x128x128xf32, #tpu.memory_space<vmem>> -> memref<1x72x128xf32, #tpu.memory_space<vmem>>
      %dma_start3A_174 = tpu.memref_squeeze %dma_start3A_173 : memref<1x72x128xf32, #tpu.memory_space<vmem>> -> memref<72x128xf32, #tpu.memory_space<vmem>>
      %dma_start3A_175 = arith.constant 128 : i32
      %dma_start3A_176 = arith.constant 0 : i32
      %dma_start3A_177 = tpu.memref_slice %arg5[%dma_start3A_175, %dma_start3A_176] : memref<512x128xf32, #tpu.memory_space<hbm>> -> memref<72x128xf32, #tpu.memory_space<hbm>>
      tpu.enqueue_dma source(%dma_start3A_177 : memref<72x128xf32, #tpu.memory_space<hbm>>) target(%dma_start3A_174 : memref<72x128xf32, #tpu.memory_space<vmem>>) target_semaphore(%run_scoped3A_163 : memref<!tpu.dma_semaphore, #tpu.memory_space<semaphore_mem>>)
      %dma_wait3A_178 = arith.constant 0 : i32
      %dma_wait3A_179 = arith.constant 0 : i32
      %dma_wait3A_180 = tpu.memref_slice %arg12[%run_scoped3A_3, %dma_wait3A_178, %dma_wait3A_179] : memref<2x128x128xf32, #tpu.memory_space<vmem>> -> memref<1x72x128xf32, #tpu.memory_space<vmem>>
      %dma_wait3A_181 = tpu.memref_squeeze %dma_wait3A_180 : memref<1x72x128xf32, #tpu.memory_space<vmem>> -> memref<72x128xf32, #tpu.memory_space<vmem>>
      %dma_wait3A_182 = arith.constant 128 : i32
      %dma_wait3A_183 = arith.constant 0 : i32
      %dma_wait3A_184 = tpu.memref_slice %arg5[%dma_wait3A_182, %dma_wait3A_183] : memref<512x128xf32, #tpu.memory_space<hbm>> -> memref<72x128xf32, #tpu.memory_space<hbm>>
      %dma_wait3A_185 = arith.constant 0 : i32
      %dma_wait3A_186 = arith.constant 0 : i32
      %dma_wait3A_187 = tpu.memref_slice %arg12[%run_scoped3A_3, %dma_wait3A_185, %dma_wait3A_186] : memref<2x128x128xf32, #tpu.memory_space<vmem>> -> memref<1x72x128xf32, #tpu.memory_space<vmem>>
      %dma_wait3A_188 = tpu.memref_squeeze %dma_wait3A_187 : memref<1x72x128xf32, #tpu.memory_space<vmem>> -> memref<72x128xf32, #tpu.memory_space<vmem>>
      %dma_wait3A_189 = arith.constant 128 : i32
      %dma_wait3A_190 = arith.constant 0 : i32
      %dma_wait3A_191 = tpu.memref_slice %arg5[%dma_wait3A_189, %dma_wait3A_190] : memref<512x128xf32, #tpu.memory_space<hbm>> -> memref<72x128xf32, #tpu.memory_space<hbm>>
      tpu.wait_dma2 semaphore(%run_scoped3A_163 : memref<!tpu.dma_semaphore, #tpu.memory_space<semaphore_mem>>) src(%dma_wait3A_191 : memref<72x128xf32, #tpu.memory_space<hbm>>) dst(%dma_wait3A_188 : memref<72x128xf32, #tpu.memory_space<vmem>>)
      tpu.yield
    }) : () -> ()
    "tpu.region"() ({
      %run_scoped3A_163 = tpu.sem_alloc : memref<!tpu.dma_semaphore, #tpu.memory_space<semaphore_mem>>
      %dma_start3A_164 = tpu.memref_slice %arg2[%mul3A_2] : memref<204800xi32, #tpu.memory_space<hbm>> -> memref<6400xi32, #tpu.memory_space<hbm>>
      %dma_start3A_165 = tpu.memref_slice %arg2[%mul3A_2] : memref<204800xi32, #tpu.memory_space<hbm>> -> memref<6400xi32, #tpu.memory_space<hbm>>
      tpu.enqueue_dma source(%dma_start3A_165 : memref<6400xi32, #tpu.memory_space<hbm>>) target(%arg10 : memref<6400xi32, #tpu.memory_space<vmem>>) target_semaphore(%run_scoped3A_163 : memref<!tpu.dma_semaphore, #tpu.memory_space<semaphore_mem>>)
      %dma_wait3A_166 = tpu.memref_slice %arg2[%mul3A_2] : memref<204800xi32, #tpu.memory_space<hbm>> -> memref<6400xi32, #tpu.memory_space<hbm>>
      %dma_wait3A_167 = tpu.memref_slice %arg2[%mul3A_2] : memref<204800xi32, #tpu.memory_space<hbm>> -> memref<6400xi32, #tpu.memory_space<hbm>>
      tpu.wait_dma2 semaphore(%run_scoped3A_163 : memref<!tpu.dma_semaphore, #tpu.memory_space<semaphore_mem>>) src(%dma_wait3A_167 : memref<6400xi32, #tpu.memory_space<hbm>>) dst(%arg10 : memref<6400xi32, #tpu.memory_space<vmem>>)
      tpu.yield
    }) : () -> ()
    "tpu.region"() ({
      %run_scoped3A_163 = tpu.sem_alloc : memref<!tpu.dma_semaphore, #tpu.memory_space<semaphore_mem>>
      %dma_start3A_164 = tpu.memref_slice %arg3[%mul3A_2] : memref<204800xi32, #tpu.memory_space<hbm>> -> memref<6400xi32, #tpu.memory_space<hbm>>
      %dma_start3A_165 = tpu.memref_slice %arg3[%mul3A_2] : memref<204800xi32, #tpu.memory_space<hbm>> -> memref<6400xi32, #tpu.memory_space<hbm>>
      tpu.enqueue_dma source(%dma_start3A_165 : memref<6400xi32, #tpu.memory_space<hbm>>) target(%arg11 : memref<6400xi32, #tpu.memory_space<vmem>>) target_semaphore(%run_scoped3A_163 : memref<!tpu.dma_semaphore, #tpu.memory_space<semaphore_mem>>)
      %dma_wait3A_166 = tpu.memref_slice %arg3[%mul3A_2] : memref<204800xi32, #tpu.memory_space<hbm>> -> memref<6400xi32, #tpu.memory_space<hbm>>
      %dma_wait3A_167 = tpu.memref_slice %arg3[%mul3A_2] : memref<204800xi32, #tpu.memory_space<hbm>> -> memref<6400xi32, #tpu.memory_space<hbm>>
      tpu.wait_dma2 semaphore(%run_scoped3A_163 : memref<!tpu.dma_semaphore, #tpu.memory_space<semaphore_mem>>) src(%dma_wait3A_167 : memref<6400xi32, #tpu.memory_space<hbm>>) dst(%arg11 : memref<6400xi32, #tpu.memory_space<vmem>>)
      tpu.yield
    }) : () -> ()
    %get3A = arith.constant 0 : i32
    %get3A_4 = arith.index_cast %get3A : i32 to index
    %get3A_5 = arith.constant 0 : index
    %get3A_6 = tpu.vector_load %arg15[%get3A_4, %get3A_5] {strides = array<i32>} : memref<2x128xf32, #tpu.memory_space<vmem>>, vector<16xf32>,
    %get3A_7 = arith.constant 0 : i32
    %get3A_8 = arith.index_cast %get3A_7 : i32 to index
    %get3A_9 = arith.constant 16 : index
    %get3A_10 = tpu.vector_load %arg15[%get3A_8, %get3A_9] {strides = array<i32>} : memref<2x128xf32, #tpu.memory_space<vmem>>, vector<16xf32>,
    %get3A_11 = arith.constant 0 : i32
    %get3A_12 = arith.index_cast %get3A_11 : i32 to index
    %get3A_13 = arith.constant 32 : index
    %get3A_14 = tpu.vector_load %arg15[%get3A_12, %get3A_13] {strides = array<i32>} : memref<2x128xf32, #tpu.memory_space<vmem>>, vector<16xf32>,
    %get3A_15 = arith.constant 0 : i32
    %get3A_16 = arith.index_cast %get3A_15 : i32 to index
    %get3A_17 = arith.constant 48 : index
    %get3A_18 = tpu.vector_load %arg15[%get3A_16, %get3A_17] {strides = array<i32>} : memref<2x128xf32, #tpu.memory_space<vmem>>, vector<16xf32>,
    %get3A_19 = arith.constant 0 : i32
    %get3A_20 = arith.index_cast %get3A_19 : i32 to index
    %get3A_21 = arith.constant 64 : index
    %get3A_22 = tpu.vector_load %arg15[%get3A_20, %get3A_21] {strides = array<i32>} : memref<2x128xf32, #tpu.memory_space<vmem>>, vector<16xf32>,
    %get3A_23 = arith.constant 0 : i32
    %get3A_24 = arith.index_cast %get3A_23 : i32 to index
    %get3A_25 = arith.constant 80 : index
    %get3A_26 = tpu.vector_load %arg15[%get3A_24, %get3A_25] {strides = array<i32>} : memref<2x128xf32, #tpu.memory_space<vmem>>, vector<16xf32>,
    %get3A_27 = arith.constant 0 : i32
    %get3A_28 = arith.index_cast %get3A_27 : i32 to index
    %get3A_29 = arith.constant 96 : index
    %get3A_30 = tpu.vector_load %arg15[%get3A_28, %get3A_29] {strides = array<i32>} : memref<2x128xf32, #tpu.memory_space<vmem>>, vector<16xf32>,
    %get3A_31 = arith.constant 0 : i32
    %get3A_32 = arith.index_cast %get3A_31 : i32 to index
    %get3A_33 = arith.constant 112 : index
    %get3A_34 = tpu.vector_load %arg15[%get3A_32, %get3A_33] {strides = array<i32>} : memref<2x128xf32, #tpu.memory_space<vmem>>, vector<16xf32>,
    %get3A_35 = arith.constant 1 : i32
    %get3A_36 = arith.index_cast %get3A_35 : i32 to index
    %get3A_37 = arith.constant 0 : index
    %get3A_38 = tpu.vector_load %arg15[%get3A_36, %get3A_37] {strides = array<i32>} : memref<2x128xf32, #tpu.memory_space<vmem>>, vector<16xf32>,
    %get3A_39 = arith.constant 1 : i32
    %get3A_40 = arith.index_cast %get3A_39 : i32 to index
    %get3A_41 = arith.constant 16 : index
    %get3A_42 = tpu.vector_load %arg15[%get3A_40, %get3A_41] {strides = array<i32>} : memref<2x128xf32, #tpu.memory_space<vmem>>, vector<16xf32>,
    %get3A_43 = arith.constant 1 : i32
    %get3A_44 = arith.index_cast %get3A_43 : i32 to index
    %get3A_45 = arith.constant 32 : index
    %get3A_46 = tpu.vector_load %arg15[%get3A_44, %get3A_45] {strides = array<i32>} : memref<2x128xf32, #tpu.memory_space<vmem>>, vector<16xf32>,
    %get3A_47 = arith.constant 1 : i32
    %get3A_48 = arith.index_cast %get3A_47 : i32 to index
    %get3A_49 = arith.constant 48 : index
    %get3A_50 = tpu.vector_load %arg15[%get3A_48, %get3A_49] {strides = array<i32>} : memref<2x128xf32, #tpu.memory_space<vmem>>, vector<16xf32>,
    %get3A_51 = arith.constant 1 : i32
    %get3A_52 = arith.index_cast %get3A_51 : i32 to index
    %get3A_53 = arith.constant 64 : index
    %get3A_54 = tpu.vector_load %arg15[%get3A_52, %get3A_53] {strides = array<i32>} : memref<2x128xf32, #tpu.memory_space<vmem>>, vector<16xf32>,
    %get3A_55 = arith.constant 1 : i32
    %get3A_56 = arith.index_cast %get3A_55 : i32 to index
    %get3A_57 = arith.constant 80 : index
    %get3A_58 = tpu.vector_load %arg15[%get3A_56, %get3A_57] {strides = array<i32>} : memref<2x128xf32, #tpu.memory_space<vmem>>, vector<16xf32>,
    %get3A_59 = arith.constant 1 : i32
    %get3A_60 = arith.index_cast %get3A_59 : i32 to index
    %get3A_61 = arith.constant 96 : index
    %get3A_62 = tpu.vector_load %arg15[%get3A_60, %get3A_61] {strides = array<i32>} : memref<2x128xf32, #tpu.memory_space<vmem>>, vector<16xf32>,
    %get3A_63 = arith.constant 1 : i32
    %get3A_64 = arith.index_cast %get3A_63 : i32 to index
    %get3A_65 = arith.constant 112 : index
    %get3A_66 = tpu.vector_load %arg15[%get3A_64, %get3A_65] {strides = array<i32>} : memref<2x128xf32, #tpu.memory_space<vmem>>, vector<16xf32>,
    %get3A_67 = arith.constant 0 : index
    %get3A_68 = tpu.vector_load %arg16[%get3A_67] {strides = array<i32>} : memref<128xf32, #tpu.memory_space<vmem>>, vector<16xf32>,
    %get3A_69 = arith.constant 16 : index
    %get3A_70 = tpu.vector_load %arg16[%get3A_69] {strides = array<i32>} : memref<128xf32, #tpu.memory_space<vmem>>, vector<16xf32>,
    %get3A_71 = arith.constant 32 : index
    %get3A_72 = tpu.vector_load %arg16[%get3A_71] {strides = array<i32>} : memref<128xf32, #tpu.memory_space<vmem>>, vector<16xf32>,
    %get3A_73 = arith.constant 48 : index
    %get3A_74 = tpu.vector_load %arg16[%get3A_73] {strides = array<i32>} : memref<128xf32, #tpu.memory_space<vmem>>, vector<16xf32>,
    %get3A_75 = arith.constant 64 : index
    %get3A_76 = tpu.vector_load %arg16[%get3A_75] {strides = array<i32>} : memref<128xf32, #tpu.memory_space<vmem>>, vector<16xf32>,
    %get3A_77 = arith.constant 80 : index
    %get3A_78 = tpu.vector_load %arg16[%get3A_77] {strides = array<i32>} : memref<128xf32, #tpu.memory_space<vmem>>, vector<16xf32>,
    %get3A_79 = arith.constant 96 : index
    %get3A_80 = tpu.vector_load %arg16[%get3A_79] {strides = array<i32>} : memref<128xf32, #tpu.memory_space<vmem>>, vector<16xf32>,
    %get3A_81 = arith.constant 112 : index
    %get3A_82 = tpu.vector_load %arg16[%get3A_81] {strides = array<i32>} : memref<128xf32, #tpu.memory_space<vmem>>, vector<16xf32>,
    %get3A_83 = arith.constant 0 : index
    %get3A_84 = tpu.vector_load %arg17[%get3A_83] {strides = array<i32>} : memref<128xf32, #tpu.memory_space<vmem>>, vector<16xf32>,
    %get3A_85 = arith.constant 16 : index
    %get3A_86 = tpu.vector_load %arg17[%get3A_85] {strides = array<i32>} : memref<128xf32, #tpu.memory_space<vmem>>, vector<16xf32>,
    %get3A_87 = arith.constant 32 : index
    %get3A_88 = tpu.vector_load %arg17[%get3A_87] {strides = array<i32>} : memref<128xf32, #tpu.memory_space<vmem>>, vector<16xf32>,
    %get3A_89 = arith.constant 48 : index
    %get3A_90 = tpu.vector_load %arg17[%get3A_89] {strides = array<i32>} : memref<128xf32, #tpu.memory_space<vmem>>, vector<16xf32>,
    %get3A_91 = arith.constant 64 : index
    %get3A_92 = tpu.vector_load %arg17[%get3A_91] {strides = array<i32>} : memref<128xf32, #tpu.memory_space<vmem>>, vector<16xf32>,
    %get3A_93 = arith.constant 80 : index
    %get3A_94 = tpu.vector_load %arg17[%get3A_93] {strides = array<i32>} : memref<128xf32, #tpu.memory_space<vmem>>, vector<16xf32>,
    %get3A_95 = arith.constant 96 : index
    %get3A_96 = tpu.vector_load %arg17[%get3A_95] {strides = array<i32>} : memref<128xf32, #tpu.memory_space<vmem>>, vector<16xf32>,
    %get3A_97 = arith.constant 112 : index
    %get3A_98 = tpu.vector_load %arg17[%get3A_97] {strides = array<i32>} : memref<128xf32, #tpu.memory_space<vmem>>, vector<16xf32>,
    %parallel_loop3A = arith.constant 0 : i32
    %parallel_loop3A_99 = arith.constant 128 : i32
    %parallel_loop3A_100 = arith.constant 1 : i32
    %parallel_loop3A_101 = arith.constant 0 : i32
    scf.for %parallel_loop3A_163 = %parallel_loop3A to %parallel_loop3A_99 step %parallel_loop3A_100  : i32 {
      %parallel_loop3A_164 = arith.constant 0 : i32
      %parallel_loop3A_165 = arith.constant 0 : i32
      %parallel_loop3A_166 = tpu.memref_slice %arg12[%parallel_loop3A_101, %parallel_loop3A_164, %parallel_loop3A_165] : memref<2x128x128xf32, #tpu.memory_space<vmem>> -> memref<1x128x128xf32, #tpu.memory_space<vmem>>
      %parallel_loop3A_167 = tpu.memref_squeeze %parallel_loop3A_166 : memref<1x128x128xf32, #tpu.memory_space<vmem>> -> memref<128x128xf32, #tpu.memory_space<vmem>>
      %parallel_loop3A_168 = arith.index_cast %parallel_loop3A_163 : i32 to index
      %parallel_loop3A_169 = arith.constant 0 : index
      %parallel_loop3A_170 = tpu.vector_load %parallel_loop3A_167[%parallel_loop3A_168, %parallel_loop3A_169] {strides = array<i32>} : memref<128x128xf32, #tpu.memory_space<vmem>>, vector<16xf32>,
      %parallel_loop3A_171 = arith.constant 0 : i32
      %parallel_loop3A_172 = arith.addi %parallel_loop3A_171, %parallel_loop3A_163 : i32
      %parallel_loop3A_173 = arith.constant 128 : i32
      %parallel_loop3A_174 = arith.muli %parallel_loop3A_172, %parallel_loop3A_173 : i32
      %parallel_loop3A_175 = arith.constant 0 : i32
      %parallel_loop3A_176 = arith.addi %parallel_loop3A_174, %parallel_loop3A_175 : i32
      %parallel_loop3A_177 = arith.addf %parallel_loop3A_170, %get3A_6 : vector<16xf32>
      %parallel_loop3A_178 = arith.index_cast %parallel_loop3A_176 : i32 to index
      %parallel_loop3A_179 = tpu.vector_load %arg14[%parallel_loop3A_178] {strides = array<i32>} : memref<51200xf32, #tpu.memory_space<vmem>>, vector<16xf32>,
      tpu.vector_store %arg14[%parallel_loop3A_178], %parallel_loop3A_177 {strides = array<i32>} : memref<51200xf32, #tpu.memory_space<vmem>>, vector<16xf32>,
      %parallel_loop3A_180 = arith.constant 200 : i32
      %parallel_loop3A_181 = arith.addi %parallel_loop3A_180, %parallel_loop3A_163 : i32
      %parallel_loop3A_182 = arith.constant 128 : i32
      %parallel_loop3A_183 = arith.muli %parallel_loop3A_181, %parallel_loop3A_182 : i32
      %parallel_loop3A_184 = arith.constant 0 : i32
      %parallel_loop3A_185 = arith.addi %parallel_loop3A_183, %parallel_loop3A_184 : i32
      %parallel_loop3A_186 = arith.addf %parallel_loop3A_170, %get3A_38 : vector<16xf32>
      %parallel_loop3A_187 = arith.index_cast %parallel_loop3A_185 : i32 to index
      %parallel_loop3A_188 = tpu.vector_load %arg14[%parallel_loop3A_187] {strides = array<i32>} : memref<51200xf32, #tpu.memory_space<vmem>>, vector<16xf32>,
      tpu.vector_store %arg14[%parallel_loop3A_187], %parallel_loop3A_186 {strides = array<i32>} : memref<51200xf32, #tpu.memory_space<vmem>>, vector<16xf32>,
      %parallel_loop3A_189 = arith.constant 0 : i32
      %parallel_loop3A_190 = arith.constant 0 : i32
      %parallel_loop3A_191 = tpu.memref_slice %arg12[%parallel_loop3A_101, %parallel_loop3A_189, %parallel_loop3A_190] : memref<2x128x128xf32, #tpu.memory_space<vmem>> -> memref<1x128x128xf32, #tpu.memory_space<vmem>>
      %parallel_loop3A_192 = tpu.memref_squeeze %parallel_loop3A_191 : memref<1x128x128xf32, #tpu.memory_space<vmem>> -> memref<128x128xf32, #tpu.memory_space<vmem>>
      %parallel_loop3A_193 = arith.index_cast %parallel_loop3A_163 : i32 to index
      %parallel_loop3A_194 = arith.constant 16 : index
      %parallel_loop3A_195 = tpu.vector_load %parallel_loop3A_192[%parallel_loop3A_193, %parallel_loop3A_194] {strides = array<i32>} : memref<128x128xf32, #tpu.memory_space<vmem>>, vector<16xf32>,
      %parallel_loop3A_196 = arith.constant 0 : i32
      %parallel_loop3A_197 = arith.addi %parallel_loop3A_196, %parallel_loop3A_163 : i32
      %parallel_loop3A_198 = arith.constant 128 : i32
      %parallel_loop3A_199 = arith.muli %parallel_loop3A_197, %parallel_loop3A_198 : i32
      %parallel_loop3A_200 = arith.constant 16 : i32
      %parallel_loop3A_201 = arith.addi %parallel_loop3A_199, %parallel_loop3A_200 : i32
      %parallel_loop3A_202 = arith.addf %parallel_loop3A_195, %get3A_10 : vector<16xf32>
      %parallel_loop3A_203 = arith.index_cast %parallel_loop3A_201 : i32 to index
      %parallel_loop3A_204 = tpu.vector_load %arg14[%parallel_loop3A_203] {strides = array<i32>} : memref<51200xf32, #tpu.memory_space<vmem>>, vector<16xf32>,
      tpu.vector_store %arg14[%parallel_loop3A_203], %parallel_loop3A_202 {strides = array<i32>} : memref<51200xf32, #tpu.memory_space<vmem>>, vector<16xf32>,
      %parallel_loop3A_205 = arith.constant 200 : i32
      %parallel_loop3A_206 = arith.addi %parallel_loop3A_205, %parallel_loop3A_163 : i32
      %parallel_loop3A_207 = arith.constant 128 : i32
      %parallel_loop3A_208 = arith.muli %parallel_loop3A_206, %parallel_loop3A_207 : i32
      %parallel_loop3A_209 = arith.constant 16 : i32
      %parallel_loop3A_210 = arith.addi %parallel_loop3A_208, %parallel_loop3A_209 : i32
      %parallel_loop3A_211 = arith.addf %parallel_loop3A_195, %get3A_42 : vector<16xf32>
      %parallel_loop3A_212 = arith.index_cast %parallel_loop3A_210 : i32 to index
      %parallel_loop3A_213 = tpu.vector_load %arg14[%parallel_loop3A_212] {strides = array<i32>} : memref<51200xf32, #tpu.memory_space<vmem>>, vector<16xf32>,
      tpu.vector_store %arg14[%parallel_loop3A_212], %parallel_loop3A_211 {strides = array<i32>} : memref<51200xf32, #tpu.memory_space<vmem>>, vector<16xf32>,
      %parallel_loop3A_214 = arith.constant 0 : i32
      %parallel_loop3A_215 = arith.constant 0 : i32
      %parallel_loop3A_216 = tpu.memref_slice %arg12[%parallel_loop3A_101, %parallel_loop3A_214, %parallel_loop3A_215] : memref<2x128x128xf32, #tpu.memory_space<vmem>> -> memref<1x128x128xf32, #tpu.memory_space<vmem>>
      %parallel_loop3A_217 = tpu.memref_squeeze %parallel_loop3A_216 : memref<1x128x128xf32, #tpu.memory_space<vmem>> -> memref<128x128xf32, #tpu.memory_space<vmem>>
      %parallel_loop3A_218 = arith.index_cast %parallel_loop3A_163 : i32 to index
      %parallel_loop3A_219 = arith.constant 32 : index
      %parallel_loop3A_220 = tpu.vector_load %parallel_loop3A_217[%parallel_loop3A_218, %parallel_loop3A_219] {strides = array<i32>} : memref<128x128xf32, #tpu.memory_space<vmem>>, vector<16xf32>,
      %parallel_loop3A_221 = arith.constant 0 : i32
      %parallel_loop3A_222 = arith.addi %parallel_loop3A_221, %parallel_loop3A_163 : i32
      %parallel_loop3A_223 = arith.constant 128 : i32
      %parallel_loop3A_224 = arith.muli %parallel_loop3A_222, %parallel_loop3A_223 : i32
      %parallel_loop3A_225 = arith.constant 32 : i32
      %parallel_loop3A_226 = arith.addi %parallel_loop3A_224, %parallel_loop3A_225 : i32
      %parallel_loop3A_227 = arith.addf %parallel_loop3A_220, %get3A_14 : vector<16xf32>
      %parallel_loop3A_228 = arith.index_cast %parallel_loop3A_226 : i32 to index
      %parallel_loop3A_229 = tpu.vector_load %arg14[%parallel_loop3A_228] {strides = array<i32>} : memref<51200xf32, #tpu.memory_space<vmem>>, vector<16xf32>,
      tpu.vector_store %arg14[%parallel_loop3A_228], %parallel_loop3A_227 {strides = array<i32>} : memref<51200xf32, #tpu.memory_space<vmem>>, vector<16xf32>,
      %parallel_loop3A_230 = arith.constant 200 : i32
      %parallel_loop3A_231 = arith.addi %parallel_loop3A_230, %parallel_loop3A_163 : i32
      %parallel_loop3A_232 = arith.constant 128 : i32
      %parallel_loop3A_233 = arith.muli %parallel_loop3A_231, %parallel_loop3A_232 : i32
      %parallel_loop3A_234 = arith.constant 32 : i32
      %parallel_loop3A_235 = arith.addi %parallel_loop3A_233, %parallel_loop3A_234 : i32
      %parallel_loop3A_236 = arith.addf %parallel_loop3A_220, %get3A_46 : vector<16xf32>
      %parallel_loop3A_237 = arith.index_cast %parallel_loop3A_235 : i32 to index
      %parallel_loop3A_238 = tpu.vector_load %arg14[%parallel_loop3A_237] {strides = array<i32>} : memref<51200xf32, #tpu.memory_space<vmem>>, vector<16xf32>,
      tpu.vector_store %arg14[%parallel_loop3A_237], %parallel_loop3A_236 {strides = array<i32>} : memref<51200xf32, #tpu.memory_space<vmem>>, vector<16xf32>,
      %parallel_loop3A_239 = arith.constant 0 : i32
      %parallel_loop3A_240 = arith.constant 0 : i32
      %parallel_loop3A_241 = tpu.memref_slice %arg12[%parallel_loop3A_101, %parallel_loop3A_239, %parallel_loop3A_240] : memref<2x128x128xf32, #tpu.memory_space<vmem>> -> memref<1x128x128xf32, #tpu.memory_space<vmem>>
      %parallel_loop3A_242 = tpu.memref_squeeze %parallel_loop3A_241 : memref<1x128x128xf32, #tpu.memory_space<vmem>> -> memref<128x128xf32, #tpu.memory_space<vmem>>
      %parallel_loop3A_243 = arith.index_cast %parallel_loop3A_163 : i32 to index
      %parallel_loop3A_244 = arith.constant 48 : index
      %parallel_loop3A_245 = tpu.vector_load %parallel_loop3A_242[%parallel_loop3A_243, %parallel_loop3A_244] {strides = array<i32>} : memref<128x128xf32, #tpu.memory_space<vmem>>, vector<16xf32>,
      %parallel_loop3A_246 = arith.constant 0 : i32
      %parallel_loop3A_247 = arith.addi %parallel_loop3A_246, %parallel_loop3A_163 : i32
      %parallel_loop3A_248 = arith.constant 128 : i32
      %parallel_loop3A_249 = arith.muli %parallel_loop3A_247, %parallel_loop3A_248 : i32
      %parallel_loop3A_250 = arith.constant 48 : i32
      %parallel_loop3A_251 = arith.addi %parallel_loop3A_249, %parallel_loop3A_250 : i32
      %parallel_loop3A_252 = arith.addf %parallel_loop3A_245, %get3A_18 : vector<16xf32>
      %parallel_loop3A_253 = arith.index_cast %parallel_loop3A_251 : i32 to index
      %parallel_loop3A_254 = tpu.vector_load %arg14[%parallel_loop3A_253] {strides = array<i32>} : memref<51200xf32, #tpu.memory_space<vmem>>, vector<16xf32>,
      tpu.vector_store %arg14[%parallel_loop3A_253], %parallel_loop3A_252 {strides = array<i32>} : memref<51200xf32, #tpu.memory_space<vmem>>, vector<16xf32>,
      %parallel_loop3A_255 = arith.constant 200 : i32
      %parallel_loop3A_256 = arith.addi %parallel_loop3A_255, %parallel_loop3A_163 : i32
      %parallel_loop3A_257 = arith.constant 128 : i32
      %parallel_loop3A_258 = arith.muli %parallel_loop3A_256, %parallel_loop3A_257 : i32
      %parallel_loop3A_259 = arith.constant 48 : i32
      %parallel_loop3A_260 = arith.addi %parallel_loop3A_258, %parallel_loop3A_259 : i32
      %parallel_loop3A_261 = arith.addf %parallel_loop3A_245, %get3A_50 : vector<16xf32>
      %parallel_loop3A_262 = arith.index_cast %parallel_loop3A_260 : i32 to index
      %parallel_loop3A_263 = tpu.vector_load %arg14[%parallel_loop3A_262] {strides = array<i32>} : memref<51200xf32, #tpu.memory_space<vmem>>, vector<16xf32>,
      tpu.vector_store %arg14[%parallel_loop3A_262], %parallel_loop3A_261 {strides = array<i32>} : memref<51200xf32, #tpu.memory_space<vmem>>, vector<16xf32>,
      %parallel_loop3A_264 = arith.constant 0 : i32
      %parallel_loop3A_265 = arith.constant 0 : i32
      %parallel_loop3A_266 = tpu.memref_slice %arg12[%parallel_loop3A_101, %parallel_loop3A_264, %parallel_loop3A_265] : memref<2x128x128xf32, #tpu.memory_space<vmem>> -> memref<1x128x128xf32, #tpu.memory_space<vmem>>
      %parallel_loop3A_267 = tpu.memref_squeeze %parallel_loop3A_266 : memref<1x128x128xf32, #tpu.memory_space<vmem>> -> memref<128x128xf32, #tpu.memory_space<vmem>>
      %parallel_loop3A_268 = arith.index_cast %parallel_loop3A_163 : i32 to index
      %parallel_loop3A_269 = arith.constant 64 : index
      %parallel_loop3A_270 = tpu.vector_load %parallel_loop3A_267[%parallel_loop3A_268, %parallel_loop3A_269] {strides = array<i32>} : memref<128x128xf32, #tpu.memory_space<vmem>>, vector<16xf32>,
      %parallel_loop3A_271 = arith.constant 0 : i32
      %parallel_loop3A_272 = arith.addi %parallel_loop3A_271, %parallel_loop3A_163 : i32
      %parallel_loop3A_273 = arith.constant 128 : i32
      %parallel_loop3A_274 = arith.muli %parallel_loop3A_272, %parallel_loop3A_273 : i32
      %parallel_loop3A_275 = arith.constant 64 : i32
      %parallel_loop3A_276 = arith.addi %parallel_loop3A_274, %parallel_loop3A_275 : i32
      %parallel_loop3A_277 = arith.addf %parallel_loop3A_270, %get3A_22 : vector<16xf32>
      %parallel_loop3A_278 = arith.index_cast %parallel_loop3A_276 : i32 to index
      %parallel_loop3A_279 = tpu.vector_load %arg14[%parallel_loop3A_278] {strides = array<i32>} : memref<51200xf32, #tpu.memory_space<vmem>>, vector<16xf32>,
      tpu.vector_store %arg14[%parallel_loop3A_278], %parallel_loop3A_277 {strides = array<i32>} : memref<51200xf32, #tpu.memory_space<vmem>>, vector<16xf32>,
      %parallel_loop3A_280 = arith.constant 200 : i32
      %parallel_loop3A_281 = arith.addi %parallel_loop3A_280, %parallel_loop3A_163 : i32
      %parallel_loop3A_282 = arith.constant 128 : i32
      %parallel_loop3A_283 = arith.muli %parallel_loop3A_281, %parallel_loop3A_282 : i32
      %parallel_loop3A_284 = arith.constant 64 : i32
      %parallel_loop3A_285 = arith.addi %parallel_loop3A_283, %parallel_loop3A_284 : i32
      %parallel_loop3A_286 = arith.addf %parallel_loop3A_270, %get3A_54 : vector<16xf32>
      %parallel_loop3A_287 = arith.index_cast %parallel_loop3A_285 : i32 to index
      %parallel_loop3A_288 = tpu.vector_load %arg14[%parallel_loop3A_287] {strides = array<i32>} : memref<51200xf32, #tpu.memory_space<vmem>>, vector<16xf32>,
      tpu.vector_store %arg14[%parallel_loop3A_287], %parallel_loop3A_286 {strides = array<i32>} : memref<51200xf32, #tpu.memory_space<vmem>>, vector<16xf32>,
      %parallel_loop3A_289 = arith.constant 0 : i32
      %parallel_loop3A_290 = arith.constant 0 : i32
      %parallel_loop3A_291 = tpu.memref_slice %arg12[%parallel_loop3A_101, %parallel_loop3A_289, %parallel_loop3A_290] : memref<2x128x128xf32, #tpu.memory_space<vmem>> -> memref<1x128x128xf32, #tpu.memory_space<vmem>>
      %parallel_loop3A_292 = tpu.memref_squeeze %parallel_loop3A_291 : memref<1x128x128xf32, #tpu.memory_space<vmem>> -> memref<128x128xf32, #tpu.memory_space<vmem>>
      %parallel_loop3A_293 = arith.index_cast %parallel_loop3A_163 : i32 to index
      %parallel_loop3A_294 = arith.constant 80 : index
      %parallel_loop3A_295 = tpu.vector_load %parallel_loop3A_292[%parallel_loop3A_293, %parallel_loop3A_294] {strides = array<i32>} : memref<128x128xf32, #tpu.memory_space<vmem>>, vector<16xf32>,
      %parallel_loop3A_296 = arith.constant 0 : i32
      %parallel_loop3A_297 = arith.addi %parallel_loop3A_296, %parallel_loop3A_163 : i32
      %parallel_loop3A_298 = arith.constant 128 : i32
      %parallel_loop3A_299 = arith.muli %parallel_loop3A_297, %parallel_loop3A_298 : i32
      %parallel_loop3A_300 = arith.constant 80 : i32
      %parallel_loop3A_301 = arith.addi %parallel_loop3A_299, %parallel_loop3A_300 : i32
      %parallel_loop3A_302 = arith.addf %parallel_loop3A_295, %get3A_26 : vector<16xf32>
      %parallel_loop3A_303 = arith.index_cast %parallel_loop3A_301 : i32 to index
      %parallel_loop3A_304 = tpu.vector_load %arg14[%parallel_loop3A_303] {strides = array<i32>} : memref<51200xf32, #tpu.memory_space<vmem>>, vector<16xf32>,
      tpu.vector_store %arg14[%parallel_loop3A_303], %parallel_loop3A_302 {strides = array<i32>} : memref<51200xf32, #tpu.memory_space<vmem>>, vector<16xf32>,
      %parallel_loop3A_305 = arith.constant 200 : i32
      %parallel_loop3A_306 = arith.addi %parallel_loop3A_305, %parallel_loop3A_163 : i32
      %parallel_loop3A_307 = arith.constant 128 : i32
      %parallel_loop3A_308 = arith.muli %parallel_loop3A_306, %parallel_loop3A_307 : i32
      %parallel_loop3A_309 = arith.constant 80 : i32
      %parallel_loop3A_310 = arith.addi %parallel_loop3A_308, %parallel_loop3A_309 : i32
      %parallel_loop3A_311 = arith.addf %parallel_loop3A_295, %get3A_58 : vector<16xf32>
      %parallel_loop3A_312 = arith.index_cast %parallel_loop3A_310 : i32 to index
      %parallel_loop3A_313 = tpu.vector_load %arg14[%parallel_loop3A_312] {strides = array<i32>} : memref<51200xf32, #tpu.memory_space<vmem>>, vector<16xf32>,
      tpu.vector_store %arg14[%parallel_loop3A_312], %parallel_loop3A_311 {strides = array<i32>} : memref<51200xf32, #tpu.memory_space<vmem>>, vector<16xf32>,
      %parallel_loop3A_314 = arith.constant 0 : i32
      %parallel_loop3A_315 = arith.constant 0 : i32
      %parallel_loop3A_316 = tpu.memref_slice %arg12[%parallel_loop3A_101, %parallel_loop3A_314, %parallel_loop3A_315] : memref<2x128x128xf32, #tpu.memory_space<vmem>> -> memref<1x128x128xf32, #tpu.memory_space<vmem>>
      %parallel_loop3A_317 = tpu.memref_squeeze %parallel_loop3A_316 : memref<1x128x128xf32, #tpu.memory_space<vmem>> -> memref<128x128xf32, #tpu.memory_space<vmem>>
      %parallel_loop3A_318 = arith.index_cast %parallel_loop3A_163 : i32 to index
      %parallel_loop3A_319 = arith.constant 96 : index
      %parallel_loop3A_320 = tpu.vector_load %parallel_loop3A_317[%parallel_loop3A_318, %parallel_loop3A_319] {strides = array<i32>} : memref<128x128xf32, #tpu.memory_space<vmem>>, vector<16xf32>,
      %parallel_loop3A_321 = arith.constant 0 : i32
      %parallel_loop3A_322 = arith.addi %parallel_loop3A_321, %parallel_loop3A_163 : i32
      %parallel_loop3A_323 = arith.constant 128 : i32
      %parallel_loop3A_324 = arith.muli %parallel_loop3A_322, %parallel_loop3A_323 : i32
      %parallel_loop3A_325 = arith.constant 96 : i32
      %parallel_loop3A_326 = arith.addi %parallel_loop3A_324, %parallel_loop3A_325 : i32
      %parallel_loop3A_327 = arith.addf %parallel_loop3A_320, %get3A_30 : vector<16xf32>
      %parallel_loop3A_328 = arith.index_cast %parallel_loop3A_326 : i32 to index
      %parallel_loop3A_329 = tpu.vector_load %arg14[%parallel_loop3A_328] {strides = array<i32>} : memref<51200xf32, #tpu.memory_space<vmem>>, vector<16xf32>,
      tpu.vector_store %arg14[%parallel_loop3A_328], %parallel_loop3A_327 {strides = array<i32>} : memref<51200xf32, #tpu.memory_space<vmem>>, vector<16xf32>,
      %parallel_loop3A_330 = arith.constant 200 : i32
      %parallel_loop3A_331 = arith.addi %parallel_loop3A_330, %parallel_loop3A_163 : i32
      %parallel_loop3A_332 = arith.constant 128 : i32
      %parallel_loop3A_333 = arith.muli %parallel_loop3A_331, %parallel_loop3A_332 : i32
      %parallel_loop3A_334 = arith.constant 96 : i32
      %parallel_loop3A_335 = arith.addi %parallel_loop3A_333, %parallel_loop3A_334 : i32
      %parallel_loop3A_336 = arith.addf %parallel_loop3A_320, %get3A_62 : vector<16xf32>
      %parallel_loop3A_337 = arith.index_cast %parallel_loop3A_335 : i32 to index
      %parallel_loop3A_338 = tpu.vector_load %arg14[%parallel_loop3A_337] {strides = array<i32>} : memref<51200xf32, #tpu.memory_space<vmem>>, vector<16xf32>,
      tpu.vector_store %arg14[%parallel_loop3A_337], %parallel_loop3A_336 {strides = array<i32>} : memref<51200xf32, #tpu.memory_space<vmem>>, vector<16xf32>,
      %parallel_loop3A_339 = arith.constant 0 : i32
      %parallel_loop3A_340 = arith.constant 0 : i32
      %parallel_loop3A_341 = tpu.memref_slice %arg12[%parallel_loop3A_101, %parallel_loop3A_339, %parallel_loop3A_340] : memref<2x128x128xf32, #tpu.memory_space<vmem>> -> memref<1x128x128xf32, #tpu.memory_space<vmem>>
      %parallel_loop3A_342 = tpu.memref_squeeze %parallel_loop3A_341 : memref<1x128x128xf32, #tpu.memory_space<vmem>> -> memref<128x128xf32, #tpu.memory_space<vmem>>
      %parallel_loop3A_343 = arith.index_cast %parallel_loop3A_163 : i32 to index
      %parallel_loop3A_344 = arith.constant 112 : index
      %parallel_loop3A_345 = tpu.vector_load %parallel_loop3A_342[%parallel_loop3A_343, %parallel_loop3A_344] {strides = array<i32>} : memref<128x128xf32, #tpu.memory_space<vmem>>, vector<16xf32>,
      %parallel_loop3A_346 = arith.constant 0 : i32
      %parallel_loop3A_347 = arith.addi %parallel_loop3A_346, %parallel_loop3A_163 : i32
      %parallel_loop3A_348 = arith.constant 128 : i32
      %parallel_loop3A_349 = arith.muli %parallel_loop3A_347, %parallel_loop3A_348 : i32
      %parallel_loop3A_350 = arith.constant 112 : i32
      %parallel_loop3A_351 = arith.addi %parallel_loop3A_349, %parallel_loop3A_350 : i32
      %parallel_loop3A_352 = arith.addf %parallel_loop3A_345, %get3A_34 : vector<16xf32>
      %parallel_loop3A_353 = arith.index_cast %parallel_loop3A_351 : i32 to index
      %parallel_loop3A_354 = tpu.vector_load %arg14[%parallel_loop3A_353] {strides = array<i32>} : memref<51200xf32, #tpu.memory_space<vmem>>, vector<16xf32>,
      tpu.vector_store %arg14[%parallel_loop3A_353], %parallel_loop3A_352 {strides = array<i32>} : memref<51200xf32, #tpu.memory_space<vmem>>, vector<16xf32>,
      %parallel_loop3A_355 = arith.constant 200 : i32
      %parallel_loop3A_356 = arith.addi %parallel_loop3A_355, %parallel_loop3A_163 : i32
      %parallel_loop3A_357 = arith.constant 128 : i32
      %parallel_loop3A_358 = arith.muli %parallel_loop3A_356, %parallel_loop3A_357 : i32
      %parallel_loop3A_359 = arith.constant 112 : i32
      %parallel_loop3A_360 = arith.addi %parallel_loop3A_358, %parallel_loop3A_359 : i32
      %parallel_loop3A_361 = arith.addf %parallel_loop3A_345, %get3A_66 : vector<16xf32>
      %parallel_loop3A_362 = arith.index_cast %parallel_loop3A_360 : i32 to index
      %parallel_loop3A_363 = tpu.vector_load %arg14[%parallel_loop3A_362] {strides = array<i32>} : memref<51200xf32, #tpu.memory_space<vmem>>, vector<16xf32>,
      tpu.vector_store %arg14[%parallel_loop3A_362], %parallel_loop3A_361 {strides = array<i32>} : memref<51200xf32, #tpu.memory_space<vmem>>, vector<16xf32>,
    } {sc.loop_unroll_factor = 1 : i64, sc.parallel_access}
    %parallel_loop3A_102 = arith.constant 0 : i32
    %parallel_loop3A_103 = arith.constant 72 : i32
    %parallel_loop3A_104 = arith.constant 1 : i32
    %parallel_loop3A_105 = arith.constant 1 : i32
    scf.for %parallel_loop3A_163 = %parallel_loop3A_102 to %parallel_loop3A_103 step %parallel_loop3A_104  : i32 {
      %parallel_loop3A_164 = arith.constant 0 : i32
      %parallel_loop3A_165 = arith.constant 0 : i32
      %parallel_loop3A_166 = tpu.memref_slice %arg12[%parallel_loop3A_105, %parallel_loop3A_164, %parallel_loop3A_165] : memref<2x128x128xf32, #tpu.memory_space<vmem>> -> memref<1x128x128xf32, #tpu.memory_space<vmem>>
      %parallel_loop3A_167 = tpu.memref_squeeze %parallel_loop3A_166 : memref<1x128x128xf32, #tpu.memory_space<vmem>> -> memref<128x128xf32, #tpu.memory_space<vmem>>
      %parallel_loop3A_168 = arith.index_cast %parallel_loop3A_163 : i32 to index
      %parallel_loop3A_169 = arith.constant 0 : index
      %parallel_loop3A_170 = tpu.vector_load %parallel_loop3A_167[%parallel_loop3A_168, %parallel_loop3A_169] {strides = array<i32>} : memref<128x128xf32, #tpu.memory_space<vmem>>, vector<16xf32>,
      %parallel_loop3A_171 = arith.constant 128 : i32
      %parallel_loop3A_172 = arith.addi %parallel_loop3A_171, %parallel_loop3A_163 : i32
      %parallel_loop3A_173 = arith.constant 128 : i32
      %parallel_loop3A_174 = arith.muli %parallel_loop3A_172, %parallel_loop3A_173 : i32
      %parallel_loop3A_175 = arith.constant 0 : i32
      %parallel_loop3A_176 = arith.addi %parallel_loop3A_174, %parallel_loop3A_175 : i32
      %parallel_loop3A_177 = arith.addf %parallel_loop3A_170, %get3A_6 : vector<16xf32>
      %parallel_loop3A_178 = arith.index_cast %parallel_loop3A_176 : i32 to index
      %parallel_loop3A_179 = tpu.vector_load %arg14[%parallel_loop3A_178] {strides = array<i32>} : memref<51200xf32, #tpu.memory_space<vmem>>, vector<16xf32>,
      tpu.vector_store %arg14[%parallel_loop3A_178], %parallel_loop3A_177 {strides = array<i32>} : memref<51200xf32, #tpu.memory_space<vmem>>, vector<16xf32>,
      %parallel_loop3A_180 = arith.constant 328 : i32
      %parallel_loop3A_181 = arith.addi %parallel_loop3A_180, %parallel_loop3A_163 : i32
      %parallel_loop3A_182 = arith.constant 128 : i32
      %parallel_loop3A_183 = arith.muli %parallel_loop3A_181, %parallel_loop3A_182 : i32
      %parallel_loop3A_184 = arith.constant 0 : i32
      %parallel_loop3A_185 = arith.addi %parallel_loop3A_183, %parallel_loop3A_184 : i32
      %parallel_loop3A_186 = arith.addf %parallel_loop3A_170, %get3A_38 : vector<16xf32>
      %parallel_loop3A_187 = arith.index_cast %parallel_loop3A_185 : i32 to index
      %parallel_loop3A_188 = tpu.vector_load %arg14[%parallel_loop3A_187] {strides = array<i32>} : memref<51200xf32, #tpu.memory_space<vmem>>, vector<16xf32>,
      tpu.vector_store %arg14[%parallel_loop3A_187], %parallel_loop3A_186 {strides = array<i32>} : memref<51200xf32, #tpu.memory_space<vmem>>, vector<16xf32>,
      %parallel_loop3A_189 = arith.constant 0 : i32
      %parallel_loop3A_190 = arith.constant 0 : i32
      %parallel_loop3A_191 = tpu.memref_slice %arg12[%parallel_loop3A_105, %parallel_loop3A_189, %parallel_loop3A_190] : memref<2x128x128xf32, #tpu.memory_space<vmem>> -> memref<1x128x128xf32, #tpu.memory_space<vmem>>
      %parallel_loop3A_192 = tpu.memref_squeeze %parallel_loop3A_191 : memref<1x128x128xf32, #tpu.memory_space<vmem>> -> memref<128x128xf32, #tpu.memory_space<vmem>>
      %parallel_loop3A_193 = arith.index_cast %parallel_loop3A_163 : i32 to index
      %parallel_loop3A_194 = arith.constant 16 : index
      %parallel_loop3A_195 = tpu.vector_load %parallel_loop3A_192[%parallel_loop3A_193, %parallel_loop3A_194] {strides = array<i32>} : memref<128x128xf32, #tpu.memory_space<vmem>>, vector<16xf32>,
      %parallel_loop3A_196 = arith.constant 128 : i32
      %parallel_loop3A_197 = arith.addi %parallel_loop3A_196, %parallel_loop3A_163 : i32
      %parallel_loop3A_198 = arith.constant 128 : i32
      %parallel_loop3A_199 = arith.muli %parallel_loop3A_197, %parallel_loop3A_198 : i32
      %parallel_loop3A_200 = arith.constant 16 : i32
      %parallel_loop3A_201 = arith.addi %parallel_loop3A_199, %parallel_loop3A_200 : i32
      %parallel_loop3A_202 = arith.addf %parallel_loop3A_195, %get3A_10 : vector<16xf32>
      %parallel_loop3A_203 = arith.index_cast %parallel_loop3A_201 : i32 to index
      %parallel_loop3A_204 = tpu.vector_load %arg14[%parallel_loop3A_203] {strides = array<i32>} : memref<51200xf32, #tpu.memory_space<vmem>>, vector<16xf32>,
      tpu.vector_store %arg14[%parallel_loop3A_203], %parallel_loop3A_202 {strides = array<i32>} : memref<51200xf32, #tpu.memory_space<vmem>>, vector<16xf32>,
      %parallel_loop3A_205 = arith.constant 328 : i32
      %parallel_loop3A_206 = arith.addi %parallel_loop3A_205, %parallel_loop3A_163 : i32
      %parallel_loop3A_207 = arith.constant 128 : i32
      %parallel_loop3A_208 = arith.muli %parallel_loop3A_206, %parallel_loop3A_207 : i32
      %parallel_loop3A_209 = arith.constant 16 : i32
      %parallel_loop3A_210 = arith.addi %parallel_loop3A_208, %parallel_loop3A_209 : i32
      %parallel_loop3A_211 = arith.addf %parallel_loop3A_195, %get3A_42 : vector<16xf32>
      %parallel_loop3A_212 = arith.index_cast %parallel_loop3A_210 : i32 to index
      %parallel_loop3A_213 = tpu.vector_load %arg14[%parallel_loop3A_212] {strides = array<i32>} : memref<51200xf32, #tpu.memory_space<vmem>>, vector<16xf32>,
      tpu.vector_store %arg14[%parallel_loop3A_212], %parallel_loop3A_211 {strides = array<i32>} : memref<51200xf32, #tpu.memory_space<vmem>>, vector<16xf32>,
      %parallel_loop3A_214 = arith.constant 0 : i32
      %parallel_loop3A_215 = arith.constant 0 : i32
      %parallel_loop3A_216 = tpu.memref_slice %arg12[%parallel_loop3A_105, %parallel_loop3A_214, %parallel_loop3A_215] : memref<2x128x128xf32, #tpu.memory_space<vmem>> -> memref<1x128x128xf32, #tpu.memory_space<vmem>>
      %parallel_loop3A_217 = tpu.memref_squeeze %parallel_loop3A_216 : memref<1x128x128xf32, #tpu.memory_space<vmem>> -> memref<128x128xf32, #tpu.memory_space<vmem>>
      %parallel_loop3A_218 = arith.index_cast %parallel_loop3A_163 : i32 to index
      %parallel_loop3A_219 = arith.constant 32 : index
      %parallel_loop3A_220 = tpu.vector_load %parallel_loop3A_217[%parallel_loop3A_218, %parallel_loop3A_219] {strides = array<i32>} : memref<128x128xf32, #tpu.memory_space<vmem>>, vector<16xf32>,
      %parallel_loop3A_221 = arith.constant 128 : i32
      %parallel_loop3A_222 = arith.addi %parallel_loop3A_221, %parallel_loop3A_163 : i32
      %parallel_loop3A_223 = arith.constant 128 : i32
      %parallel_loop3A_224 = arith.muli %parallel_loop3A_222, %parallel_loop3A_223 : i32
      %parallel_loop3A_225 = arith.constant 32 : i32
      %parallel_loop3A_226 = arith.addi %parallel_loop3A_224, %parallel_loop3A_225 : i32
      %parallel_loop3A_227 = arith.addf %parallel_loop3A_220, %get3A_14 : vector<16xf32>
      %parallel_loop3A_228 = arith.index_cast %parallel_loop3A_226 : i32 to index
      %parallel_loop3A_229 = tpu.vector_load %arg14[%parallel_loop3A_228] {strides = array<i32>} : memref<51200xf32, #tpu.memory_space<vmem>>, vector<16xf32>,
      tpu.vector_store %arg14[%parallel_loop3A_228], %parallel_loop3A_227 {strides = array<i32>} : memref<51200xf32, #tpu.memory_space<vmem>>, vector<16xf32>,
      %parallel_loop3A_230 = arith.constant 328 : i32
      %parallel_loop3A_231 = arith.addi %parallel_loop3A_230, %parallel_loop3A_163 : i32
      %parallel_loop3A_232 = arith.constant 128 : i32
      %parallel_loop3A_233 = arith.muli %parallel_loop3A_231, %parallel_loop3A_232 : i32
      %parallel_loop3A_234 = arith.constant 32 : i32
      %parallel_loop3A_235 = arith.addi %parallel_loop3A_233, %parallel_loop3A_234 : i32
      %parallel_loop3A_236 = arith.addf %parallel_loop3A_220, %get3A_46 : vector<16xf32>
      %parallel_loop3A_237 = arith.index_cast %parallel_loop3A_235 : i32 to index
      %parallel_loop3A_238 = tpu.vector_load %arg14[%parallel_loop3A_237] {strides = array<i32>} : memref<51200xf32, #tpu.memory_space<vmem>>, vector<16xf32>,
      tpu.vector_store %arg14[%parallel_loop3A_237], %parallel_loop3A_236 {strides = array<i32>} : memref<51200xf32, #tpu.memory_space<vmem>>, vector<16xf32>,
      %parallel_loop3A_239 = arith.constant 0 : i32
      %parallel_loop3A_240 = arith.constant 0 : i32
      %parallel_loop3A_241 = tpu.memref_slice %arg12[%parallel_loop3A_105, %parallel_loop3A_239, %parallel_loop3A_240] : memref<2x128x128xf32, #tpu.memory_space<vmem>> -> memref<1x128x128xf32, #tpu.memory_space<vmem>>
      %parallel_loop3A_242 = tpu.memref_squeeze %parallel_loop3A_241 : memref<1x128x128xf32, #tpu.memory_space<vmem>> -> memref<128x128xf32, #tpu.memory_space<vmem>>
      %parallel_loop3A_243 = arith.index_cast %parallel_loop3A_163 : i32 to index
      %parallel_loop3A_244 = arith.constant 48 : index
      %parallel_loop3A_245 = tpu.vector_load %parallel_loop3A_242[%parallel_loop3A_243, %parallel_loop3A_244] {strides = array<i32>} : memref<128x128xf32, #tpu.memory_space<vmem>>, vector<16xf32>,
      %parallel_loop3A_246 = arith.constant 128 : i32
      %parallel_loop3A_247 = arith.addi %parallel_loop3A_246, %parallel_loop3A_163 : i32
      %parallel_loop3A_248 = arith.constant 128 : i32
      %parallel_loop3A_249 = arith.muli %parallel_loop3A_247, %parallel_loop3A_248 : i32
      %parallel_loop3A_250 = arith.constant 48 : i32
      %parallel_loop3A_251 = arith.addi %parallel_loop3A_249, %parallel_loop3A_250 : i32
      %parallel_loop3A_252 = arith.addf %parallel_loop3A_245, %get3A_18 : vector<16xf32>
      %parallel_loop3A_253 = arith.index_cast %parallel_loop3A_251 : i32 to index
      %parallel_loop3A_254 = tpu.vector_load %arg14[%parallel_loop3A_253] {strides = array<i32>} : memref<51200xf32, #tpu.memory_space<vmem>>, vector<16xf32>,
      tpu.vector_store %arg14[%parallel_loop3A_253], %parallel_loop3A_252 {strides = array<i32>} : memref<51200xf32, #tpu.memory_space<vmem>>, vector<16xf32>,
      %parallel_loop3A_255 = arith.constant 328 : i32
      %parallel_loop3A_256 = arith.addi %parallel_loop3A_255, %parallel_loop3A_163 : i32
      %parallel_loop3A_257 = arith.constant 128 : i32
      %parallel_loop3A_258 = arith.muli %parallel_loop3A_256, %parallel_loop3A_257 : i32
      %parallel_loop3A_259 = arith.constant 48 : i32
      %parallel_loop3A_260 = arith.addi %parallel_loop3A_258, %parallel_loop3A_259 : i32
      %parallel_loop3A_261 = arith.addf %parallel_loop3A_245, %get3A_50 : vector<16xf32>
      %parallel_loop3A_262 = arith.index_cast %parallel_loop3A_260 : i32 to index
      %parallel_loop3A_263 = tpu.vector_load %arg14[%parallel_loop3A_262] {strides = array<i32>} : memref<51200xf32, #tpu.memory_space<vmem>>, vector<16xf32>,
      tpu.vector_store %arg14[%parallel_loop3A_262], %parallel_loop3A_261 {strides = array<i32>} : memref<51200xf32, #tpu.memory_space<vmem>>, vector<16xf32>,
      %parallel_loop3A_264 = arith.constant 0 : i32
      %parallel_loop3A_265 = arith.constant 0 : i32
      %parallel_loop3A_266 = tpu.memref_slice %arg12[%parallel_loop3A_105, %parallel_loop3A_264, %parallel_loop3A_265] : memref<2x128x128xf32, #tpu.memory_space<vmem>> -> memref<1x128x128xf32, #tpu.memory_space<vmem>>
      %parallel_loop3A_267 = tpu.memref_squeeze %parallel_loop3A_266 : memref<1x128x128xf32, #tpu.memory_space<vmem>> -> memref<128x128xf32, #tpu.memory_space<vmem>>
      %parallel_loop3A_268 = arith.index_cast %parallel_loop3A_163 : i32 to index
      %parallel_loop3A_269 = arith.constant 64 : index
      %parallel_loop3A_270 = tpu.vector_load %parallel_loop3A_267[%parallel_loop3A_268, %parallel_loop3A_269] {strides = array<i32>} : memref<128x128xf32, #tpu.memory_space<vmem>>, vector<16xf32>,
      %parallel_loop3A_271 = arith.constant 128 : i32
      %parallel_loop3A_272 = arith.addi %parallel_loop3A_271, %parallel_loop3A_163 : i32
      %parallel_loop3A_273 = arith.constant 128 : i32
      %parallel_loop3A_274 = arith.muli %parallel_loop3A_272, %parallel_loop3A_273 : i32
      %parallel_loop3A_275 = arith.constant 64 : i32
      %parallel_loop3A_276 = arith.addi %parallel_loop3A_274, %parallel_loop3A_275 : i32
      %parallel_loop3A_277 = arith.addf %parallel_loop3A_270, %get3A_22 : vector<16xf32>
      %parallel_loop3A_278 = arith.index_cast %parallel_loop3A_276 : i32 to index
      %parallel_loop3A_279 = tpu.vector_load %arg14[%parallel_loop3A_278] {strides = array<i32>} : memref<51200xf32, #tpu.memory_space<vmem>>, vector<16xf32>,
      tpu.vector_store %arg14[%parallel_loop3A_278], %parallel_loop3A_277 {strides = array<i32>} : memref<51200xf32, #tpu.memory_space<vmem>>, vector<16xf32>,
      %parallel_loop3A_280 = arith.constant 328 : i32
      %parallel_loop3A_281 = arith.addi %parallel_loop3A_280, %parallel_loop3A_163 : i32
      %parallel_loop3A_282 = arith.constant 128 : i32
      %parallel_loop3A_283 = arith.muli %parallel_loop3A_281, %parallel_loop3A_282 : i32
      %parallel_loop3A_284 = arith.constant 64 : i32
      %parallel_loop3A_285 = arith.addi %parallel_loop3A_283, %parallel_loop3A_284 : i32
      %parallel_loop3A_286 = arith.addf %parallel_loop3A_270, %get3A_54 : vector<16xf32>
      %parallel_loop3A_287 = arith.index_cast %parallel_loop3A_285 : i32 to index
      %parallel_loop3A_288 = tpu.vector_load %arg14[%parallel_loop3A_287] {strides = array<i32>} : memref<51200xf32, #tpu.memory_space<vmem>>, vector<16xf32>,
      tpu.vector_store %arg14[%parallel_loop3A_287], %parallel_loop3A_286 {strides = array<i32>} : memref<51200xf32, #tpu.memory_space<vmem>>, vector<16xf32>,
      %parallel_loop3A_289 = arith.constant 0 : i32
      %parallel_loop3A_290 = arith.constant 0 : i32
      %parallel_loop3A_291 = tpu.memref_slice %arg12[%parallel_loop3A_105, %parallel_loop3A_289, %parallel_loop3A_290] : memref<2x128x128xf32, #tpu.memory_space<vmem>> -> memref<1x128x128xf32, #tpu.memory_space<vmem>>
      %parallel_loop3A_292 = tpu.memref_squeeze %parallel_loop3A_291 : memref<1x128x128xf32, #tpu.memory_space<vmem>> -> memref<128x128xf32, #tpu.memory_space<vmem>>
      %parallel_loop3A_293 = arith.index_cast %parallel_loop3A_163 : i32 to index
      %parallel_loop3A_294 = arith.constant 80 : index
      %parallel_loop3A_295 = tpu.vector_load %parallel_loop3A_292[%parallel_loop3A_293, %parallel_loop3A_294] {strides = array<i32>} : memref<128x128xf32, #tpu.memory_space<vmem>>, vector<16xf32>,
      %parallel_loop3A_296 = arith.constant 128 : i32
      %parallel_loop3A_297 = arith.addi %parallel_loop3A_296, %parallel_loop3A_163 : i32
      %parallel_loop3A_298 = arith.constant 128 : i32
      %parallel_loop3A_299 = arith.muli %parallel_loop3A_297, %parallel_loop3A_298 : i32
      %parallel_loop3A_300 = arith.constant 80 : i32
      %parallel_loop3A_301 = arith.addi %parallel_loop3A_299, %parallel_loop3A_300 : i32
      %parallel_loop3A_302 = arith.addf %parallel_loop3A_295, %get3A_26 : vector<16xf32>
      %parallel_loop3A_303 = arith.index_cast %parallel_loop3A_301 : i32 to index
      %parallel_loop3A_304 = tpu.vector_load %arg14[%parallel_loop3A_303] {strides = array<i32>} : memref<51200xf32, #tpu.memory_space<vmem>>, vector<16xf32>,
      tpu.vector_store %arg14[%parallel_loop3A_303], %parallel_loop3A_302 {strides = array<i32>} : memref<51200xf32, #tpu.memory_space<vmem>>, vector<16xf32>,
      %parallel_loop3A_305 = arith.constant 328 : i32
      %parallel_loop3A_306 = arith.addi %parallel_loop3A_305, %parallel_loop3A_163 : i32
      %parallel_loop3A_307 = arith.constant 128 : i32
      %parallel_loop3A_308 = arith.muli %parallel_loop3A_306, %parallel_loop3A_307 : i32
      %parallel_loop3A_309 = arith.constant 80 : i32
      %parallel_loop3A_310 = arith.addi %parallel_loop3A_308, %parallel_loop3A_309 : i32
      %parallel_loop3A_311 = arith.addf %parallel_loop3A_295, %get3A_58 : vector<16xf32>
      %parallel_loop3A_312 = arith.index_cast %parallel_loop3A_310 : i32 to index
      %parallel_loop3A_313 = tpu.vector_load %arg14[%parallel_loop3A_312] {strides = array<i32>} : memref<51200xf32, #tpu.memory_space<vmem>>, vector<16xf32>,
      tpu.vector_store %arg14[%parallel_loop3A_312], %parallel_loop3A_311 {strides = array<i32>} : memref<51200xf32, #tpu.memory_space<vmem>>, vector<16xf32>,
      %parallel_loop3A_314 = arith.constant 0 : i32
      %parallel_loop3A_315 = arith.constant 0 : i32
      %parallel_loop3A_316 = tpu.memref_slice %arg12[%parallel_loop3A_105, %parallel_loop3A_314, %parallel_loop3A_315] : memref<2x128x128xf32, #tpu.memory_space<vmem>> -> memref<1x128x128xf32, #tpu.memory_space<vmem>>
      %parallel_loop3A_317 = tpu.memref_squeeze %parallel_loop3A_316 : memref<1x128x128xf32, #tpu.memory_space<vmem>> -> memref<128x128xf32, #tpu.memory_space<vmem>>
      %parallel_loop3A_318 = arith.index_cast %parallel_loop3A_163 : i32 to index
      %parallel_loop3A_319 = arith.constant 96 : index
      %parallel_loop3A_320 = tpu.vector_load %parallel_loop3A_317[%parallel_loop3A_318, %parallel_loop3A_319] {strides = array<i32>} : memref<128x128xf32, #tpu.memory_space<vmem>>, vector<16xf32>,
      %parallel_loop3A_321 = arith.constant 128 : i32
      %parallel_loop3A_322 = arith.addi %parallel_loop3A_321, %parallel_loop3A_163 : i32
      %parallel_loop3A_323 = arith.constant 128 : i32
      %parallel_loop3A_324 = arith.muli %parallel_loop3A_322, %parallel_loop3A_323 : i32
      %parallel_loop3A_325 = arith.constant 96 : i32
      %parallel_loop3A_326 = arith.addi %parallel_loop3A_324, %parallel_loop3A_325 : i32
      %parallel_loop3A_327 = arith.addf %parallel_loop3A_320, %get3A_30 : vector<16xf32>
      %parallel_loop3A_328 = arith.index_cast %parallel_loop3A_326 : i32 to index
      %parallel_loop3A_329 = tpu.vector_load %arg14[%parallel_loop3A_328] {strides = array<i32>} : memref<51200xf32, #tpu.memory_space<vmem>>, vector<16xf32>,
      tpu.vector_store %arg14[%parallel_loop3A_328], %parallel_loop3A_327 {strides = array<i32>} : memref<51200xf32, #tpu.memory_space<vmem>>, vector<16xf32>,
      %parallel_loop3A_330 = arith.constant 328 : i32
      %parallel_loop3A_331 = arith.addi %parallel_loop3A_330, %parallel_loop3A_163 : i32
      %parallel_loop3A_332 = arith.constant 128 : i32
      %parallel_loop3A_333 = arith.muli %parallel_loop3A_331, %parallel_loop3A_332 : i32
      %parallel_loop3A_334 = arith.constant 96 : i32
      %parallel_loop3A_335 = arith.addi %parallel_loop3A_333, %parallel_loop3A_334 : i32
      %parallel_loop3A_336 = arith.addf %parallel_loop3A_320, %get3A_62 : vector<16xf32>
      %parallel_loop3A_337 = arith.index_cast %parallel_loop3A_335 : i32 to index
      %parallel_loop3A_338 = tpu.vector_load %arg14[%parallel_loop3A_337] {strides = array<i32>} : memref<51200xf32, #tpu.memory_space<vmem>>, vector<16xf32>,
      tpu.vector_store %arg14[%parallel_loop3A_337], %parallel_loop3A_336 {strides = array<i32>} : memref<51200xf32, #tpu.memory_space<vmem>>, vector<16xf32>,
      %parallel_loop3A_339 = arith.constant 0 : i32
      %parallel_loop3A_340 = arith.constant 0 : i32
      %parallel_loop3A_341 = tpu.memref_slice %arg12[%parallel_loop3A_105, %parallel_loop3A_339, %parallel_loop3A_340] : memref<2x128x128xf32, #tpu.memory_space<vmem>> -> memref<1x128x128xf32, #tpu.memory_space<vmem>>
      %parallel_loop3A_342 = tpu.memref_squeeze %parallel_loop3A_341 : memref<1x128x128xf32, #tpu.memory_space<vmem>> -> memref<128x128xf32, #tpu.memory_space<vmem>>
      %parallel_loop3A_343 = arith.index_cast %parallel_loop3A_163 : i32 to index
      %parallel_loop3A_344 = arith.constant 112 : index
      %parallel_loop3A_345 = tpu.vector_load %parallel_loop3A_342[%parallel_loop3A_343, %parallel_loop3A_344] {strides = array<i32>} : memref<128x128xf32, #tpu.memory_space<vmem>>, vector<16xf32>,
      %parallel_loop3A_346 = arith.constant 128 : i32
      %parallel_loop3A_347 = arith.addi %parallel_loop3A_346, %parallel_loop3A_163 : i32
      %parallel_loop3A_348 = arith.constant 128 : i32
      %parallel_loop3A_349 = arith.muli %parallel_loop3A_347, %parallel_loop3A_348 : i32
      %parallel_loop3A_350 = arith.constant 112 : i32
      %parallel_loop3A_351 = arith.addi %parallel_loop3A_349, %parallel_loop3A_350 : i32
      %parallel_loop3A_352 = arith.addf %parallel_loop3A_345, %get3A_34 : vector<16xf32>
      %parallel_loop3A_353 = arith.index_cast %parallel_loop3A_351 : i32 to index
      %parallel_loop3A_354 = tpu.vector_load %arg14[%parallel_loop3A_353] {strides = array<i32>} : memref<51200xf32, #tpu.memory_space<vmem>>, vector<16xf32>,
      tpu.vector_store %arg14[%parallel_loop3A_353], %parallel_loop3A_352 {strides = array<i32>} : memref<51200xf32, #tpu.memory_space<vmem>>, vector<16xf32>,
      %parallel_loop3A_355 = arith.constant 328 : i32
      %parallel_loop3A_356 = arith.addi %parallel_loop3A_355, %parallel_loop3A_163 : i32
      %parallel_loop3A_357 = arith.constant 128 : i32
      %parallel_loop3A_358 = arith.muli %parallel_loop3A_356, %parallel_loop3A_357 : i32
      %parallel_loop3A_359 = arith.constant 112 : i32
      %parallel_loop3A_360 = arith.addi %parallel_loop3A_358, %parallel_loop3A_359 : i32
      %parallel_loop3A_361 = arith.addf %parallel_loop3A_345, %get3A_66 : vector<16xf32>
      %parallel_loop3A_362 = arith.index_cast %parallel_loop3A_360 : i32 to index
      %parallel_loop3A_363 = tpu.vector_load %arg14[%parallel_loop3A_362] {strides = array<i32>} : memref<51200xf32, #tpu.memory_space<vmem>>, vector<16xf32>,
      tpu.vector_store %arg14[%parallel_loop3A_362], %parallel_loop3A_361 {strides = array<i32>} : memref<51200xf32, #tpu.memory_space<vmem>>, vector<16xf32>,
    } {sc.loop_unroll_factor = 1 : i64, sc.parallel_access}
    %iota3A = tpu.iota {dimensions = array<i32: 0>} : vector<16xi32>
    %parallel_loop3A_106 = arith.constant 0 : i32
    %parallel_loop3A_107 = arith.constant 400 : i32
    %parallel_loop3A_108 = arith.constant 1 : i32
    scf.for %parallel_loop3A_163 = %parallel_loop3A_106 to %parallel_loop3A_107 step %parallel_loop3A_108  : i32 {
      %parallel_loop3A_164 = arith.constant 16 : i32
      %parallel_loop3A_165 = arith.muli %parallel_loop3A_163, %parallel_loop3A_164 : i32
      %parallel_loop3A_166 = arith.addi %mul3A_2, %parallel_loop3A_165 : i32
      %parallel_loop3A_167 = vector.broadcast %parallel_loop3A_166 : i32 to vector<16xi32>
      %parallel_loop3A_168 = arith.addi %parallel_loop3A_167, %iota3A : vector<16xi32>
      %parallel_loop3A_169 = arith.constant 200 : i32
      %parallel_loop3A_170 = vector.broadcast %parallel_loop3A_169 : i32 to vector<16xi32>
      %parallel_loop3A_171 = arith.remsi %parallel_loop3A_168, %parallel_loop3A_170 : vector<16xi32>
      %parallel_loop3A_172 = arith.index_cast %parallel_loop3A_165 : i32 to index
      %parallel_loop3A_173 = tpu.vector_load %arg11[%parallel_loop3A_172] {strides = array<i32>} : memref<6400xi32, #tpu.memory_space<vmem>>, vector<16xi32>,
      %parallel_loop3A_174 = arith.constant 200 : i32
      %parallel_loop3A_175 = vector.broadcast %parallel_loop3A_174 : i32 to vector<16xi32>
      %parallel_loop3A_176 = arith.muli %parallel_loop3A_173, %parallel_loop3A_175 : vector<16xi32>
      %parallel_loop3A_177 = arith.addi %parallel_loop3A_176, %parallel_loop3A_171 : vector<16xi32>
      %parallel_loop3A_178 = arith.constant 128 : i32
      %parallel_loop3A_179 = vector.broadcast %parallel_loop3A_178 : i32 to vector<16xi32>
      %parallel_loop3A_180 = arith.muli %parallel_loop3A_177, %parallel_loop3A_179 : vector<16xi32>
      %parallel_loop3A_181 = arith.index_cast %parallel_loop3A_165 : i32 to index
      %parallel_loop3A_182 = tpu.vector_load %arg11[%parallel_loop3A_181] {strides = array<i32>} : memref<6400xi32, #tpu.memory_space<vmem>>, vector<16xi32>,
      tpu.vector_store %arg11[%parallel_loop3A_181], %parallel_loop3A_180 {strides = array<i32>} : memref<6400xi32, #tpu.memory_space<vmem>>, vector<16xi32>,
    } {sc.loop_unroll_factor = 1 : i64, sc.parallel_access}
    %dma_start3A = arith.constant 0 : i32
    %dma_start3A_109 = arith.constant 0 : i32
    %dma_start3A_110 = arith.constant 0 : i32
    %dma_start3A_111 = tpu.memref_slice %arg12[%dma_start3A, %dma_start3A_109, %dma_start3A_110] : memref<2x128x128xf32, #tpu.memory_space<vmem>> -> memref<1x128x128xf32, #tpu.memory_space<vmem>>
    %dma_start3A_112 = tpu.memref_squeeze %dma_start3A_111 : memref<1x128x128xf32, #tpu.memory_space<vmem>> -> memref<128x128xf32, #tpu.memory_space<vmem>>
    %dma_start3A_113 = arith.constant 0 : i32
    %dma_start3A_114 = tpu.memref_slice %arg10[%dma_start3A_113] : memref<6400xi32, #tpu.memory_space<vmem>> -> memref<128xi32, #tpu.memory_space<vmem>>
    %dma_start3A_115 = arith.constant 0 : i32
    %dma_start3A_116 = arith.constant 0 : i32
    %dma_start3A_117 = tpu.memref_slice %arg4[%dma_start3A_115, %dma_start3A_116] : memref<100000x128xf32, #tpu.memory_space<hbm>> -> memref<100000x128xf32, #tpu.memory_space<hbm>>
    tpu.enqueue_indirect_dma source(%dma_start3A_117 : memref<100000x128xf32, #tpu.memory_space<hbm>>) target(%dma_start3A_112 : memref<128x128xf32, #tpu.memory_space<vmem>>) offsets(%dma_start3A_114 : memref<128xi32, #tpu.memory_space<vmem>>) semaphore(%arg18 : memref<!tpu.dma_semaphore, #tpu.memory_space<semaphore_mem>>)
    %dma_start3A_118 = arith.constant 1 : i32
    %dma_start3A_119 = arith.constant 0 : i32
    %dma_start3A_120 = arith.constant 0 : i32
    %dma_start3A_121 = tpu.memref_slice %arg12[%dma_start3A_118, %dma_start3A_119, %dma_start3A_120] : memref<2x128x128xf32, #tpu.memory_space<vmem>> -> memref<1x128x128xf32, #tpu.memory_space<vmem>>
    %dma_start3A_122 = tpu.memref_squeeze %dma_start3A_121 : memref<1x128x128xf32, #tpu.memory_space<vmem>> -> memref<128x128xf32, #tpu.memory_space<vmem>>
    %dma_start3A_123 = arith.constant 128 : i32
    %dma_start3A_124 = tpu.memref_slice %arg10[%dma_start3A_123] : memref<6400xi32, #tpu.memory_space<vmem>> -> memref<128xi32, #tpu.memory_space<vmem>>
    %dma_start3A_125 = arith.constant 0 : i32
    %dma_start3A_126 = arith.constant 0 : i32
    %dma_start3A_127 = tpu.memref_slice %arg4[%dma_start3A_125, %dma_start3A_126] : memref<100000x128xf32, #tpu.memory_space<hbm>> -> memref<100000x128xf32, #tpu.memory_space<hbm>>
    tpu.enqueue_indirect_dma source(%dma_start3A_127 : memref<100000x128xf32, #tpu.memory_space<hbm>>) target(%dma_start3A_122 : memref<128x128xf32, #tpu.memory_space<vmem>>) offsets(%dma_start3A_124 : memref<128xi32, #tpu.memory_space<vmem>>) semaphore(%arg19 : memref<!tpu.dma_semaphore, #tpu.memory_space<semaphore_mem>>)
    %scan3A = arith.constant 0 : i32
    %scan3A_128 = arith.constant 7.812500e-03 : f32
    %scan3A_129 = arith.constant 0 : i32
    %scan3A_130 = arith.constant 25 : i32
    %scan3A_131 = arith.addi %scan3A_129, %scan3A_130 : i32
    %scan3A_132 = arith.constant 1 : i32
    scf.for %scan3A_163 = %scan3A_129 to %scan3A_131 step %scan3A_132  : i32 {
      %mul3A_164 = arith.constant 2 : i32
      %mul3A_165 = arith.muli %scan3A_163, %mul3A_164 : i32
      %add3A_166 = arith.constant 0 : i32
      %add3A_167 = arith.addi %mul3A_165, %add3A_166 : i32
      %mul3A_168 = arith.constant 128 : i32
      %mul3A_169 = arith.muli %add3A_167, %mul3A_168 : i32
      %dma_wait3A_170 = arith.constant 0 : i32
      %dma_wait3A_171 = arith.constant 0 : i32
      %dma_wait3A_172 = arith.constant 0 : i32
      %dma_wait3A_173 = tpu.memref_slice %arg12[%dma_wait3A_170, %dma_wait3A_171, %dma_wait3A_172] : memref<2x128x128xf32, #tpu.memory_space<vmem>> -> memref<1x128x128xf32, #tpu.memory_space<vmem>>
      %dma_wait3A_174 = tpu.memref_squeeze %dma_wait3A_173 : memref<1x128x128xf32, #tpu.memory_space<vmem>> -> memref<128x128xf32, #tpu.memory_space<vmem>>
      %dma_wait3A_175 = tpu.memref_slice %arg10[%mul3A_169] : memref<6400xi32, #tpu.memory_space<vmem>> -> memref<128xi32, #tpu.memory_space<vmem>>
      %dma_wait3A_176 = arith.constant 0 : i32
      %dma_wait3A_177 = arith.constant 0 : i32
      %dma_wait3A_178 = tpu.memref_slice %arg4[%dma_wait3A_176, %dma_wait3A_177] : memref<100000x128xf32, #tpu.memory_space<hbm>> -> memref<100000x128xf32, #tpu.memory_space<hbm>>
      tpu.wait_indirect_dma semaphore(%arg18 : memref<!tpu.dma_semaphore, #tpu.memory_space<semaphore_mem>>) src(%dma_wait3A_178 : memref<100000x128xf32, #tpu.memory_space<hbm>>) dst(%dma_wait3A_174 : memref<128x128xf32, #tpu.memory_space<vmem>>)
      %ge3A = arith.constant 2 : i32
      %ge3A_179 = arith.cmpi sge, %add3A_167, %ge3A : i32
      %convert_element_type3A = arith.extui %ge3A_179 : i1 to i32
      %cond3A = arith.constant 0 : i32
      %cond3A_180 = arith.cmpi ne, %convert_element_type3A, %cond3A : i32
      scf.if %cond3A_180 {
        %sub3A = arith.constant 2 : i32
        %sub3A_254 = arith.subi %add3A_167, %sub3A : i32
        %mul3A_255 = arith.constant 128 : i32
        %mul3A_256 = arith.muli %sub3A_254, %mul3A_255 : i32
        %add3A_257 = arith.addi %mul3A_2, %mul3A_256 : i32
        %dma_wait3A_258 = arith.constant 0 : i32
        %dma_wait3A_259 = arith.constant 0 : i32
        %dma_wait3A_260 = arith.constant 0 : i32
        %dma_wait3A_261 = tpu.memref_slice %arg13[%dma_wait3A_258, %dma_wait3A_259, %dma_wait3A_260] : memref<2x128x128xf32, #tpu.memory_space<vmem>> -> memref<1x128x128xf32, #tpu.memory_space<vmem>>
        %dma_wait3A_262 = tpu.memref_squeeze %dma_wait3A_261 : memref<1x128x128xf32, #tpu.memory_space<vmem>> -> memref<128x128xf32, #tpu.memory_space<vmem>>
        %dma_wait3A_263 = arith.constant 0 : i32
        %dma_wait3A_264 = tpu.memref_slice %arg9[%add3A_257, %dma_wait3A_263] : memref<204800x128xf32, #tpu.memory_space<hbm>> -> memref<128x128xf32, #tpu.memory_space<hbm>>
        %dma_wait3A_265 = arith.constant 0 : i32
        %dma_wait3A_266 = tpu.memref_slice %arg9[%add3A_257, %dma_wait3A_265] : memref<204800x128xf32, #tpu.memory_space<hbm>> -> memref<128x128xf32, #tpu.memory_space<hbm>>
        %dma_wait3A_267 = arith.constant 0 : i32
        %dma_wait3A_268 = arith.constant 0 : i32
        %dma_wait3A_269 = tpu.memref_slice %arg13[%dma_wait3A_258, %dma_wait3A_267, %dma_wait3A_268] : memref<2x128x128xf32, #tpu.memory_space<vmem>> -> memref<1x128x128xf32, #tpu.memory_space<vmem>>
        %dma_wait3A_270 = tpu.memref_squeeze %dma_wait3A_269 : memref<1x128x128xf32, #tpu.memory_space<vmem>> -> memref<128x128xf32, #tpu.memory_space<vmem>>
        tpu.wait_dma2 semaphore(%arg20 : memref<!tpu.dma_semaphore, #tpu.memory_space<semaphore_mem>>) src(%dma_wait3A_270 : memref<128x128xf32, #tpu.memory_space<vmem>>) dst(%dma_wait3A_266 : memref<128x128xf32, #tpu.memory_space<hbm>>)
      } else {
      }
      %parallel_loop3A_181 = arith.constant 0 : i32
      %parallel_loop3A_182 = arith.constant 128 : i32
      %parallel_loop3A_183 = arith.constant 1 : i32
      %parallel_loop3A_184 = arith.constant 0 : i32
      %parallel_loop3A_185 = arith.constant 0 : i32
      scf.for %parallel_loop3A_254 = %parallel_loop3A_181 to %parallel_loop3A_182 step %parallel_loop3A_183  : i32 {
        %parallel_loop3A_255 = arith.constant 16 : i32
        %parallel_loop3A_256 = arith.remsi %parallel_loop3A_254, %parallel_loop3A_255 : i32
        %parallel_loop3A_257 = arith.constant 128 : i32
        %parallel_loop3A_258 = arith.muli %add3A_167, %parallel_loop3A_257 : i32
        %parallel_loop3A_259 = arith.addi %parallel_loop3A_258, %parallel_loop3A_254 : i32
        %parallel_loop3A_260 = arith.subi %parallel_loop3A_259, %parallel_loop3A_256 : i32
        %parallel_loop3A_261 = arith.index_cast %parallel_loop3A_260 : i32 to index
        %parallel_loop3A_262 = tpu.vector_load %arg11[%parallel_loop3A_261] {strides = array<i32>} : memref<6400xi32, #tpu.memory_space<vmem>>, vector<16xi32>,
        %parallel_loop3A_263 = vector.broadcast %parallel_loop3A_256 : i32 to vector<16xi32>
        %parallel_loop3A_264 = arith.constant 0 : i32
        %parallel_loop3A_265 = vector.broadcast %parallel_loop3A_264 : i32 to vector<16xi32>
        %parallel_loop3A_266 = arith.cmpi slt, %parallel_loop3A_263, %parallel_loop3A_265 : vector<16xi32>
        %parallel_loop3A_267 = arith.constant 16 : i32
        %parallel_loop3A_268 = vector.broadcast %parallel_loop3A_267 : i32 to vector<16xi32>
        %parallel_loop3A_269 = arith.addi %parallel_loop3A_263, %parallel_loop3A_268 : vector<16xi32>
        %parallel_loop3A_270 = arith.select %parallel_loop3A_266, %parallel_loop3A_269, %parallel_loop3A_263 : vector<16xi1>, vector<16xi32>
        %parallel_loop3A_271 = vector.shape_cast %parallel_loop3A_270 : vector<16xi32> to vector<16x1xi32>
        %parallel_loop3A_272 = vector.shape_cast %parallel_loop3A_271 : vector<16x1xi32> to vector<16xi32>
        %parallel_loop3A_273 = tpu.dynamic_gather %parallel_loop3A_262[%parallel_loop3A_272] in [0] : vector<16xi32>, vector<16xi32> -> vector<16xi32>
        %parallel_loop3A_274 = arith.constant 0 : i32
        %parallel_loop3A_275 = vector.broadcast %parallel_loop3A_274 : i32 to vector<16xi32>
        %parallel_loop3A_276 = arith.addi %parallel_loop3A_275, %iota3A : vector<16xi32>
        %parallel_loop3A_277 = arith.addi %parallel_loop3A_273, %parallel_loop3A_276 : vector<16xi32>
        %parallel_loop3A_278 = tpu.vector_load_idx %arg14[%parallel_loop3A_277] : memref<51200xf32, #tpu.memory_space<vmem>>[vector<16xi32>], vector<16xf32>,
        %parallel_loop3A_279 = arith.constant 0 : i32
        %parallel_loop3A_280 = arith.constant 0 : i32
        %parallel_loop3A_281 = tpu.memref_slice %arg12[%parallel_loop3A_184, %parallel_loop3A_279, %parallel_loop3A_280] : memref<2x128x128xf32, #tpu.memory_space<vmem>> -> memref<1x128x128xf32, #tpu.memory_space<vmem>>
        %parallel_loop3A_282 = tpu.memref_squeeze %parallel_loop3A_281 : memref<1x128x128xf32, #tpu.memory_space<vmem>> -> memref<128x128xf32, #tpu.memory_space<vmem>>
        %parallel_loop3A_283 = arith.index_cast %parallel_loop3A_254 : i32 to index
        %parallel_loop3A_284 = arith.constant 0 : index
        %parallel_loop3A_285 = tpu.vector_load %parallel_loop3A_282[%parallel_loop3A_283, %parallel_loop3A_284] {strides = array<i32>} : memref<128x128xf32, #tpu.memory_space<vmem>>, vector<16xf32>,
        %parallel_loop3A_286 = arith.addf %parallel_loop3A_285, %parallel_loop3A_278 : vector<16xf32>
        %parallel_loop3A_287 = arith.constant 16 : i32
        %parallel_loop3A_288 = vector.broadcast %parallel_loop3A_287 : i32 to vector<16xi32>
        %parallel_loop3A_289 = arith.addi %parallel_loop3A_288, %iota3A : vector<16xi32>
        %parallel_loop3A_290 = arith.addi %parallel_loop3A_273, %parallel_loop3A_289 : vector<16xi32>
        %parallel_loop3A_291 = tpu.vector_load_idx %arg14[%parallel_loop3A_290] : memref<51200xf32, #tpu.memory_space<vmem>>[vector<16xi32>], vector<16xf32>,
        %parallel_loop3A_292 = arith.constant 0 : i32
        %parallel_loop3A_293 = arith.constant 0 : i32
        %parallel_loop3A_294 = tpu.memref_slice %arg12[%parallel_loop3A_184, %parallel_loop3A_292, %parallel_loop3A_293] : memref<2x128x128xf32, #tpu.memory_space<vmem>> -> memref<1x128x128xf32, #tpu.memory_space<vmem>>
        %parallel_loop3A_295 = tpu.memref_squeeze %parallel_loop3A_294 : memref<1x128x128xf32, #tpu.memory_space<vmem>> -> memref<128x128xf32, #tpu.memory_space<vmem>>
        %parallel_loop3A_296 = arith.index_cast %parallel_loop3A_254 : i32 to index
        %parallel_loop3A_297 = arith.constant 16 : index
        %parallel_loop3A_298 = tpu.vector_load %parallel_loop3A_295[%parallel_loop3A_296, %parallel_loop3A_297] {strides = array<i32>} : memref<128x128xf32, #tpu.memory_space<vmem>>, vector<16xf32>,
        %parallel_loop3A_299 = arith.addf %parallel_loop3A_298, %parallel_loop3A_291 : vector<16xf32>
        %parallel_loop3A_300 = arith.constant 32 : i32
        %parallel_loop3A_301 = vector.broadcast %parallel_loop3A_300 : i32 to vector<16xi32>
        %parallel_loop3A_302 = arith.addi %parallel_loop3A_301, %iota3A : vector<16xi32>
        %parallel_loop3A_303 = arith.addi %parallel_loop3A_273, %parallel_loop3A_302 : vector<16xi32>
        %parallel_loop3A_304 = tpu.vector_load_idx %arg14[%parallel_loop3A_303] : memref<51200xf32, #tpu.memory_space<vmem>>[vector<16xi32>], vector<16xf32>,
        %parallel_loop3A_305 = arith.constant 0 : i32
        %parallel_loop3A_306 = arith.constant 0 : i32
        %parallel_loop3A_307 = tpu.memref_slice %arg12[%parallel_loop3A_184, %parallel_loop3A_305, %parallel_loop3A_306] : memref<2x128x128xf32, #tpu.memory_space<vmem>> -> memref<1x128x128xf32, #tpu.memory_space<vmem>>
        %parallel_loop3A_308 = tpu.memref_squeeze %parallel_loop3A_307 : memref<1x128x128xf32, #tpu.memory_space<vmem>> -> memref<128x128xf32, #tpu.memory_space<vmem>>
        %parallel_loop3A_309 = arith.index_cast %parallel_loop3A_254 : i32 to index
        %parallel_loop3A_310 = arith.constant 32 : index
        %parallel_loop3A_311 = tpu.vector_load %parallel_loop3A_308[%parallel_loop3A_309, %parallel_loop3A_310] {strides = array<i32>} : memref<128x128xf32, #tpu.memory_space<vmem>>, vector<16xf32>,
        %parallel_loop3A_312 = arith.addf %parallel_loop3A_311, %parallel_loop3A_304 : vector<16xf32>
        %parallel_loop3A_313 = arith.constant 48 : i32
        %parallel_loop3A_314 = vector.broadcast %parallel_loop3A_313 : i32 to vector<16xi32>
        %parallel_loop3A_315 = arith.addi %parallel_loop3A_314, %iota3A : vector<16xi32>
        %parallel_loop3A_316 = arith.addi %parallel_loop3A_273, %parallel_loop3A_315 : vector<16xi32>
        %parallel_loop3A_317 = tpu.vector_load_idx %arg14[%parallel_loop3A_316] : memref<51200xf32, #tpu.memory_space<vmem>>[vector<16xi32>], vector<16xf32>,
        %parallel_loop3A_318 = arith.constant 0 : i32
        %parallel_loop3A_319 = arith.constant 0 : i32
        %parallel_loop3A_320 = tpu.memref_slice %arg12[%parallel_loop3A_184, %parallel_loop3A_318, %parallel_loop3A_319] : memref<2x128x128xf32, #tpu.memory_space<vmem>> -> memref<1x128x128xf32, #tpu.memory_space<vmem>>
        %parallel_loop3A_321 = tpu.memref_squeeze %parallel_loop3A_320 : memref<1x128x128xf32, #tpu.memory_space<vmem>> -> memref<128x128xf32, #tpu.memory_space<vmem>>
        %parallel_loop3A_322 = arith.index_cast %parallel_loop3A_254 : i32 to index
        %parallel_loop3A_323 = arith.constant 48 : index
        %parallel_loop3A_324 = tpu.vector_load %parallel_loop3A_321[%parallel_loop3A_322, %parallel_loop3A_323] {strides = array<i32>} : memref<128x128xf32, #tpu.memory_space<vmem>>, vector<16xf32>,
        %parallel_loop3A_325 = arith.addf %parallel_loop3A_324, %parallel_loop3A_317 : vector<16xf32>
        %parallel_loop3A_326 = arith.constant 64 : i32
        %parallel_loop3A_327 = vector.broadcast %parallel_loop3A_326 : i32 to vector<16xi32>
        %parallel_loop3A_328 = arith.addi %parallel_loop3A_327, %iota3A : vector<16xi32>
        %parallel_loop3A_329 = arith.addi %parallel_loop3A_273, %parallel_loop3A_328 : vector<16xi32>
        %parallel_loop3A_330 = tpu.vector_load_idx %arg14[%parallel_loop3A_329] : memref<51200xf32, #tpu.memory_space<vmem>>[vector<16xi32>], vector<16xf32>,
        %parallel_loop3A_331 = arith.constant 0 : i32
        %parallel_loop3A_332 = arith.constant 0 : i32
        %parallel_loop3A_333 = tpu.memref_slice %arg12[%parallel_loop3A_184, %parallel_loop3A_331, %parallel_loop3A_332] : memref<2x128x128xf32, #tpu.memory_space<vmem>> -> memref<1x128x128xf32, #tpu.memory_space<vmem>>
        %parallel_loop3A_334 = tpu.memref_squeeze %parallel_loop3A_333 : memref<1x128x128xf32, #tpu.memory_space<vmem>> -> memref<128x128xf32, #tpu.memory_space<vmem>>
        %parallel_loop3A_335 = arith.index_cast %parallel_loop3A_254 : i32 to index
        %parallel_loop3A_336 = arith.constant 64 : index
        %parallel_loop3A_337 = tpu.vector_load %parallel_loop3A_334[%parallel_loop3A_335, %parallel_loop3A_336] {strides = array<i32>} : memref<128x128xf32, #tpu.memory_space<vmem>>, vector<16xf32>,
        %parallel_loop3A_338 = arith.addf %parallel_loop3A_337, %parallel_loop3A_330 : vector<16xf32>
        %parallel_loop3A_339 = arith.constant 80 : i32
        %parallel_loop3A_340 = vector.broadcast %parallel_loop3A_339 : i32 to vector<16xi32>
        %parallel_loop3A_341 = arith.addi %parallel_loop3A_340, %iota3A : vector<16xi32>
        %parallel_loop3A_342 = arith.addi %parallel_loop3A_273, %parallel_loop3A_341 : vector<16xi32>
        %parallel_loop3A_343 = tpu.vector_load_idx %arg14[%parallel_loop3A_342] : memref<51200xf32, #tpu.memory_space<vmem>>[vector<16xi32>], vector<16xf32>,
        %parallel_loop3A_344 = arith.constant 0 : i32
        %parallel_loop3A_345 = arith.constant 0 : i32
        %parallel_loop3A_346 = tpu.memref_slice %arg12[%parallel_loop3A_184, %parallel_loop3A_344, %parallel_loop3A_345] : memref<2x128x128xf32, #tpu.memory_space<vmem>> -> memref<1x128x128xf32, #tpu.memory_space<vmem>>
        %parallel_loop3A_347 = tpu.memref_squeeze %parallel_loop3A_346 : memref<1x128x128xf32, #tpu.memory_space<vmem>> -> memref<128x128xf32, #tpu.memory_space<vmem>>
        %parallel_loop3A_348 = arith.index_cast %parallel_loop3A_254 : i32 to index
        %parallel_loop3A_349 = arith.constant 80 : index
        %parallel_loop3A_350 = tpu.vector_load %parallel_loop3A_347[%parallel_loop3A_348, %parallel_loop3A_349] {strides = array<i32>} : memref<128x128xf32, #tpu.memory_space<vmem>>, vector<16xf32>,
        %parallel_loop3A_351 = arith.addf %parallel_loop3A_350, %parallel_loop3A_343 : vector<16xf32>
        %parallel_loop3A_352 = arith.constant 96 : i32
        %parallel_loop3A_353 = vector.broadcast %parallel_loop3A_352 : i32 to vector<16xi32>
        %parallel_loop3A_354 = arith.addi %parallel_loop3A_353, %iota3A : vector<16xi32>
        %parallel_loop3A_355 = arith.addi %parallel_loop3A_273, %parallel_loop3A_354 : vector<16xi32>
        %parallel_loop3A_356 = tpu.vector_load_idx %arg14[%parallel_loop3A_355] : memref<51200xf32, #tpu.memory_space<vmem>>[vector<16xi32>], vector<16xf32>,
        %parallel_loop3A_357 = arith.constant 0 : i32
        %parallel_loop3A_358 = arith.constant 0 : i32
        %parallel_loop3A_359 = tpu.memref_slice %arg12[%parallel_loop3A_184, %parallel_loop3A_357, %parallel_loop3A_358] : memref<2x128x128xf32, #tpu.memory_space<vmem>> -> memref<1x128x128xf32, #tpu.memory_space<vmem>>
        %parallel_loop3A_360 = tpu.memref_squeeze %parallel_loop3A_359 : memref<1x128x128xf32, #tpu.memory_space<vmem>> -> memref<128x128xf32, #tpu.memory_space<vmem>>
        %parallel_loop3A_361 = arith.index_cast %parallel_loop3A_254 : i32 to index
        %parallel_loop3A_362 = arith.constant 96 : index
        %parallel_loop3A_363 = tpu.vector_load %parallel_loop3A_360[%parallel_loop3A_361, %parallel_loop3A_362] {strides = array<i32>} : memref<128x128xf32, #tpu.memory_space<vmem>>, vector<16xf32>,
        %parallel_loop3A_364 = arith.addf %parallel_loop3A_363, %parallel_loop3A_356 : vector<16xf32>
        %parallel_loop3A_365 = arith.constant 112 : i32
        %parallel_loop3A_366 = vector.broadcast %parallel_loop3A_365 : i32 to vector<16xi32>
        %parallel_loop3A_367 = arith.addi %parallel_loop3A_366, %iota3A : vector<16xi32>
        %parallel_loop3A_368 = arith.addi %parallel_loop3A_273, %parallel_loop3A_367 : vector<16xi32>
        %parallel_loop3A_369 = tpu.vector_load_idx %arg14[%parallel_loop3A_368] : memref<51200xf32, #tpu.memory_space<vmem>>[vector<16xi32>], vector<16xf32>,
        %parallel_loop3A_370 = arith.constant 0 : i32
        %parallel_loop3A_371 = arith.constant 0 : i32
        %parallel_loop3A_372 = tpu.memref_slice %arg12[%parallel_loop3A_184, %parallel_loop3A_370, %parallel_loop3A_371] : memref<2x128x128xf32, #tpu.memory_space<vmem>> -> memref<1x128x128xf32, #tpu.memory_space<vmem>>
        %parallel_loop3A_373 = tpu.memref_squeeze %parallel_loop3A_372 : memref<1x128x128xf32, #tpu.memory_space<vmem>> -> memref<128x128xf32, #tpu.memory_space<vmem>>
        %parallel_loop3A_374 = arith.index_cast %parallel_loop3A_254 : i32 to index
        %parallel_loop3A_375 = arith.constant 112 : index
        %parallel_loop3A_376 = tpu.vector_load %parallel_loop3A_373[%parallel_loop3A_374, %parallel_loop3A_375] {strides = array<i32>} : memref<128x128xf32, #tpu.memory_space<vmem>>, vector<16xf32>,
        %parallel_loop3A_377 = arith.addf %parallel_loop3A_376, %parallel_loop3A_369 : vector<16xf32>
        %parallel_loop3A_378 = arith.mulf %parallel_loop3A_286, %parallel_loop3A_286 : vector<16xf32>
        %parallel_loop3A_379 = arith.mulf %parallel_loop3A_299, %parallel_loop3A_299 : vector<16xf32>
        %parallel_loop3A_380 = arith.mulf %parallel_loop3A_312, %parallel_loop3A_312 : vector<16xf32>
        %parallel_loop3A_381 = arith.mulf %parallel_loop3A_325, %parallel_loop3A_325 : vector<16xf32>
        %parallel_loop3A_382 = arith.mulf %parallel_loop3A_338, %parallel_loop3A_338 : vector<16xf32>
        %parallel_loop3A_383 = arith.mulf %parallel_loop3A_351, %parallel_loop3A_351 : vector<16xf32>
        %parallel_loop3A_384 = arith.mulf %parallel_loop3A_364, %parallel_loop3A_364 : vector<16xf32>
        %parallel_loop3A_385 = arith.mulf %parallel_loop3A_377, %parallel_loop3A_377 : vector<16xf32>
        %parallel_loop3A_386 = arith.addf %parallel_loop3A_286, %parallel_loop3A_299 : vector<16xf32>
        %parallel_loop3A_387 = arith.addf %parallel_loop3A_312, %parallel_loop3A_325 : vector<16xf32>
        %parallel_loop3A_388 = arith.addf %parallel_loop3A_338, %parallel_loop3A_351 : vector<16xf32>
        %parallel_loop3A_389 = arith.addf %parallel_loop3A_364, %parallel_loop3A_377 : vector<16xf32>
        %parallel_loop3A_390 = arith.addf %parallel_loop3A_378, %parallel_loop3A_379 : vector<16xf32>
        %parallel_loop3A_391 = arith.addf %parallel_loop3A_380, %parallel_loop3A_381 : vector<16xf32>
        %parallel_loop3A_392 = arith.addf %parallel_loop3A_382, %parallel_loop3A_383 : vector<16xf32>
        %parallel_loop3A_393 = arith.addf %parallel_loop3A_384, %parallel_loop3A_385 : vector<16xf32>
        %parallel_loop3A_394 = arith.addf %parallel_loop3A_386, %parallel_loop3A_387 : vector<16xf32>
        %parallel_loop3A_395 = arith.addf %parallel_loop3A_388, %parallel_loop3A_389 : vector<16xf32>
        %parallel_loop3A_396 = arith.addf %parallel_loop3A_390, %parallel_loop3A_391 : vector<16xf32>
        %parallel_loop3A_397 = arith.addf %parallel_loop3A_392, %parallel_loop3A_393 : vector<16xf32>
        %parallel_loop3A_398 = arith.addf %parallel_loop3A_394, %parallel_loop3A_395 : vector<16xf32>
        %parallel_loop3A_399 = arith.addf %parallel_loop3A_396, %parallel_loop3A_397 : vector<16xf32>
        %parallel_loop3A_400 = arith.constant 8 : i32
        %parallel_loop3A_401 = vector.broadcast %parallel_loop3A_400 : i32 to vector<16xi32>
        %parallel_loop3A_402 = arith.xori %iota3A, %parallel_loop3A_401 : vector<16xi32>
        %parallel_loop3A_403 = arith.constant 0 : i32
        %parallel_loop3A_404 = vector.broadcast %parallel_loop3A_403 : i32 to vector<16xi32>
        %parallel_loop3A_405 = arith.cmpi slt, %parallel_loop3A_402, %parallel_loop3A_404 : vector<16xi32>
        %parallel_loop3A_406 = arith.constant 16 : i32
        %parallel_loop3A_407 = vector.broadcast %parallel_loop3A_406 : i32 to vector<16xi32>
        %parallel_loop3A_408 = arith.addi %parallel_loop3A_402, %parallel_loop3A_407 : vector<16xi32>
        %parallel_loop3A_409 = arith.select %parallel_loop3A_405, %parallel_loop3A_408, %parallel_loop3A_402 : vector<16xi1>, vector<16xi32>
        %parallel_loop3A_410 = vector.shape_cast %parallel_loop3A_409 : vector<16xi32> to vector<16x1xi32>
        %parallel_loop3A_411 = vector.shape_cast %parallel_loop3A_410 : vector<16x1xi32> to vector<16xi32>
        %parallel_loop3A_412 = tpu.dynamic_gather %parallel_loop3A_398[%parallel_loop3A_411] in [0] : vector<16xf32>, vector<16xi32> -> vector<16xf32>
        %parallel_loop3A_413 = arith.addf %parallel_loop3A_398, %parallel_loop3A_412 : vector<16xf32>
        %parallel_loop3A_414 = arith.constant 0 : i32
        %parallel_loop3A_415 = vector.broadcast %parallel_loop3A_414 : i32 to vector<16xi32>
        %parallel_loop3A_416 = arith.cmpi slt, %parallel_loop3A_402, %parallel_loop3A_415 : vector<16xi32>
        %parallel_loop3A_417 = arith.constant 16 : i32
        %parallel_loop3A_418 = vector.broadcast %parallel_loop3A_417 : i32 to vector<16xi32>
        %parallel_loop3A_419 = arith.addi %parallel_loop3A_402, %parallel_loop3A_418 : vector<16xi32>
        %parallel_loop3A_420 = arith.select %parallel_loop3A_416, %parallel_loop3A_419, %parallel_loop3A_402 : vector<16xi1>, vector<16xi32>
        %parallel_loop3A_421 = vector.shape_cast %parallel_loop3A_420 : vector<16xi32> to vector<16x1xi32>
        %parallel_loop3A_422 = vector.shape_cast %parallel_loop3A_421 : vector<16x1xi32> to vector<16xi32>
        %parallel_loop3A_423 = tpu.dynamic_gather %parallel_loop3A_399[%parallel_loop3A_422] in [0] : vector<16xf32>, vector<16xi32> -> vector<16xf32>
        %parallel_loop3A_424 = arith.addf %parallel_loop3A_399, %parallel_loop3A_423 : vector<16xf32>
        %parallel_loop3A_425 = arith.constant 4 : i32
        %parallel_loop3A_426 = vector.broadcast %parallel_loop3A_425 : i32 to vector<16xi32>
        %parallel_loop3A_427 = arith.xori %iota3A, %parallel_loop3A_426 : vector<16xi32>
        %parallel_loop3A_428 = arith.constant 0 : i32
        %parallel_loop3A_429 = vector.broadcast %parallel_loop3A_428 : i32 to vector<16xi32>
        %parallel_loop3A_430 = arith.cmpi slt, %parallel_loop3A_427, %parallel_loop3A_429 : vector<16xi32>
        %parallel_loop3A_431 = arith.constant 16 : i32
        %parallel_loop3A_432 = vector.broadcast %parallel_loop3A_431 : i32 to vector<16xi32>
        %parallel_loop3A_433 = arith.addi %parallel_loop3A_427, %parallel_loop3A_432 : vector<16xi32>
        %parallel_loop3A_434 = arith.select %parallel_loop3A_430, %parallel_loop3A_433, %parallel_loop3A_427 : vector<16xi1>, vector<16xi32>
        %parallel_loop3A_435 = vector.shape_cast %parallel_loop3A_434 : vector<16xi32> to vector<16x1xi32>
        %parallel_loop3A_436 = vector.shape_cast %parallel_loop3A_435 : vector<16x1xi32> to vector<16xi32>
        %parallel_loop3A_437 = tpu.dynamic_gather %parallel_loop3A_413[%parallel_loop3A_436] in [0] : vector<16xf32>, vector<16xi32> -> vector<16xf32>
        %parallel_loop3A_438 = arith.addf %parallel_loop3A_413, %parallel_loop3A_437 : vector<16xf32>
        %parallel_loop3A_439 = arith.constant 0 : i32
        %parallel_loop3A_440 = vector.broadcast %parallel_loop3A_439 : i32 to vector<16xi32>
        %parallel_loop3A_441 = arith.cmpi slt, %parallel_loop3A_427, %parallel_loop3A_440 : vector<16xi32>
        %parallel_loop3A_442 = arith.constant 16 : i32
        %parallel_loop3A_443 = vector.broadcast %parallel_loop3A_442 : i32 to vector<16xi32>
        %parallel_loop3A_444 = arith.addi %parallel_loop3A_427, %parallel_loop3A_443 : vector<16xi32>
        %parallel_loop3A_445 = arith.select %parallel_loop3A_441, %parallel_loop3A_444, %parallel_loop3A_427 : vector<16xi1>, vector<16xi32>
        %parallel_loop3A_446 = vector.shape_cast %parallel_loop3A_445 : vector<16xi32> to vector<16x1xi32>
        %parallel_loop3A_447 = vector.shape_cast %parallel_loop3A_446 : vector<16x1xi32> to vector<16xi32>
        %parallel_loop3A_448 = tpu.dynamic_gather %parallel_loop3A_424[%parallel_loop3A_447] in [0] : vector<16xf32>, vector<16xi32> -> vector<16xf32>
        %parallel_loop3A_449 = arith.addf %parallel_loop3A_424, %parallel_loop3A_448 : vector<16xf32>
        %parallel_loop3A_450 = arith.constant 2 : i32
        %parallel_loop3A_451 = vector.broadcast %parallel_loop3A_450 : i32 to vector<16xi32>
        %parallel_loop3A_452 = arith.xori %iota3A, %parallel_loop3A_451 : vector<16xi32>
        %parallel_loop3A_453 = arith.constant 0 : i32
        %parallel_loop3A_454 = vector.broadcast %parallel_loop3A_453 : i32 to vector<16xi32>
        %parallel_loop3A_455 = arith.cmpi slt, %parallel_loop3A_452, %parallel_loop3A_454 : vector<16xi32>
        %parallel_loop3A_456 = arith.constant 16 : i32
        %parallel_loop3A_457 = vector.broadcast %parallel_loop3A_456 : i32 to vector<16xi32>
        %parallel_loop3A_458 = arith.addi %parallel_loop3A_452, %parallel_loop3A_457 : vector<16xi32>
        %parallel_loop3A_459 = arith.select %parallel_loop3A_455, %parallel_loop3A_458, %parallel_loop3A_452 : vector<16xi1>, vector<16xi32>
        %parallel_loop3A_460 = vector.shape_cast %parallel_loop3A_459 : vector<16xi32> to vector<16x1xi32>
        %parallel_loop3A_461 = vector.shape_cast %parallel_loop3A_460 : vector<16x1xi32> to vector<16xi32>
        %parallel_loop3A_462 = tpu.dynamic_gather %parallel_loop3A_438[%parallel_loop3A_461] in [0] : vector<16xf32>, vector<16xi32> -> vector<16xf32>
        %parallel_loop3A_463 = arith.addf %parallel_loop3A_438, %parallel_loop3A_462 : vector<16xf32>
        %parallel_loop3A_464 = arith.constant 0 : i32
        %parallel_loop3A_465 = vector.broadcast %parallel_loop3A_464 : i32 to vector<16xi32>
        %parallel_loop3A_466 = arith.cmpi slt, %parallel_loop3A_452, %parallel_loop3A_465 : vector<16xi32>
        %parallel_loop3A_467 = arith.constant 16 : i32
        %parallel_loop3A_468 = vector.broadcast %parallel_loop3A_467 : i32 to vector<16xi32>
        %parallel_loop3A_469 = arith.addi %parallel_loop3A_452, %parallel_loop3A_468 : vector<16xi32>
        %parallel_loop3A_470 = arith.select %parallel_loop3A_466, %parallel_loop3A_469, %parallel_loop3A_452 : vector<16xi1>, vector<16xi32>
        %parallel_loop3A_471 = vector.shape_cast %parallel_loop3A_470 : vector<16xi32> to vector<16x1xi32>
        %parallel_loop3A_472 = vector.shape_cast %parallel_loop3A_471 : vector<16x1xi32> to vector<16xi32>
        %parallel_loop3A_473 = tpu.dynamic_gather %parallel_loop3A_449[%parallel_loop3A_472] in [0] : vector<16xf32>, vector<16xi32> -> vector<16xf32>
        %parallel_loop3A_474 = arith.addf %parallel_loop3A_449, %parallel_loop3A_473 : vector<16xf32>
        %parallel_loop3A_475 = arith.constant 1 : i32
        %parallel_loop3A_476 = vector.broadcast %parallel_loop3A_475 : i32 to vector<16xi32>
        %parallel_loop3A_477 = arith.xori %iota3A, %parallel_loop3A_476 : vector<16xi32>
        %parallel_loop3A_478 = arith.constant 0 : i32
        %parallel_loop3A_479 = vector.broadcast %parallel_loop3A_478 : i32 to vector<16xi32>
        %parallel_loop3A_480 = arith.cmpi slt, %parallel_loop3A_477, %parallel_loop3A_479 : vector<16xi32>
        %parallel_loop3A_481 = arith.constant 16 : i32
        %parallel_loop3A_482 = vector.broadcast %parallel_loop3A_481 : i32 to vector<16xi32>
        %parallel_loop3A_483 = arith.addi %parallel_loop3A_477, %parallel_loop3A_482 : vector<16xi32>
        %parallel_loop3A_484 = arith.select %parallel_loop3A_480, %parallel_loop3A_483, %parallel_loop3A_477 : vector<16xi1>, vector<16xi32>
        %parallel_loop3A_485 = vector.shape_cast %parallel_loop3A_484 : vector<16xi32> to vector<16x1xi32>
        %parallel_loop3A_486 = vector.shape_cast %parallel_loop3A_485 : vector<16x1xi32> to vector<16xi32>
        %parallel_loop3A_487 = tpu.dynamic_gather %parallel_loop3A_463[%parallel_loop3A_486] in [0] : vector<16xf32>, vector<16xi32> -> vector<16xf32>
        %parallel_loop3A_488 = arith.addf %parallel_loop3A_463, %parallel_loop3A_487 : vector<16xf32>
        %parallel_loop3A_489 = arith.constant 0 : i32
        %parallel_loop3A_490 = vector.broadcast %parallel_loop3A_489 : i32 to vector<16xi32>
        %parallel_loop3A_491 = arith.cmpi slt, %parallel_loop3A_477, %parallel_loop3A_490 : vector<16xi32>
        %parallel_loop3A_492 = arith.constant 16 : i32
        %parallel_loop3A_493 = vector.broadcast %parallel_loop3A_492 : i32 to vector<16xi32>
        %parallel_loop3A_494 = arith.addi %parallel_loop3A_477, %parallel_loop3A_493 : vector<16xi32>
        %parallel_loop3A_495 = arith.select %parallel_loop3A_491, %parallel_loop3A_494, %parallel_loop3A_477 : vector<16xi1>, vector<16xi32>
        %parallel_loop3A_496 = vector.shape_cast %parallel_loop3A_495 : vector<16xi32> to vector<16x1xi32>
        %parallel_loop3A_497 = vector.shape_cast %parallel_loop3A_496 : vector<16x1xi32> to vector<16xi32>
        %parallel_loop3A_498 = tpu.dynamic_gather %parallel_loop3A_474[%parallel_loop3A_497] in [0] : vector<16xf32>, vector<16xi32> -> vector<16xf32>
        %parallel_loop3A_499 = arith.addf %parallel_loop3A_474, %parallel_loop3A_498 : vector<16xf32>
        %parallel_loop3A_500 = vector.broadcast %scan3A_128 : f32 to vector<16xf32>
        %parallel_loop3A_501 = arith.mulf %parallel_loop3A_488, %parallel_loop3A_500 : vector<16xf32>
        %parallel_loop3A_502 = vector.broadcast %scan3A_128 : f32 to vector<16xf32>
        %parallel_loop3A_503 = arith.mulf %parallel_loop3A_499, %parallel_loop3A_502 : vector<16xf32>
        %parallel_loop3A_504 = arith.mulf %parallel_loop3A_501, %parallel_loop3A_501 : vector<16xf32>
        %parallel_loop3A_505 = arith.subf %parallel_loop3A_503, %parallel_loop3A_504 : vector<16xf32>
        %parallel_loop3A_506 = arith.constant 9.99999974E-6 : f32
        %parallel_loop3A_507 = vector.broadcast %parallel_loop3A_506 : f32 to vector<16xf32>
        %parallel_loop3A_508 = arith.addf %parallel_loop3A_505, %parallel_loop3A_507 : vector<16xf32>
        %parallel_loop3A_509 = vector.bitcast %parallel_loop3A_508 : vector<16xf32> to vector<16xi32>
        %parallel_loop3A_510 = arith.constant 1 : i32
        %parallel_loop3A_511 = vector.broadcast %parallel_loop3A_510 : i32 to vector<16xi32>
        %parallel_loop3A_512 = arith.shrsi %parallel_loop3A_509, %parallel_loop3A_511 : vector<16xi32>
        %parallel_loop3A_513 = arith.constant 1597463007 : i32
        %parallel_loop3A_514 = vector.broadcast %parallel_loop3A_513 : i32 to vector<16xi32>
        %parallel_loop3A_515 = arith.subi %parallel_loop3A_514, %parallel_loop3A_512 : vector<16xi32>
        %parallel_loop3A_516 = vector.bitcast %parallel_loop3A_515 : vector<16xi32> to vector<16xf32>
        %parallel_loop3A_517 = arith.constant 5.000000e-01 : f32
        %parallel_loop3A_518 = vector.broadcast %parallel_loop3A_517 : f32 to vector<16xf32>
        %parallel_loop3A_519 = arith.mulf %parallel_loop3A_518, %parallel_loop3A_508 : vector<16xf32>
        %parallel_loop3A_520 = arith.mulf %parallel_loop3A_519, %parallel_loop3A_516 : vector<16xf32>
        %parallel_loop3A_521 = arith.mulf %parallel_loop3A_520, %parallel_loop3A_516 : vector<16xf32>
        %parallel_loop3A_522 = arith.constant 1.500000e+00 : f32
        %parallel_loop3A_523 = vector.broadcast %parallel_loop3A_522 : f32 to vector<16xf32>
        %parallel_loop3A_524 = arith.subf %parallel_loop3A_523, %parallel_loop3A_521 : vector<16xf32>
        %parallel_loop3A_525 = arith.mulf %parallel_loop3A_516, %parallel_loop3A_524 : vector<16xf32>
        %parallel_loop3A_526 = arith.subf %parallel_loop3A_286, %parallel_loop3A_501 : vector<16xf32>
        %parallel_loop3A_527 = arith.mulf %parallel_loop3A_526, %parallel_loop3A_525 : vector<16xf32>
        %parallel_loop3A_528 = arith.mulf %parallel_loop3A_527, %get3A_68 : vector<16xf32>
        %parallel_loop3A_529 = arith.addf %parallel_loop3A_528, %get3A_84 : vector<16xf32>
        %parallel_loop3A_530 = arith.constant 0 : i32
        %parallel_loop3A_531 = arith.constant 0 : i32
        %parallel_loop3A_532 = tpu.memref_slice %arg13[%parallel_loop3A_185, %parallel_loop3A_530, %parallel_loop3A_531] : memref<2x128x128xf32, #tpu.memory_space<vmem>> -> memref<1x128x128xf32, #tpu.memory_space<vmem>>
        %parallel_loop3A_533 = tpu.memref_squeeze %parallel_loop3A_532 : memref<1x128x128xf32, #tpu.memory_space<vmem>> -> memref<128x128xf32, #tpu.memory_space<vmem>>
        %parallel_loop3A_534 = arith.index_cast %parallel_loop3A_254 : i32 to index
        %parallel_loop3A_535 = arith.constant 0 : index
        %parallel_loop3A_536 = tpu.vector_load %parallel_loop3A_533[%parallel_loop3A_534, %parallel_loop3A_535] {strides = array<i32>} : memref<128x128xf32, #tpu.memory_space<vmem>>, vector<16xf32>,
        tpu.vector_store %parallel_loop3A_533[%parallel_loop3A_534, %parallel_loop3A_535], %parallel_loop3A_529 {strides = array<i32>} : memref<128x128xf32, #tpu.memory_space<vmem>>, vector<16xf32>,
        %parallel_loop3A_537 = arith.subf %parallel_loop3A_299, %parallel_loop3A_501 : vector<16xf32>
        %parallel_loop3A_538 = arith.mulf %parallel_loop3A_537, %parallel_loop3A_525 : vector<16xf32>
        %parallel_loop3A_539 = arith.mulf %parallel_loop3A_538, %get3A_70 : vector<16xf32>
        %parallel_loop3A_540 = arith.addf %parallel_loop3A_539, %get3A_86 : vector<16xf32>
        %parallel_loop3A_541 = arith.constant 0 : i32
        %parallel_loop3A_542 = arith.constant 0 : i32
        %parallel_loop3A_543 = tpu.memref_slice %arg13[%parallel_loop3A_185, %parallel_loop3A_541, %parallel_loop3A_542] : memref<2x128x128xf32, #tpu.memory_space<vmem>> -> memref<1x128x128xf32, #tpu.memory_space<vmem>>
        %parallel_loop3A_544 = tpu.memref_squeeze %parallel_loop3A_543 : memref<1x128x128xf32, #tpu.memory_space<vmem>> -> memref<128x128xf32, #tpu.memory_space<vmem>>
        %parallel_loop3A_545 = arith.index_cast %parallel_loop3A_254 : i32 to index
        %parallel_loop3A_546 = arith.constant 16 : index
        %parallel_loop3A_547 = tpu.vector_load %parallel_loop3A_544[%parallel_loop3A_545, %parallel_loop3A_546] {strides = array<i32>} : memref<128x128xf32, #tpu.memory_space<vmem>>, vector<16xf32>,
        tpu.vector_store %parallel_loop3A_544[%parallel_loop3A_545, %parallel_loop3A_546], %parallel_loop3A_540 {strides = array<i32>} : memref<128x128xf32, #tpu.memory_space<vmem>>, vector<16xf32>,
        %parallel_loop3A_548 = arith.subf %parallel_loop3A_312, %parallel_loop3A_501 : vector<16xf32>
        %parallel_loop3A_549 = arith.mulf %parallel_loop3A_548, %parallel_loop3A_525 : vector<16xf32>
        %parallel_loop3A_550 = arith.mulf %parallel_loop3A_549, %get3A_72 : vector<16xf32>
        %parallel_loop3A_551 = arith.addf %parallel_loop3A_550, %get3A_88 : vector<16xf32>
        %parallel_loop3A_552 = arith.constant 0 : i32
        %parallel_loop3A_553 = arith.constant 0 : i32
        %parallel_loop3A_554 = tpu.memref_slice %arg13[%parallel_loop3A_185, %parallel_loop3A_552, %parallel_loop3A_553] : memref<2x128x128xf32, #tpu.memory_space<vmem>> -> memref<1x128x128xf32, #tpu.memory_space<vmem>>
        %parallel_loop3A_555 = tpu.memref_squeeze %parallel_loop3A_554 : memref<1x128x128xf32, #tpu.memory_space<vmem>> -> memref<128x128xf32, #tpu.memory_space<vmem>>
        %parallel_loop3A_556 = arith.index_cast %parallel_loop3A_254 : i32 to index
        %parallel_loop3A_557 = arith.constant 32 : index
        %parallel_loop3A_558 = tpu.vector_load %parallel_loop3A_555[%parallel_loop3A_556, %parallel_loop3A_557] {strides = array<i32>} : memref<128x128xf32, #tpu.memory_space<vmem>>, vector<16xf32>,
        tpu.vector_store %parallel_loop3A_555[%parallel_loop3A_556, %parallel_loop3A_557], %parallel_loop3A_551 {strides = array<i32>} : memref<128x128xf32, #tpu.memory_space<vmem>>, vector<16xf32>,
        %parallel_loop3A_559 = arith.subf %parallel_loop3A_325, %parallel_loop3A_501 : vector<16xf32>
        %parallel_loop3A_560 = arith.mulf %parallel_loop3A_559, %parallel_loop3A_525 : vector<16xf32>
        %parallel_loop3A_561 = arith.mulf %parallel_loop3A_560, %get3A_74 : vector<16xf32>
        %parallel_loop3A_562 = arith.addf %parallel_loop3A_561, %get3A_90 : vector<16xf32>
        %parallel_loop3A_563 = arith.constant 0 : i32
        %parallel_loop3A_564 = arith.constant 0 : i32
        %parallel_loop3A_565 = tpu.memref_slice %arg13[%parallel_loop3A_185, %parallel_loop3A_563, %parallel_loop3A_564] : memref<2x128x128xf32, #tpu.memory_space<vmem>> -> memref<1x128x128xf32, #tpu.memory_space<vmem>>
        %parallel_loop3A_566 = tpu.memref_squeeze %parallel_loop3A_565 : memref<1x128x128xf32, #tpu.memory_space<vmem>> -> memref<128x128xf32, #tpu.memory_space<vmem>>
        %parallel_loop3A_567 = arith.index_cast %parallel_loop3A_254 : i32 to index
        %parallel_loop3A_568 = arith.constant 48 : index
        %parallel_loop3A_569 = tpu.vector_load %parallel_loop3A_566[%parallel_loop3A_567, %parallel_loop3A_568] {strides = array<i32>} : memref<128x128xf32, #tpu.memory_space<vmem>>, vector<16xf32>,
        tpu.vector_store %parallel_loop3A_566[%parallel_loop3A_567, %parallel_loop3A_568], %parallel_loop3A_562 {strides = array<i32>} : memref<128x128xf32, #tpu.memory_space<vmem>>, vector<16xf32>,
        %parallel_loop3A_570 = arith.subf %parallel_loop3A_338, %parallel_loop3A_501 : vector<16xf32>
        %parallel_loop3A_571 = arith.mulf %parallel_loop3A_570, %parallel_loop3A_525 : vector<16xf32>
        %parallel_loop3A_572 = arith.mulf %parallel_loop3A_571, %get3A_76 : vector<16xf32>
        %parallel_loop3A_573 = arith.addf %parallel_loop3A_572, %get3A_92 : vector<16xf32>
        %parallel_loop3A_574 = arith.constant 0 : i32
        %parallel_loop3A_575 = arith.constant 0 : i32
        %parallel_loop3A_576 = tpu.memref_slice %arg13[%parallel_loop3A_185, %parallel_loop3A_574, %parallel_loop3A_575] : memref<2x128x128xf32, #tpu.memory_space<vmem>> -> memref<1x128x128xf32, #tpu.memory_space<vmem>>
        %parallel_loop3A_577 = tpu.memref_squeeze %parallel_loop3A_576 : memref<1x128x128xf32, #tpu.memory_space<vmem>> -> memref<128x128xf32, #tpu.memory_space<vmem>>
        %parallel_loop3A_578 = arith.index_cast %parallel_loop3A_254 : i32 to index
        %parallel_loop3A_579 = arith.constant 64 : index
        %parallel_loop3A_580 = tpu.vector_load %parallel_loop3A_577[%parallel_loop3A_578, %parallel_loop3A_579] {strides = array<i32>} : memref<128x128xf32, #tpu.memory_space<vmem>>, vector<16xf32>,
        tpu.vector_store %parallel_loop3A_577[%parallel_loop3A_578, %parallel_loop3A_579], %parallel_loop3A_573 {strides = array<i32>} : memref<128x128xf32, #tpu.memory_space<vmem>>, vector<16xf32>,
        %parallel_loop3A_581 = arith.subf %parallel_loop3A_351, %parallel_loop3A_501 : vector<16xf32>
        %parallel_loop3A_582 = arith.mulf %parallel_loop3A_581, %parallel_loop3A_525 : vector<16xf32>
        %parallel_loop3A_583 = arith.mulf %parallel_loop3A_582, %get3A_78 : vector<16xf32>
        %parallel_loop3A_584 = arith.addf %parallel_loop3A_583, %get3A_94 : vector<16xf32>
        %parallel_loop3A_585 = arith.constant 0 : i32
        %parallel_loop3A_586 = arith.constant 0 : i32
        %parallel_loop3A_587 = tpu.memref_slice %arg13[%parallel_loop3A_185, %parallel_loop3A_585, %parallel_loop3A_586] : memref<2x128x128xf32, #tpu.memory_space<vmem>> -> memref<1x128x128xf32, #tpu.memory_space<vmem>>
        %parallel_loop3A_588 = tpu.memref_squeeze %parallel_loop3A_587 : memref<1x128x128xf32, #tpu.memory_space<vmem>> -> memref<128x128xf32, #tpu.memory_space<vmem>>
        %parallel_loop3A_589 = arith.index_cast %parallel_loop3A_254 : i32 to index
        %parallel_loop3A_590 = arith.constant 80 : index
        %parallel_loop3A_591 = tpu.vector_load %parallel_loop3A_588[%parallel_loop3A_589, %parallel_loop3A_590] {strides = array<i32>} : memref<128x128xf32, #tpu.memory_space<vmem>>, vector<16xf32>,
        tpu.vector_store %parallel_loop3A_588[%parallel_loop3A_589, %parallel_loop3A_590], %parallel_loop3A_584 {strides = array<i32>} : memref<128x128xf32, #tpu.memory_space<vmem>>, vector<16xf32>,
        %parallel_loop3A_592 = arith.subf %parallel_loop3A_364, %parallel_loop3A_501 : vector<16xf32>
        %parallel_loop3A_593 = arith.mulf %parallel_loop3A_592, %parallel_loop3A_525 : vector<16xf32>
        %parallel_loop3A_594 = arith.mulf %parallel_loop3A_593, %get3A_80 : vector<16xf32>
        %parallel_loop3A_595 = arith.addf %parallel_loop3A_594, %get3A_96 : vector<16xf32>
        %parallel_loop3A_596 = arith.constant 0 : i32
        %parallel_loop3A_597 = arith.constant 0 : i32
        %parallel_loop3A_598 = tpu.memref_slice %arg13[%parallel_loop3A_185, %parallel_loop3A_596, %parallel_loop3A_597] : memref<2x128x128xf32, #tpu.memory_space<vmem>> -> memref<1x128x128xf32, #tpu.memory_space<vmem>>
        %parallel_loop3A_599 = tpu.memref_squeeze %parallel_loop3A_598 : memref<1x128x128xf32, #tpu.memory_space<vmem>> -> memref<128x128xf32, #tpu.memory_space<vmem>>
        %parallel_loop3A_600 = arith.index_cast %parallel_loop3A_254 : i32 to index
        %parallel_loop3A_601 = arith.constant 96 : index
        %parallel_loop3A_602 = tpu.vector_load %parallel_loop3A_599[%parallel_loop3A_600, %parallel_loop3A_601] {strides = array<i32>} : memref<128x128xf32, #tpu.memory_space<vmem>>, vector<16xf32>,
        tpu.vector_store %parallel_loop3A_599[%parallel_loop3A_600, %parallel_loop3A_601], %parallel_loop3A_595 {strides = array<i32>} : memref<128x128xf32, #tpu.memory_space<vmem>>, vector<16xf32>,
        %parallel_loop3A_603 = arith.subf %parallel_loop3A_377, %parallel_loop3A_501 : vector<16xf32>
        %parallel_loop3A_604 = arith.mulf %parallel_loop3A_603, %parallel_loop3A_525 : vector<16xf32>
        %parallel_loop3A_605 = arith.mulf %parallel_loop3A_604, %get3A_82 : vector<16xf32>
        %parallel_loop3A_606 = arith.addf %parallel_loop3A_605, %get3A_98 : vector<16xf32>
        %parallel_loop3A_607 = arith.constant 0 : i32
        %parallel_loop3A_608 = arith.constant 0 : i32
        %parallel_loop3A_609 = tpu.memref_slice %arg13[%parallel_loop3A_185, %parallel_loop3A_607, %parallel_loop3A_608] : memref<2x128x128xf32, #tpu.memory_space<vmem>> -> memref<1x128x128xf32, #tpu.memory_space<vmem>>
        %parallel_loop3A_610 = tpu.memref_squeeze %parallel_loop3A_609 : memref<1x128x128xf32, #tpu.memory_space<vmem>> -> memref<128x128xf32, #tpu.memory_space<vmem>>
        %parallel_loop3A_611 = arith.index_cast %parallel_loop3A_254 : i32 to index
        %parallel_loop3A_612 = arith.constant 112 : index
        %parallel_loop3A_613 = tpu.vector_load %parallel_loop3A_610[%parallel_loop3A_611, %parallel_loop3A_612] {strides = array<i32>} : memref<128x128xf32, #tpu.memory_space<vmem>>, vector<16xf32>,
        tpu.vector_store %parallel_loop3A_610[%parallel_loop3A_611, %parallel_loop3A_612], %parallel_loop3A_606 {strides = array<i32>} : memref<128x128xf32, #tpu.memory_space<vmem>>, vector<16xf32>,
      } {sc.loop_unroll_factor = 2 : i64, sc.parallel_access}
      %add3A_186 = arith.constant 2 : i32
      %add3A_187 = arith.addi %add3A_167, %add3A_186 : i32
      %lt3A = arith.constant 50 : i32
      %lt3A_188 = arith.cmpi slt, %add3A_187, %lt3A : i32
      %convert_element_type3A_189 = arith.extui %lt3A_188 : i1 to i32
      %cond3A_190 = arith.constant 0 : i32
      %cond3A_191 = arith.cmpi ne, %convert_element_type3A_189, %cond3A_190 : i32
      scf.if %cond3A_191 {
        %add3A_254 = arith.constant 2 : i32
        %add3A_255 = arith.addi %add3A_167, %add3A_254 : i32
        %mul3A_256 = arith.constant 128 : i32
        %mul3A_257 = arith.muli %add3A_255, %mul3A_256 : i32
        %dma_start3A_258 = arith.constant 0 : i32
        %dma_start3A_259 = arith.constant 0 : i32
        %dma_start3A_260 = arith.constant 0 : i32
        %dma_start3A_261 = tpu.memref_slice %arg12[%dma_start3A_258, %dma_start3A_259, %dma_start3A_260] : memref<2x128x128xf32, #tpu.memory_space<vmem>> -> memref<1x128x128xf32, #tpu.memory_space<vmem>>
        %dma_start3A_262 = tpu.memref_squeeze %dma_start3A_261 : memref<1x128x128xf32, #tpu.memory_space<vmem>> -> memref<128x128xf32, #tpu.memory_space<vmem>>
        %dma_start3A_263 = tpu.memref_slice %arg10[%mul3A_257] : memref<6400xi32, #tpu.memory_space<vmem>> -> memref<128xi32, #tpu.memory_space<vmem>>
        %dma_start3A_264 = arith.constant 0 : i32
        %dma_start3A_265 = arith.constant 0 : i32
        %dma_start3A_266 = tpu.memref_slice %arg4[%dma_start3A_264, %dma_start3A_265] : memref<100000x128xf32, #tpu.memory_space<hbm>> -> memref<100000x128xf32, #tpu.memory_space<hbm>>
        tpu.enqueue_indirect_dma source(%dma_start3A_266 : memref<100000x128xf32, #tpu.memory_space<hbm>>) target(%dma_start3A_262 : memref<128x128xf32, #tpu.memory_space<vmem>>) offsets(%dma_start3A_263 : memref<128xi32, #tpu.memory_space<vmem>>) semaphore(%arg18 : memref<!tpu.dma_semaphore, #tpu.memory_space<semaphore_mem>>)
      } else {
      }
      %mul3A_192 = arith.constant 128 : i32
      %mul3A_193 = arith.muli %add3A_167, %mul3A_192 : i32
      %add3A_194 = arith.addi %mul3A_2, %mul3A_193 : i32
      %dma_start3A_195 = arith.constant 0 : i32
      %dma_start3A_196 = arith.constant 0 : i32
      %dma_start3A_197 = arith.constant 0 : i32
      %dma_start3A_198 = tpu.memref_slice %arg13[%dma_start3A_195, %dma_start3A_196, %dma_start3A_197] : memref<2x128x128xf32, #tpu.memory_space<vmem>> -> memref<1x128x128xf32, #tpu.memory_space<vmem>>
      %dma_start3A_199 = tpu.memref_squeeze %dma_start3A_198 : memref<1x128x128xf32, #tpu.memory_space<vmem>> -> memref<128x128xf32, #tpu.memory_space<vmem>>
      %dma_start3A_200 = arith.constant 0 : i32
      %dma_start3A_201 = tpu.memref_slice %arg9[%add3A_194, %dma_start3A_200] : memref<204800x128xf32, #tpu.memory_space<hbm>> -> memref<128x128xf32, #tpu.memory_space<hbm>>
      %dma_start3A_202 = arith.constant 0 : i32
      %dma_start3A_203 = tpu.memref_slice %arg9[%add3A_194, %dma_start3A_202] : memref<204800x128xf32, #tpu.memory_space<hbm>> -> memref<128x128xf32, #tpu.memory_space<hbm>>
      %dma_start3A_204 = arith.constant 0 : i32
      %dma_start3A_205 = arith.constant 0 : i32
      %dma_start3A_206 = tpu.memref_slice %arg13[%dma_start3A_195, %dma_start3A_204, %dma_start3A_205] : memref<2x128x128xf32, #tpu.memory_space<vmem>> -> memref<1x128x128xf32, #tpu.memory_space<vmem>>
      %dma_start3A_207 = tpu.memref_squeeze %dma_start3A_206 : memref<1x128x128xf32, #tpu.memory_space<vmem>> -> memref<128x128xf32, #tpu.memory_space<vmem>>
      tpu.enqueue_dma source(%dma_start3A_207 : memref<128x128xf32, #tpu.memory_space<vmem>>) target(%dma_start3A_203 : memref<128x128xf32, #tpu.memory_space<hbm>>) target_semaphore(%arg20 : memref<!tpu.dma_semaphore, #tpu.memory_space<semaphore_mem>>)
      %add3A_208 = arith.constant 1 : i32
      %add3A_209 = arith.addi %mul3A_165, %add3A_208 : i32
      %mul3A_210 = arith.constant 128 : i32
      %mul3A_211 = arith.muli %add3A_209, %mul3A_210 : i32
      %dma_wait3A_212 = arith.constant 1 : i32
      %dma_wait3A_213 = arith.constant 0 : i32
      %dma_wait3A_214 = arith.constant 0 : i32
      %dma_wait3A_215 = tpu.memref_slice %arg12[%dma_wait3A_212, %dma_wait3A_213, %dma_wait3A_214] : memref<2x128x128xf32, #tpu.memory_space<vmem>> -> memref<1x128x128xf32, #tpu.memory_space<vmem>>
      %dma_wait3A_216 = tpu.memref_squeeze %dma_wait3A_215 : memref<1x128x128xf32, #tpu.memory_space<vmem>> -> memref<128x128xf32, #tpu.memory_space<vmem>>
      %dma_wait3A_217 = tpu.memref_slice %arg10[%mul3A_211] : memref<6400xi32, #tpu.memory_space<vmem>> -> memref<128xi32, #tpu.memory_space<vmem>>
      %dma_wait3A_218 = arith.constant 0 : i32
      %dma_wait3A_219 = arith.constant 0 : i32
      %dma_wait3A_220 = tpu.memref_slice %arg4[%dma_wait3A_218, %dma_wait3A_219] : memref<100000x128xf32, #tpu.memory_space<hbm>> -> memref<100000x128xf32, #tpu.memory_space<hbm>>
      tpu.wait_indirect_dma semaphore(%arg19 : memref<!tpu.dma_semaphore, #tpu.memory_space<semaphore_mem>>) src(%dma_wait3A_220 : memref<100000x128xf32, #tpu.memory_space<hbm>>) dst(%dma_wait3A_216 : memref<128x128xf32, #tpu.memory_space<vmem>>)
      %ge3A_221 = arith.constant 2 : i32
      %ge3A_222 = arith.cmpi sge, %add3A_209, %ge3A_221 : i32
      %convert_element_type3A_223 = arith.extui %ge3A_222 : i1 to i32
      %cond3A_224 = arith.constant 0 : i32
      %cond3A_225 = arith.cmpi ne, %convert_element_type3A_223, %cond3A_224 : i32
      scf.if %cond3A_225 {
        %sub3A = arith.constant 2 : i32
        %sub3A_254 = arith.subi %add3A_209, %sub3A : i32
        %mul3A_255 = arith.constant 128 : i32
        %mul3A_256 = arith.muli %sub3A_254, %mul3A_255 : i32
        %add3A_257 = arith.addi %mul3A_2, %mul3A_256 : i32
        %dma_wait3A_258 = arith.constant 1 : i32
        %dma_wait3A_259 = arith.constant 0 : i32
        %dma_wait3A_260 = arith.constant 0 : i32
        %dma_wait3A_261 = tpu.memref_slice %arg13[%dma_wait3A_258, %dma_wait3A_259, %dma_wait3A_260] : memref<2x128x128xf32, #tpu.memory_space<vmem>> -> memref<1x128x128xf32, #tpu.memory_space<vmem>>
        %dma_wait3A_262 = tpu.memref_squeeze %dma_wait3A_261 : memref<1x128x128xf32, #tpu.memory_space<vmem>> -> memref<128x128xf32, #tpu.memory_space<vmem>>
        %dma_wait3A_263 = arith.constant 0 : i32
        %dma_wait3A_264 = tpu.memref_slice %arg9[%add3A_257, %dma_wait3A_263] : memref<204800x128xf32, #tpu.memory_space<hbm>> -> memref<128x128xf32, #tpu.memory_space<hbm>>
        %dma_wait3A_265 = arith.constant 0 : i32
        %dma_wait3A_266 = tpu.memref_slice %arg9[%add3A_257, %dma_wait3A_265] : memref<204800x128xf32, #tpu.memory_space<hbm>> -> memref<128x128xf32, #tpu.memory_space<hbm>>
        %dma_wait3A_267 = arith.constant 0 : i32
        %dma_wait3A_268 = arith.constant 0 : i32
        %dma_wait3A_269 = tpu.memref_slice %arg13[%dma_wait3A_258, %dma_wait3A_267, %dma_wait3A_268] : memref<2x128x128xf32, #tpu.memory_space<vmem>> -> memref<1x128x128xf32, #tpu.memory_space<vmem>>
        %dma_wait3A_270 = tpu.memref_squeeze %dma_wait3A_269 : memref<1x128x128xf32, #tpu.memory_space<vmem>> -> memref<128x128xf32, #tpu.memory_space<vmem>>
        tpu.wait_dma2 semaphore(%arg21 : memref<!tpu.dma_semaphore, #tpu.memory_space<semaphore_mem>>) src(%dma_wait3A_270 : memref<128x128xf32, #tpu.memory_space<vmem>>) dst(%dma_wait3A_266 : memref<128x128xf32, #tpu.memory_space<hbm>>)
      } else {
      }
      %parallel_loop3A_226 = arith.constant 0 : i32
      %parallel_loop3A_227 = arith.constant 128 : i32
      %parallel_loop3A_228 = arith.constant 1 : i32
      %parallel_loop3A_229 = arith.constant 1 : i32
      %parallel_loop3A_230 = arith.constant 1 : i32
      scf.for %parallel_loop3A_254 = %parallel_loop3A_226 to %parallel_loop3A_227 step %parallel_loop3A_228  : i32 {
        %parallel_loop3A_255 = arith.constant 16 : i32
        %parallel_loop3A_256 = arith.remsi %parallel_loop3A_254, %parallel_loop3A_255 : i32
        %parallel_loop3A_257 = arith.constant 128 : i32
        %parallel_loop3A_258 = arith.muli %add3A_209, %parallel_loop3A_257 : i32
        %parallel_loop3A_259 = arith.addi %parallel_loop3A_258, %parallel_loop3A_254 : i32
        %parallel_loop3A_260 = arith.subi %parallel_loop3A_259, %parallel_loop3A_256 : i32
        %parallel_loop3A_261 = arith.index_cast %parallel_loop3A_260 : i32 to index
        %parallel_loop3A_262 = tpu.vector_load %arg11[%parallel_loop3A_261] {strides = array<i32>} : memref<6400xi32, #tpu.memory_space<vmem>>, vector<16xi32>,
        %parallel_loop3A_263 = vector.broadcast %parallel_loop3A_256 : i32 to vector<16xi32>
        %parallel_loop3A_264 = arith.constant 0 : i32
        %parallel_loop3A_265 = vector.broadcast %parallel_loop3A_264 : i32 to vector<16xi32>
        %parallel_loop3A_266 = arith.cmpi slt, %parallel_loop3A_263, %parallel_loop3A_265 : vector<16xi32>
        %parallel_loop3A_267 = arith.constant 16 : i32
        %parallel_loop3A_268 = vector.broadcast %parallel_loop3A_267 : i32 to vector<16xi32>
        %parallel_loop3A_269 = arith.addi %parallel_loop3A_263, %parallel_loop3A_268 : vector<16xi32>
        %parallel_loop3A_270 = arith.select %parallel_loop3A_266, %parallel_loop3A_269, %parallel_loop3A_263 : vector<16xi1>, vector<16xi32>
        %parallel_loop3A_271 = vector.shape_cast %parallel_loop3A_270 : vector<16xi32> to vector<16x1xi32>
        %parallel_loop3A_272 = vector.shape_cast %parallel_loop3A_271 : vector<16x1xi32> to vector<16xi32>
        %parallel_loop3A_273 = tpu.dynamic_gather %parallel_loop3A_262[%parallel_loop3A_272] in [0] : vector<16xi32>, vector<16xi32> -> vector<16xi32>
        %parallel_loop3A_274 = arith.constant 0 : i32
        %parallel_loop3A_275 = vector.broadcast %parallel_loop3A_274 : i32 to vector<16xi32>
        %parallel_loop3A_276 = arith.addi %parallel_loop3A_275, %iota3A : vector<16xi32>
        %parallel_loop3A_277 = arith.addi %parallel_loop3A_273, %parallel_loop3A_276 : vector<16xi32>
        %parallel_loop3A_278 = tpu.vector_load_idx %arg14[%parallel_loop3A_277] : memref<51200xf32, #tpu.memory_space<vmem>>[vector<16xi32>], vector<16xf32>,
        %parallel_loop3A_279 = arith.constant 0 : i32
        %parallel_loop3A_280 = arith.constant 0 : i32
        %parallel_loop3A_281 = tpu.memref_slice %arg12[%parallel_loop3A_229, %parallel_loop3A_279, %parallel_loop3A_280] : memref<2x128x128xf32, #tpu.memory_space<vmem>> -> memref<1x128x128xf32, #tpu.memory_space<vmem>>
        %parallel_loop3A_282 = tpu.memref_squeeze %parallel_loop3A_281 : memref<1x128x128xf32, #tpu.memory_space<vmem>> -> memref<128x128xf32, #tpu.memory_space<vmem>>
        %parallel_loop3A_283 = arith.index_cast %parallel_loop3A_254 : i32 to index
        %parallel_loop3A_284 = arith.constant 0 : index
        %parallel_loop3A_285 = tpu.vector_load %parallel_loop3A_282[%parallel_loop3A_283, %parallel_loop3A_284] {strides = array<i32>} : memref<128x128xf32, #tpu.memory_space<vmem>>, vector<16xf32>,
        %parallel_loop3A_286 = arith.addf %parallel_loop3A_285, %parallel_loop3A_278 : vector<16xf32>
        %parallel_loop3A_287 = arith.constant 16 : i32
        %parallel_loop3A_288 = vector.broadcast %parallel_loop3A_287 : i32 to vector<16xi32>
        %parallel_loop3A_289 = arith.addi %parallel_loop3A_288, %iota3A : vector<16xi32>
        %parallel_loop3A_290 = arith.addi %parallel_loop3A_273, %parallel_loop3A_289 : vector<16xi32>
        %parallel_loop3A_291 = tpu.vector_load_idx %arg14[%parallel_loop3A_290] : memref<51200xf32, #tpu.memory_space<vmem>>[vector<16xi32>], vector<16xf32>,
        %parallel_loop3A_292 = arith.constant 0 : i32
        %parallel_loop3A_293 = arith.constant 0 : i32
        %parallel_loop3A_294 = tpu.memref_slice %arg12[%parallel_loop3A_229, %parallel_loop3A_292, %parallel_loop3A_293] : memref<2x128x128xf32, #tpu.memory_space<vmem>> -> memref<1x128x128xf32, #tpu.memory_space<vmem>>
        %parallel_loop3A_295 = tpu.memref_squeeze %parallel_loop3A_294 : memref<1x128x128xf32, #tpu.memory_space<vmem>> -> memref<128x128xf32, #tpu.memory_space<vmem>>
        %parallel_loop3A_296 = arith.index_cast %parallel_loop3A_254 : i32 to index
        %parallel_loop3A_297 = arith.constant 16 : index
        %parallel_loop3A_298 = tpu.vector_load %parallel_loop3A_295[%parallel_loop3A_296, %parallel_loop3A_297] {strides = array<i32>} : memref<128x128xf32, #tpu.memory_space<vmem>>, vector<16xf32>,
        %parallel_loop3A_299 = arith.addf %parallel_loop3A_298, %parallel_loop3A_291 : vector<16xf32>
        %parallel_loop3A_300 = arith.constant 32 : i32
        %parallel_loop3A_301 = vector.broadcast %parallel_loop3A_300 : i32 to vector<16xi32>
        %parallel_loop3A_302 = arith.addi %parallel_loop3A_301, %iota3A : vector<16xi32>
        %parallel_loop3A_303 = arith.addi %parallel_loop3A_273, %parallel_loop3A_302 : vector<16xi32>
        %parallel_loop3A_304 = tpu.vector_load_idx %arg14[%parallel_loop3A_303] : memref<51200xf32, #tpu.memory_space<vmem>>[vector<16xi32>], vector<16xf32>,
        %parallel_loop3A_305 = arith.constant 0 : i32
        %parallel_loop3A_306 = arith.constant 0 : i32
        %parallel_loop3A_307 = tpu.memref_slice %arg12[%parallel_loop3A_229, %parallel_loop3A_305, %parallel_loop3A_306] : memref<2x128x128xf32, #tpu.memory_space<vmem>> -> memref<1x128x128xf32, #tpu.memory_space<vmem>>
        %parallel_loop3A_308 = tpu.memref_squeeze %parallel_loop3A_307 : memref<1x128x128xf32, #tpu.memory_space<vmem>> -> memref<128x128xf32, #tpu.memory_space<vmem>>
        %parallel_loop3A_309 = arith.index_cast %parallel_loop3A_254 : i32 to index
        %parallel_loop3A_310 = arith.constant 32 : index
        %parallel_loop3A_311 = tpu.vector_load %parallel_loop3A_308[%parallel_loop3A_309, %parallel_loop3A_310] {strides = array<i32>} : memref<128x128xf32, #tpu.memory_space<vmem>>, vector<16xf32>,
        %parallel_loop3A_312 = arith.addf %parallel_loop3A_311, %parallel_loop3A_304 : vector<16xf32>
        %parallel_loop3A_313 = arith.constant 48 : i32
        %parallel_loop3A_314 = vector.broadcast %parallel_loop3A_313 : i32 to vector<16xi32>
        %parallel_loop3A_315 = arith.addi %parallel_loop3A_314, %iota3A : vector<16xi32>
        %parallel_loop3A_316 = arith.addi %parallel_loop3A_273, %parallel_loop3A_315 : vector<16xi32>
        %parallel_loop3A_317 = tpu.vector_load_idx %arg14[%parallel_loop3A_316] : memref<51200xf32, #tpu.memory_space<vmem>>[vector<16xi32>], vector<16xf32>,
        %parallel_loop3A_318 = arith.constant 0 : i32
        %parallel_loop3A_319 = arith.constant 0 : i32
        %parallel_loop3A_320 = tpu.memref_slice %arg12[%parallel_loop3A_229, %parallel_loop3A_318, %parallel_loop3A_319] : memref<2x128x128xf32, #tpu.memory_space<vmem>> -> memref<1x128x128xf32, #tpu.memory_space<vmem>>
        %parallel_loop3A_321 = tpu.memref_squeeze %parallel_loop3A_320 : memref<1x128x128xf32, #tpu.memory_space<vmem>> -> memref<128x128xf32, #tpu.memory_space<vmem>>
        %parallel_loop3A_322 = arith.index_cast %parallel_loop3A_254 : i32 to index
        %parallel_loop3A_323 = arith.constant 48 : index
        %parallel_loop3A_324 = tpu.vector_load %parallel_loop3A_321[%parallel_loop3A_322, %parallel_loop3A_323] {strides = array<i32>} : memref<128x128xf32, #tpu.memory_space<vmem>>, vector<16xf32>,
        %parallel_loop3A_325 = arith.addf %parallel_loop3A_324, %parallel_loop3A_317 : vector<16xf32>
        %parallel_loop3A_326 = arith.constant 64 : i32
        %parallel_loop3A_327 = vector.broadcast %parallel_loop3A_326 : i32 to vector<16xi32>
        %parallel_loop3A_328 = arith.addi %parallel_loop3A_327, %iota3A : vector<16xi32>
        %parallel_loop3A_329 = arith.addi %parallel_loop3A_273, %parallel_loop3A_328 : vector<16xi32>
        %parallel_loop3A_330 = tpu.vector_load_idx %arg14[%parallel_loop3A_329] : memref<51200xf32, #tpu.memory_space<vmem>>[vector<16xi32>], vector<16xf32>,
        %parallel_loop3A_331 = arith.constant 0 : i32
        %parallel_loop3A_332 = arith.constant 0 : i32
        %parallel_loop3A_333 = tpu.memref_slice %arg12[%parallel_loop3A_229, %parallel_loop3A_331, %parallel_loop3A_332] : memref<2x128x128xf32, #tpu.memory_space<vmem>> -> memref<1x128x128xf32, #tpu.memory_space<vmem>>
        %parallel_loop3A_334 = tpu.memref_squeeze %parallel_loop3A_333 : memref<1x128x128xf32, #tpu.memory_space<vmem>> -> memref<128x128xf32, #tpu.memory_space<vmem>>
        %parallel_loop3A_335 = arith.index_cast %parallel_loop3A_254 : i32 to index
        %parallel_loop3A_336 = arith.constant 64 : index
        %parallel_loop3A_337 = tpu.vector_load %parallel_loop3A_334[%parallel_loop3A_335, %parallel_loop3A_336] {strides = array<i32>} : memref<128x128xf32, #tpu.memory_space<vmem>>, vector<16xf32>,
        %parallel_loop3A_338 = arith.addf %parallel_loop3A_337, %parallel_loop3A_330 : vector<16xf32>
        %parallel_loop3A_339 = arith.constant 80 : i32
        %parallel_loop3A_340 = vector.broadcast %parallel_loop3A_339 : i32 to vector<16xi32>
        %parallel_loop3A_341 = arith.addi %parallel_loop3A_340, %iota3A : vector<16xi32>
        %parallel_loop3A_342 = arith.addi %parallel_loop3A_273, %parallel_loop3A_341 : vector<16xi32>
        %parallel_loop3A_343 = tpu.vector_load_idx %arg14[%parallel_loop3A_342] : memref<51200xf32, #tpu.memory_space<vmem>>[vector<16xi32>], vector<16xf32>,
        %parallel_loop3A_344 = arith.constant 0 : i32
        %parallel_loop3A_345 = arith.constant 0 : i32
        %parallel_loop3A_346 = tpu.memref_slice %arg12[%parallel_loop3A_229, %parallel_loop3A_344, %parallel_loop3A_345] : memref<2x128x128xf32, #tpu.memory_space<vmem>> -> memref<1x128x128xf32, #tpu.memory_space<vmem>>
        %parallel_loop3A_347 = tpu.memref_squeeze %parallel_loop3A_346 : memref<1x128x128xf32, #tpu.memory_space<vmem>> -> memref<128x128xf32, #tpu.memory_space<vmem>>
        %parallel_loop3A_348 = arith.index_cast %parallel_loop3A_254 : i32 to index
        %parallel_loop3A_349 = arith.constant 80 : index
        %parallel_loop3A_350 = tpu.vector_load %parallel_loop3A_347[%parallel_loop3A_348, %parallel_loop3A_349] {strides = array<i32>} : memref<128x128xf32, #tpu.memory_space<vmem>>, vector<16xf32>,
        %parallel_loop3A_351 = arith.addf %parallel_loop3A_350, %parallel_loop3A_343 : vector<16xf32>
        %parallel_loop3A_352 = arith.constant 96 : i32
        %parallel_loop3A_353 = vector.broadcast %parallel_loop3A_352 : i32 to vector<16xi32>
        %parallel_loop3A_354 = arith.addi %parallel_loop3A_353, %iota3A : vector<16xi32>
        %parallel_loop3A_355 = arith.addi %parallel_loop3A_273, %parallel_loop3A_354 : vector<16xi32>
        %parallel_loop3A_356 = tpu.vector_load_idx %arg14[%parallel_loop3A_355] : memref<51200xf32, #tpu.memory_space<vmem>>[vector<16xi32>], vector<16xf32>,
        %parallel_loop3A_357 = arith.constant 0 : i32
        %parallel_loop3A_358 = arith.constant 0 : i32
        %parallel_loop3A_359 = tpu.memref_slice %arg12[%parallel_loop3A_229, %parallel_loop3A_357, %parallel_loop3A_358] : memref<2x128x128xf32, #tpu.memory_space<vmem>> -> memref<1x128x128xf32, #tpu.memory_space<vmem>>
        %parallel_loop3A_360 = tpu.memref_squeeze %parallel_loop3A_359 : memref<1x128x128xf32, #tpu.memory_space<vmem>> -> memref<128x128xf32, #tpu.memory_space<vmem>>
        %parallel_loop3A_361 = arith.index_cast %parallel_loop3A_254 : i32 to index
        %parallel_loop3A_362 = arith.constant 96 : index
        %parallel_loop3A_363 = tpu.vector_load %parallel_loop3A_360[%parallel_loop3A_361, %parallel_loop3A_362] {strides = array<i32>} : memref<128x128xf32, #tpu.memory_space<vmem>>, vector<16xf32>,
        %parallel_loop3A_364 = arith.addf %parallel_loop3A_363, %parallel_loop3A_356 : vector<16xf32>
        %parallel_loop3A_365 = arith.constant 112 : i32
        %parallel_loop3A_366 = vector.broadcast %parallel_loop3A_365 : i32 to vector<16xi32>
        %parallel_loop3A_367 = arith.addi %parallel_loop3A_366, %iota3A : vector<16xi32>
        %parallel_loop3A_368 = arith.addi %parallel_loop3A_273, %parallel_loop3A_367 : vector<16xi32>
        %parallel_loop3A_369 = tpu.vector_load_idx %arg14[%parallel_loop3A_368] : memref<51200xf32, #tpu.memory_space<vmem>>[vector<16xi32>], vector<16xf32>,
        %parallel_loop3A_370 = arith.constant 0 : i32
        %parallel_loop3A_371 = arith.constant 0 : i32
        %parallel_loop3A_372 = tpu.memref_slice %arg12[%parallel_loop3A_229, %parallel_loop3A_370, %parallel_loop3A_371] : memref<2x128x128xf32, #tpu.memory_space<vmem>> -> memref<1x128x128xf32, #tpu.memory_space<vmem>>
        %parallel_loop3A_373 = tpu.memref_squeeze %parallel_loop3A_372 : memref<1x128x128xf32, #tpu.memory_space<vmem>> -> memref<128x128xf32, #tpu.memory_space<vmem>>
        %parallel_loop3A_374 = arith.index_cast %parallel_loop3A_254 : i32 to index
        %parallel_loop3A_375 = arith.constant 112 : index
        %parallel_loop3A_376 = tpu.vector_load %parallel_loop3A_373[%parallel_loop3A_374, %parallel_loop3A_375] {strides = array<i32>} : memref<128x128xf32, #tpu.memory_space<vmem>>, vector<16xf32>,
        %parallel_loop3A_377 = arith.addf %parallel_loop3A_376, %parallel_loop3A_369 : vector<16xf32>
        %parallel_loop3A_378 = arith.mulf %parallel_loop3A_286, %parallel_loop3A_286 : vector<16xf32>
        %parallel_loop3A_379 = arith.mulf %parallel_loop3A_299, %parallel_loop3A_299 : vector<16xf32>
        %parallel_loop3A_380 = arith.mulf %parallel_loop3A_312, %parallel_loop3A_312 : vector<16xf32>
        %parallel_loop3A_381 = arith.mulf %parallel_loop3A_325, %parallel_loop3A_325 : vector<16xf32>
        %parallel_loop3A_382 = arith.mulf %parallel_loop3A_338, %parallel_loop3A_338 : vector<16xf32>
        %parallel_loop3A_383 = arith.mulf %parallel_loop3A_351, %parallel_loop3A_351 : vector<16xf32>
        %parallel_loop3A_384 = arith.mulf %parallel_loop3A_364, %parallel_loop3A_364 : vector<16xf32>
        %parallel_loop3A_385 = arith.mulf %parallel_loop3A_377, %parallel_loop3A_377 : vector<16xf32>
        %parallel_loop3A_386 = arith.addf %parallel_loop3A_286, %parallel_loop3A_299 : vector<16xf32>
        %parallel_loop3A_387 = arith.addf %parallel_loop3A_312, %parallel_loop3A_325 : vector<16xf32>
        %parallel_loop3A_388 = arith.addf %parallel_loop3A_338, %parallel_loop3A_351 : vector<16xf32>
        %parallel_loop3A_389 = arith.addf %parallel_loop3A_364, %parallel_loop3A_377 : vector<16xf32>
        %parallel_loop3A_390 = arith.addf %parallel_loop3A_378, %parallel_loop3A_379 : vector<16xf32>
        %parallel_loop3A_391 = arith.addf %parallel_loop3A_380, %parallel_loop3A_381 : vector<16xf32>
        %parallel_loop3A_392 = arith.addf %parallel_loop3A_382, %parallel_loop3A_383 : vector<16xf32>
        %parallel_loop3A_393 = arith.addf %parallel_loop3A_384, %parallel_loop3A_385 : vector<16xf32>
        %parallel_loop3A_394 = arith.addf %parallel_loop3A_386, %parallel_loop3A_387 : vector<16xf32>
        %parallel_loop3A_395 = arith.addf %parallel_loop3A_388, %parallel_loop3A_389 : vector<16xf32>
        %parallel_loop3A_396 = arith.addf %parallel_loop3A_390, %parallel_loop3A_391 : vector<16xf32>
        %parallel_loop3A_397 = arith.addf %parallel_loop3A_392, %parallel_loop3A_393 : vector<16xf32>
        %parallel_loop3A_398 = arith.addf %parallel_loop3A_394, %parallel_loop3A_395 : vector<16xf32>
        %parallel_loop3A_399 = arith.addf %parallel_loop3A_396, %parallel_loop3A_397 : vector<16xf32>
        %parallel_loop3A_400 = arith.constant 8 : i32
        %parallel_loop3A_401 = vector.broadcast %parallel_loop3A_400 : i32 to vector<16xi32>
        %parallel_loop3A_402 = arith.xori %iota3A, %parallel_loop3A_401 : vector<16xi32>
        %parallel_loop3A_403 = arith.constant 0 : i32
        %parallel_loop3A_404 = vector.broadcast %parallel_loop3A_403 : i32 to vector<16xi32>
        %parallel_loop3A_405 = arith.cmpi slt, %parallel_loop3A_402, %parallel_loop3A_404 : vector<16xi32>
        %parallel_loop3A_406 = arith.constant 16 : i32
        %parallel_loop3A_407 = vector.broadcast %parallel_loop3A_406 : i32 to vector<16xi32>
        %parallel_loop3A_408 = arith.addi %parallel_loop3A_402, %parallel_loop3A_407 : vector<16xi32>
        %parallel_loop3A_409 = arith.select %parallel_loop3A_405, %parallel_loop3A_408, %parallel_loop3A_402 : vector<16xi1>, vector<16xi32>
        %parallel_loop3A_410 = vector.shape_cast %parallel_loop3A_409 : vector<16xi32> to vector<16x1xi32>
        %parallel_loop3A_411 = vector.shape_cast %parallel_loop3A_410 : vector<16x1xi32> to vector<16xi32>
        %parallel_loop3A_412 = tpu.dynamic_gather %parallel_loop3A_398[%parallel_loop3A_411] in [0] : vector<16xf32>, vector<16xi32> -> vector<16xf32>
        %parallel_loop3A_413 = arith.addf %parallel_loop3A_398, %parallel_loop3A_412 : vector<16xf32>
        %parallel_loop3A_414 = arith.constant 0 : i32
        %parallel_loop3A_415 = vector.broadcast %parallel_loop3A_414 : i32 to vector<16xi32>
        %parallel_loop3A_416 = arith.cmpi slt, %parallel_loop3A_402, %parallel_loop3A_415 : vector<16xi32>
        %parallel_loop3A_417 = arith.constant 16 : i32
        %parallel_loop3A_418 = vector.broadcast %parallel_loop3A_417 : i32 to vector<16xi32>
        %parallel_loop3A_419 = arith.addi %parallel_loop3A_402, %parallel_loop3A_418 : vector<16xi32>
        %parallel_loop3A_420 = arith.select %parallel_loop3A_416, %parallel_loop3A_419, %parallel_loop3A_402 : vector<16xi1>, vector<16xi32>
        %parallel_loop3A_421 = vector.shape_cast %parallel_loop3A_420 : vector<16xi32> to vector<16x1xi32>
        %parallel_loop3A_422 = vector.shape_cast %parallel_loop3A_421 : vector<16x1xi32> to vector<16xi32>
        %parallel_loop3A_423 = tpu.dynamic_gather %parallel_loop3A_399[%parallel_loop3A_422] in [0] : vector<16xf32>, vector<16xi32> -> vector<16xf32>
        %parallel_loop3A_424 = arith.addf %parallel_loop3A_399, %parallel_loop3A_423 : vector<16xf32>
        %parallel_loop3A_425 = arith.constant 4 : i32
        %parallel_loop3A_426 = vector.broadcast %parallel_loop3A_425 : i32 to vector<16xi32>
        %parallel_loop3A_427 = arith.xori %iota3A, %parallel_loop3A_426 : vector<16xi32>
        %parallel_loop3A_428 = arith.constant 0 : i32
        %parallel_loop3A_429 = vector.broadcast %parallel_loop3A_428 : i32 to vector<16xi32>
        %parallel_loop3A_430 = arith.cmpi slt, %parallel_loop3A_427, %parallel_loop3A_429 : vector<16xi32>
        %parallel_loop3A_431 = arith.constant 16 : i32
        %parallel_loop3A_432 = vector.broadcast %parallel_loop3A_431 : i32 to vector<16xi32>
        %parallel_loop3A_433 = arith.addi %parallel_loop3A_427, %parallel_loop3A_432 : vector<16xi32>
        %parallel_loop3A_434 = arith.select %parallel_loop3A_430, %parallel_loop3A_433, %parallel_loop3A_427 : vector<16xi1>, vector<16xi32>
        %parallel_loop3A_435 = vector.shape_cast %parallel_loop3A_434 : vector<16xi32> to vector<16x1xi32>
        %parallel_loop3A_436 = vector.shape_cast %parallel_loop3A_435 : vector<16x1xi32> to vector<16xi32>
        %parallel_loop3A_437 = tpu.dynamic_gather %parallel_loop3A_413[%parallel_loop3A_436] in [0] : vector<16xf32>, vector<16xi32> -> vector<16xf32>
        %parallel_loop3A_438 = arith.addf %parallel_loop3A_413, %parallel_loop3A_437 : vector<16xf32>
        %parallel_loop3A_439 = arith.constant 0 : i32
        %parallel_loop3A_440 = vector.broadcast %parallel_loop3A_439 : i32 to vector<16xi32>
        %parallel_loop3A_441 = arith.cmpi slt, %parallel_loop3A_427, %parallel_loop3A_440 : vector<16xi32>
        %parallel_loop3A_442 = arith.constant 16 : i32
        %parallel_loop3A_443 = vector.broadcast %parallel_loop3A_442 : i32 to vector<16xi32>
        %parallel_loop3A_444 = arith.addi %parallel_loop3A_427, %parallel_loop3A_443 : vector<16xi32>
        %parallel_loop3A_445 = arith.select %parallel_loop3A_441, %parallel_loop3A_444, %parallel_loop3A_427 : vector<16xi1>, vector<16xi32>
        %parallel_loop3A_446 = vector.shape_cast %parallel_loop3A_445 : vector<16xi32> to vector<16x1xi32>
        %parallel_loop3A_447 = vector.shape_cast %parallel_loop3A_446 : vector<16x1xi32> to vector<16xi32>
        %parallel_loop3A_448 = tpu.dynamic_gather %parallel_loop3A_424[%parallel_loop3A_447] in [0] : vector<16xf32>, vector<16xi32> -> vector<16xf32>
        %parallel_loop3A_449 = arith.addf %parallel_loop3A_424, %parallel_loop3A_448 : vector<16xf32>
        %parallel_loop3A_450 = arith.constant 2 : i32
        %parallel_loop3A_451 = vector.broadcast %parallel_loop3A_450 : i32 to vector<16xi32>
        %parallel_loop3A_452 = arith.xori %iota3A, %parallel_loop3A_451 : vector<16xi32>
        %parallel_loop3A_453 = arith.constant 0 : i32
        %parallel_loop3A_454 = vector.broadcast %parallel_loop3A_453 : i32 to vector<16xi32>
        %parallel_loop3A_455 = arith.cmpi slt, %parallel_loop3A_452, %parallel_loop3A_454 : vector<16xi32>
        %parallel_loop3A_456 = arith.constant 16 : i32
        %parallel_loop3A_457 = vector.broadcast %parallel_loop3A_456 : i32 to vector<16xi32>
        %parallel_loop3A_458 = arith.addi %parallel_loop3A_452, %parallel_loop3A_457 : vector<16xi32>
        %parallel_loop3A_459 = arith.select %parallel_loop3A_455, %parallel_loop3A_458, %parallel_loop3A_452 : vector<16xi1>, vector<16xi32>
        %parallel_loop3A_460 = vector.shape_cast %parallel_loop3A_459 : vector<16xi32> to vector<16x1xi32>
        %parallel_loop3A_461 = vector.shape_cast %parallel_loop3A_460 : vector<16x1xi32> to vector<16xi32>
        %parallel_loop3A_462 = tpu.dynamic_gather %parallel_loop3A_438[%parallel_loop3A_461] in [0] : vector<16xf32>, vector<16xi32> -> vector<16xf32>
        %parallel_loop3A_463 = arith.addf %parallel_loop3A_438, %parallel_loop3A_462 : vector<16xf32>
        %parallel_loop3A_464 = arith.constant 0 : i32
        %parallel_loop3A_465 = vector.broadcast %parallel_loop3A_464 : i32 to vector<16xi32>
        %parallel_loop3A_466 = arith.cmpi slt, %parallel_loop3A_452, %parallel_loop3A_465 : vector<16xi32>
        %parallel_loop3A_467 = arith.constant 16 : i32
        %parallel_loop3A_468 = vector.broadcast %parallel_loop3A_467 : i32 to vector<16xi32>
        %parallel_loop3A_469 = arith.addi %parallel_loop3A_452, %parallel_loop3A_468 : vector<16xi32>
        %parallel_loop3A_470 = arith.select %parallel_loop3A_466, %parallel_loop3A_469, %parallel_loop3A_452 : vector<16xi1>, vector<16xi32>
        %parallel_loop3A_471 = vector.shape_cast %parallel_loop3A_470 : vector<16xi32> to vector<16x1xi32>
        %parallel_loop3A_472 = vector.shape_cast %parallel_loop3A_471 : vector<16x1xi32> to vector<16xi32>
        %parallel_loop3A_473 = tpu.dynamic_gather %parallel_loop3A_449[%parallel_loop3A_472] in [0] : vector<16xf32>, vector<16xi32> -> vector<16xf32>
        %parallel_loop3A_474 = arith.addf %parallel_loop3A_449, %parallel_loop3A_473 : vector<16xf32>
        %parallel_loop3A_475 = arith.constant 1 : i32
        %parallel_loop3A_476 = vector.broadcast %parallel_loop3A_475 : i32 to vector<16xi32>
        %parallel_loop3A_477 = arith.xori %iota3A, %parallel_loop3A_476 : vector<16xi32>
        %parallel_loop3A_478 = arith.constant 0 : i32
        %parallel_loop3A_479 = vector.broadcast %parallel_loop3A_478 : i32 to vector<16xi32>
        %parallel_loop3A_480 = arith.cmpi slt, %parallel_loop3A_477, %parallel_loop3A_479 : vector<16xi32>
        %parallel_loop3A_481 = arith.constant 16 : i32
        %parallel_loop3A_482 = vector.broadcast %parallel_loop3A_481 : i32 to vector<16xi32>
        %parallel_loop3A_483 = arith.addi %parallel_loop3A_477, %parallel_loop3A_482 : vector<16xi32>
        %parallel_loop3A_484 = arith.select %parallel_loop3A_480, %parallel_loop3A_483, %parallel_loop3A_477 : vector<16xi1>, vector<16xi32>
        %parallel_loop3A_485 = vector.shape_cast %parallel_loop3A_484 : vector<16xi32> to vector<16x1xi32>
        %parallel_loop3A_486 = vector.shape_cast %parallel_loop3A_485 : vector<16x1xi32> to vector<16xi32>
        %parallel_loop3A_487 = tpu.dynamic_gather %parallel_loop3A_463[%parallel_loop3A_486] in [0] : vector<16xf32>, vector<16xi32> -> vector<16xf32>
        %parallel_loop3A_488 = arith.addf %parallel_loop3A_463, %parallel_loop3A_487 : vector<16xf32>
        %parallel_loop3A_489 = arith.constant 0 : i32
        %parallel_loop3A_490 = vector.broadcast %parallel_loop3A_489 : i32 to vector<16xi32>
        %parallel_loop3A_491 = arith.cmpi slt, %parallel_loop3A_477, %parallel_loop3A_490 : vector<16xi32>
        %parallel_loop3A_492 = arith.constant 16 : i32
        %parallel_loop3A_493 = vector.broadcast %parallel_loop3A_492 : i32 to vector<16xi32>
        %parallel_loop3A_494 = arith.addi %parallel_loop3A_477, %parallel_loop3A_493 : vector<16xi32>
        %parallel_loop3A_495 = arith.select %parallel_loop3A_491, %parallel_loop3A_494, %parallel_loop3A_477 : vector<16xi1>, vector<16xi32>
        %parallel_loop3A_496 = vector.shape_cast %parallel_loop3A_495 : vector<16xi32> to vector<16x1xi32>
        %parallel_loop3A_497 = vector.shape_cast %parallel_loop3A_496 : vector<16x1xi32> to vector<16xi32>
        %parallel_loop3A_498 = tpu.dynamic_gather %parallel_loop3A_474[%parallel_loop3A_497] in [0] : vector<16xf32>, vector<16xi32> -> vector<16xf32>
        %parallel_loop3A_499 = arith.addf %parallel_loop3A_474, %parallel_loop3A_498 : vector<16xf32>
        %parallel_loop3A_500 = vector.broadcast %scan3A_128 : f32 to vector<16xf32>
        %parallel_loop3A_501 = arith.mulf %parallel_loop3A_488, %parallel_loop3A_500 : vector<16xf32>
        %parallel_loop3A_502 = vector.broadcast %scan3A_128 : f32 to vector<16xf32>
        %parallel_loop3A_503 = arith.mulf %parallel_loop3A_499, %parallel_loop3A_502 : vector<16xf32>
        %parallel_loop3A_504 = arith.mulf %parallel_loop3A_501, %parallel_loop3A_501 : vector<16xf32>
        %parallel_loop3A_505 = arith.subf %parallel_loop3A_503, %parallel_loop3A_504 : vector<16xf32>
        %parallel_loop3A_506 = arith.constant 9.99999974E-6 : f32
        %parallel_loop3A_507 = vector.broadcast %parallel_loop3A_506 : f32 to vector<16xf32>
        %parallel_loop3A_508 = arith.addf %parallel_loop3A_505, %parallel_loop3A_507 : vector<16xf32>
        %parallel_loop3A_509 = vector.bitcast %parallel_loop3A_508 : vector<16xf32> to vector<16xi32>
        %parallel_loop3A_510 = arith.constant 1 : i32
        %parallel_loop3A_511 = vector.broadcast %parallel_loop3A_510 : i32 to vector<16xi32>
        %parallel_loop3A_512 = arith.shrsi %parallel_loop3A_509, %parallel_loop3A_511 : vector<16xi32>
        %parallel_loop3A_513 = arith.constant 1597463007 : i32
        %parallel_loop3A_514 = vector.broadcast %parallel_loop3A_513 : i32 to vector<16xi32>
        %parallel_loop3A_515 = arith.subi %parallel_loop3A_514, %parallel_loop3A_512 : vector<16xi32>
        %parallel_loop3A_516 = vector.bitcast %parallel_loop3A_515 : vector<16xi32> to vector<16xf32>
        %parallel_loop3A_517 = arith.constant 5.000000e-01 : f32
        %parallel_loop3A_518 = vector.broadcast %parallel_loop3A_517 : f32 to vector<16xf32>
        %parallel_loop3A_519 = arith.mulf %parallel_loop3A_518, %parallel_loop3A_508 : vector<16xf32>
        %parallel_loop3A_520 = arith.mulf %parallel_loop3A_519, %parallel_loop3A_516 : vector<16xf32>
        %parallel_loop3A_521 = arith.mulf %parallel_loop3A_520, %parallel_loop3A_516 : vector<16xf32>
        %parallel_loop3A_522 = arith.constant 1.500000e+00 : f32
        %parallel_loop3A_523 = vector.broadcast %parallel_loop3A_522 : f32 to vector<16xf32>
        %parallel_loop3A_524 = arith.subf %parallel_loop3A_523, %parallel_loop3A_521 : vector<16xf32>
        %parallel_loop3A_525 = arith.mulf %parallel_loop3A_516, %parallel_loop3A_524 : vector<16xf32>
        %parallel_loop3A_526 = arith.subf %parallel_loop3A_286, %parallel_loop3A_501 : vector<16xf32>
        %parallel_loop3A_527 = arith.mulf %parallel_loop3A_526, %parallel_loop3A_525 : vector<16xf32>
        %parallel_loop3A_528 = arith.mulf %parallel_loop3A_527, %get3A_68 : vector<16xf32>
        %parallel_loop3A_529 = arith.addf %parallel_loop3A_528, %get3A_84 : vector<16xf32>
        %parallel_loop3A_530 = arith.constant 0 : i32
        %parallel_loop3A_531 = arith.constant 0 : i32
        %parallel_loop3A_532 = tpu.memref_slice %arg13[%parallel_loop3A_230, %parallel_loop3A_530, %parallel_loop3A_531] : memref<2x128x128xf32, #tpu.memory_space<vmem>> -> memref<1x128x128xf32, #tpu.memory_space<vmem>>
        %parallel_loop3A_533 = tpu.memref_squeeze %parallel_loop3A_532 : memref<1x128x128xf32, #tpu.memory_space<vmem>> -> memref<128x128xf32, #tpu.memory_space<vmem>>
        %parallel_loop3A_534 = arith.index_cast %parallel_loop3A_254 : i32 to index
        %parallel_loop3A_535 = arith.constant 0 : index
        %parallel_loop3A_536 = tpu.vector_load %parallel_loop3A_533[%parallel_loop3A_534, %parallel_loop3A_535] {strides = array<i32>} : memref<128x128xf32, #tpu.memory_space<vmem>>, vector<16xf32>,
        tpu.vector_store %parallel_loop3A_533[%parallel_loop3A_534, %parallel_loop3A_535], %parallel_loop3A_529 {strides = array<i32>} : memref<128x128xf32, #tpu.memory_space<vmem>>, vector<16xf32>,
        %parallel_loop3A_537 = arith.subf %parallel_loop3A_299, %parallel_loop3A_501 : vector<16xf32>
        %parallel_loop3A_538 = arith.mulf %parallel_loop3A_537, %parallel_loop3A_525 : vector<16xf32>
        %parallel_loop3A_539 = arith.mulf %parallel_loop3A_538, %get3A_70 : vector<16xf32>
        %parallel_loop3A_540 = arith.addf %parallel_loop3A_539, %get3A_86 : vector<16xf32>
        %parallel_loop3A_541 = arith.constant 0 : i32
        %parallel_loop3A_542 = arith.constant 0 : i32
        %parallel_loop3A_543 = tpu.memref_slice %arg13[%parallel_loop3A_230, %parallel_loop3A_541, %parallel_loop3A_542] : memref<2x128x128xf32, #tpu.memory_space<vmem>> -> memref<1x128x128xf32, #tpu.memory_space<vmem>>
        %parallel_loop3A_544 = tpu.memref_squeeze %parallel_loop3A_543 : memref<1x128x128xf32, #tpu.memory_space<vmem>> -> memref<128x128xf32, #tpu.memory_space<vmem>>
        %parallel_loop3A_545 = arith.index_cast %parallel_loop3A_254 : i32 to index
        %parallel_loop3A_546 = arith.constant 16 : index
        %parallel_loop3A_547 = tpu.vector_load %parallel_loop3A_544[%parallel_loop3A_545, %parallel_loop3A_546] {strides = array<i32>} : memref<128x128xf32, #tpu.memory_space<vmem>>, vector<16xf32>,
        tpu.vector_store %parallel_loop3A_544[%parallel_loop3A_545, %parallel_loop3A_546], %parallel_loop3A_540 {strides = array<i32>} : memref<128x128xf32, #tpu.memory_space<vmem>>, vector<16xf32>,
        %parallel_loop3A_548 = arith.subf %parallel_loop3A_312, %parallel_loop3A_501 : vector<16xf32>
        %parallel_loop3A_549 = arith.mulf %parallel_loop3A_548, %parallel_loop3A_525 : vector<16xf32>
        %parallel_loop3A_550 = arith.mulf %parallel_loop3A_549, %get3A_72 : vector<16xf32>
        %parallel_loop3A_551 = arith.addf %parallel_loop3A_550, %get3A_88 : vector<16xf32>
        %parallel_loop3A_552 = arith.constant 0 : i32
        %parallel_loop3A_553 = arith.constant 0 : i32
        %parallel_loop3A_554 = tpu.memref_slice %arg13[%parallel_loop3A_230, %parallel_loop3A_552, %parallel_loop3A_553] : memref<2x128x128xf32, #tpu.memory_space<vmem>> -> memref<1x128x128xf32, #tpu.memory_space<vmem>>
        %parallel_loop3A_555 = tpu.memref_squeeze %parallel_loop3A_554 : memref<1x128x128xf32, #tpu.memory_space<vmem>> -> memref<128x128xf32, #tpu.memory_space<vmem>>
        %parallel_loop3A_556 = arith.index_cast %parallel_loop3A_254 : i32 to index
        %parallel_loop3A_557 = arith.constant 32 : index
        %parallel_loop3A_558 = tpu.vector_load %parallel_loop3A_555[%parallel_loop3A_556, %parallel_loop3A_557] {strides = array<i32>} : memref<128x128xf32, #tpu.memory_space<vmem>>, vector<16xf32>,
        tpu.vector_store %parallel_loop3A_555[%parallel_loop3A_556, %parallel_loop3A_557], %parallel_loop3A_551 {strides = array<i32>} : memref<128x128xf32, #tpu.memory_space<vmem>>, vector<16xf32>,
        %parallel_loop3A_559 = arith.subf %parallel_loop3A_325, %parallel_loop3A_501 : vector<16xf32>
        %parallel_loop3A_560 = arith.mulf %parallel_loop3A_559, %parallel_loop3A_525 : vector<16xf32>
        %parallel_loop3A_561 = arith.mulf %parallel_loop3A_560, %get3A_74 : vector<16xf32>
        %parallel_loop3A_562 = arith.addf %parallel_loop3A_561, %get3A_90 : vector<16xf32>
        %parallel_loop3A_563 = arith.constant 0 : i32
        %parallel_loop3A_564 = arith.constant 0 : i32
        %parallel_loop3A_565 = tpu.memref_slice %arg13[%parallel_loop3A_230, %parallel_loop3A_563, %parallel_loop3A_564] : memref<2x128x128xf32, #tpu.memory_space<vmem>> -> memref<1x128x128xf32, #tpu.memory_space<vmem>>
        %parallel_loop3A_566 = tpu.memref_squeeze %parallel_loop3A_565 : memref<1x128x128xf32, #tpu.memory_space<vmem>> -> memref<128x128xf32, #tpu.memory_space<vmem>>
        %parallel_loop3A_567 = arith.index_cast %parallel_loop3A_254 : i32 to index
        %parallel_loop3A_568 = arith.constant 48 : index
        %parallel_loop3A_569 = tpu.vector_load %parallel_loop3A_566[%parallel_loop3A_567, %parallel_loop3A_568] {strides = array<i32>} : memref<128x128xf32, #tpu.memory_space<vmem>>, vector<16xf32>,
        tpu.vector_store %parallel_loop3A_566[%parallel_loop3A_567, %parallel_loop3A_568], %parallel_loop3A_562 {strides = array<i32>} : memref<128x128xf32, #tpu.memory_space<vmem>>, vector<16xf32>,
        %parallel_loop3A_570 = arith.subf %parallel_loop3A_338, %parallel_loop3A_501 : vector<16xf32>
        %parallel_loop3A_571 = arith.mulf %parallel_loop3A_570, %parallel_loop3A_525 : vector<16xf32>
        %parallel_loop3A_572 = arith.mulf %parallel_loop3A_571, %get3A_76 : vector<16xf32>
        %parallel_loop3A_573 = arith.addf %parallel_loop3A_572, %get3A_92 : vector<16xf32>
        %parallel_loop3A_574 = arith.constant 0 : i32
        %parallel_loop3A_575 = arith.constant 0 : i32
        %parallel_loop3A_576 = tpu.memref_slice %arg13[%parallel_loop3A_230, %parallel_loop3A_574, %parallel_loop3A_575] : memref<2x128x128xf32, #tpu.memory_space<vmem>> -> memref<1x128x128xf32, #tpu.memory_space<vmem>>
        %parallel_loop3A_577 = tpu.memref_squeeze %parallel_loop3A_576 : memref<1x128x128xf32, #tpu.memory_space<vmem>> -> memref<128x128xf32, #tpu.memory_space<vmem>>
        %parallel_loop3A_578 = arith.index_cast %parallel_loop3A_254 : i32 to index
        %parallel_loop3A_579 = arith.constant 64 : index
        %parallel_loop3A_580 = tpu.vector_load %parallel_loop3A_577[%parallel_loop3A_578, %parallel_loop3A_579] {strides = array<i32>} : memref<128x128xf32, #tpu.memory_space<vmem>>, vector<16xf32>,
        tpu.vector_store %parallel_loop3A_577[%parallel_loop3A_578, %parallel_loop3A_579], %parallel_loop3A_573 {strides = array<i32>} : memref<128x128xf32, #tpu.memory_space<vmem>>, vector<16xf32>,
        %parallel_loop3A_581 = arith.subf %parallel_loop3A_351, %parallel_loop3A_501 : vector<16xf32>
        %parallel_loop3A_582 = arith.mulf %parallel_loop3A_581, %parallel_loop3A_525 : vector<16xf32>
        %parallel_loop3A_583 = arith.mulf %parallel_loop3A_582, %get3A_78 : vector<16xf32>
        %parallel_loop3A_584 = arith.addf %parallel_loop3A_583, %get3A_94 : vector<16xf32>
        %parallel_loop3A_585 = arith.constant 0 : i32
        %parallel_loop3A_586 = arith.constant 0 : i32
        %parallel_loop3A_587 = tpu.memref_slice %arg13[%parallel_loop3A_230, %parallel_loop3A_585, %parallel_loop3A_586] : memref<2x128x128xf32, #tpu.memory_space<vmem>> -> memref<1x128x128xf32, #tpu.memory_space<vmem>>
        %parallel_loop3A_588 = tpu.memref_squeeze %parallel_loop3A_587 : memref<1x128x128xf32, #tpu.memory_space<vmem>> -> memref<128x128xf32, #tpu.memory_space<vmem>>
        %parallel_loop3A_589 = arith.index_cast %parallel_loop3A_254 : i32 to index
        %parallel_loop3A_590 = arith.constant 80 : index
        %parallel_loop3A_591 = tpu.vector_load %parallel_loop3A_588[%parallel_loop3A_589, %parallel_loop3A_590] {strides = array<i32>} : memref<128x128xf32, #tpu.memory_space<vmem>>, vector<16xf32>,
        tpu.vector_store %parallel_loop3A_588[%parallel_loop3A_589, %parallel_loop3A_590], %parallel_loop3A_584 {strides = array<i32>} : memref<128x128xf32, #tpu.memory_space<vmem>>, vector<16xf32>,
        %parallel_loop3A_592 = arith.subf %parallel_loop3A_364, %parallel_loop3A_501 : vector<16xf32>
        %parallel_loop3A_593 = arith.mulf %parallel_loop3A_592, %parallel_loop3A_525 : vector<16xf32>
        %parallel_loop3A_594 = arith.mulf %parallel_loop3A_593, %get3A_80 : vector<16xf32>
        %parallel_loop3A_595 = arith.addf %parallel_loop3A_594, %get3A_96 : vector<16xf32>
        %parallel_loop3A_596 = arith.constant 0 : i32
        %parallel_loop3A_597 = arith.constant 0 : i32
        %parallel_loop3A_598 = tpu.memref_slice %arg13[%parallel_loop3A_230, %parallel_loop3A_596, %parallel_loop3A_597] : memref<2x128x128xf32, #tpu.memory_space<vmem>> -> memref<1x128x128xf32, #tpu.memory_space<vmem>>
        %parallel_loop3A_599 = tpu.memref_squeeze %parallel_loop3A_598 : memref<1x128x128xf32, #tpu.memory_space<vmem>> -> memref<128x128xf32, #tpu.memory_space<vmem>>
        %parallel_loop3A_600 = arith.index_cast %parallel_loop3A_254 : i32 to index
        %parallel_loop3A_601 = arith.constant 96 : index
        %parallel_loop3A_602 = tpu.vector_load %parallel_loop3A_599[%parallel_loop3A_600, %parallel_loop3A_601] {strides = array<i32>} : memref<128x128xf32, #tpu.memory_space<vmem>>, vector<16xf32>,
        tpu.vector_store %parallel_loop3A_599[%parallel_loop3A_600, %parallel_loop3A_601], %parallel_loop3A_595 {strides = array<i32>} : memref<128x128xf32, #tpu.memory_space<vmem>>, vector<16xf32>,
        %parallel_loop3A_603 = arith.subf %parallel_loop3A_377, %parallel_loop3A_501 : vector<16xf32>
        %parallel_loop3A_604 = arith.mulf %parallel_loop3A_603, %parallel_loop3A_525 : vector<16xf32>
        %parallel_loop3A_605 = arith.mulf %parallel_loop3A_604, %get3A_82 : vector<16xf32>
        %parallel_loop3A_606 = arith.addf %parallel_loop3A_605, %get3A_98 : vector<16xf32>
        %parallel_loop3A_607 = arith.constant 0 : i32
        %parallel_loop3A_608 = arith.constant 0 : i32
        %parallel_loop3A_609 = tpu.memref_slice %arg13[%parallel_loop3A_230, %parallel_loop3A_607, %parallel_loop3A_608] : memref<2x128x128xf32, #tpu.memory_space<vmem>> -> memref<1x128x128xf32, #tpu.memory_space<vmem>>
        %parallel_loop3A_610 = tpu.memref_squeeze %parallel_loop3A_609 : memref<1x128x128xf32, #tpu.memory_space<vmem>> -> memref<128x128xf32, #tpu.memory_space<vmem>>
        %parallel_loop3A_611 = arith.index_cast %parallel_loop3A_254 : i32 to index
        %parallel_loop3A_612 = arith.constant 112 : index
        %parallel_loop3A_613 = tpu.vector_load %parallel_loop3A_610[%parallel_loop3A_611, %parallel_loop3A_612] {strides = array<i32>} : memref<128x128xf32, #tpu.memory_space<vmem>>, vector<16xf32>,
        tpu.vector_store %parallel_loop3A_610[%parallel_loop3A_611, %parallel_loop3A_612], %parallel_loop3A_606 {strides = array<i32>} : memref<128x128xf32, #tpu.memory_space<vmem>>, vector<16xf32>,
      } {sc.loop_unroll_factor = 2 : i64, sc.parallel_access}
      %add3A_231 = arith.constant 2 : i32
      %add3A_232 = arith.addi %add3A_209, %add3A_231 : i32
      %lt3A_233 = arith.constant 50 : i32
      %lt3A_234 = arith.cmpi slt, %add3A_232, %lt3A_233 : i32
      %convert_element_type3A_235 = arith.extui %lt3A_234 : i1 to i32
      %cond3A_236 = arith.constant 0 : i32
      %cond3A_237 = arith.cmpi ne, %convert_element_type3A_235, %cond3A_236 : i32
      scf.if %cond3A_237 {
        %add3A_254 = arith.constant 2 : i32
        %add3A_255 = arith.addi %add3A_209, %add3A_254 : i32
        %mul3A_256 = arith.constant 128 : i32
        %mul3A_257 = arith.muli %add3A_255, %mul3A_256 : i32
        %dma_start3A_258 = arith.constant 1 : i32
        %dma_start3A_259 = arith.constant 0 : i32
        %dma_start3A_260 = arith.constant 0 : i32
        %dma_start3A_261 = tpu.memref_slice %arg12[%dma_start3A_258, %dma_start3A_259, %dma_start3A_260] : memref<2x128x128xf32, #tpu.memory_space<vmem>> -> memref<1x128x128xf32, #tpu.memory_space<vmem>>
        %dma_start3A_262 = tpu.memref_squeeze %dma_start3A_261 : memref<1x128x128xf32, #tpu.memory_space<vmem>> -> memref<128x128xf32, #tpu.memory_space<vmem>>
        %dma_start3A_263 = tpu.memref_slice %arg10[%mul3A_257] : memref<6400xi32, #tpu.memory_space<vmem>> -> memref<128xi32, #tpu.memory_space<vmem>>
        %dma_start3A_264 = arith.constant 0 : i32
        %dma_start3A_265 = arith.constant 0 : i32
        %dma_start3A_266 = tpu.memref_slice %arg4[%dma_start3A_264, %dma_start3A_265] : memref<100000x128xf32, #tpu.memory_space<hbm>> -> memref<100000x128xf32, #tpu.memory_space<hbm>>
        tpu.enqueue_indirect_dma source(%dma_start3A_266 : memref<100000x128xf32, #tpu.memory_space<hbm>>) target(%dma_start3A_262 : memref<128x128xf32, #tpu.memory_space<vmem>>) offsets(%dma_start3A_263 : memref<128xi32, #tpu.memory_space<vmem>>) semaphore(%arg19 : memref<!tpu.dma_semaphore, #tpu.memory_space<semaphore_mem>>)
      } else {
      }
      %mul3A_238 = arith.constant 128 : i32
      %mul3A_239 = arith.muli %add3A_209, %mul3A_238 : i32
      %add3A_240 = arith.addi %mul3A_2, %mul3A_239 : i32
      %dma_start3A_241 = arith.constant 1 : i32
      %dma_start3A_242 = arith.constant 0 : i32
      %dma_start3A_243 = arith.constant 0 : i32
      %dma_start3A_244 = tpu.memref_slice %arg13[%dma_start3A_241, %dma_start3A_242, %dma_start3A_243] : memref<2x128x128xf32, #tpu.memory_space<vmem>> -> memref<1x128x128xf32, #tpu.memory_space<vmem>>
      %dma_start3A_245 = tpu.memref_squeeze %dma_start3A_244 : memref<1x128x128xf32, #tpu.memory_space<vmem>> -> memref<128x128xf32, #tpu.memory_space<vmem>>
      %dma_start3A_246 = arith.constant 0 : i32
      %dma_start3A_247 = tpu.memref_slice %arg9[%add3A_240, %dma_start3A_246] : memref<204800x128xf32, #tpu.memory_space<hbm>> -> memref<128x128xf32, #tpu.memory_space<hbm>>
      %dma_start3A_248 = arith.constant 0 : i32
      %dma_start3A_249 = tpu.memref_slice %arg9[%add3A_240, %dma_start3A_248] : memref<204800x128xf32, #tpu.memory_space<hbm>> -> memref<128x128xf32, #tpu.memory_space<hbm>>
      %dma_start3A_250 = arith.constant 0 : i32
      %dma_start3A_251 = arith.constant 0 : i32
      %dma_start3A_252 = tpu.memref_slice %arg13[%dma_start3A_241, %dma_start3A_250, %dma_start3A_251] : memref<2x128x128xf32, #tpu.memory_space<vmem>> -> memref<1x128x128xf32, #tpu.memory_space<vmem>>
      %dma_start3A_253 = tpu.memref_squeeze %dma_start3A_252 : memref<1x128x128xf32, #tpu.memory_space<vmem>> -> memref<128x128xf32, #tpu.memory_space<vmem>>
      tpu.enqueue_dma source(%dma_start3A_253 : memref<128x128xf32, #tpu.memory_space<vmem>>) target(%dma_start3A_249 : memref<128x128xf32, #tpu.memory_space<hbm>>) target_semaphore(%arg21 : memref<!tpu.dma_semaphore, #tpu.memory_space<semaphore_mem>>)
    }
    %scan3A_133 = arith.constant 25 : i32
    %add3A_134 = arith.constant 6144 : i32
    %add3A_135 = arith.addi %mul3A_2, %add3A_134 : i32
    %dma_wait3A = arith.constant 0 : i32
    %dma_wait3A_136 = arith.constant 0 : i32
    %dma_wait3A_137 = arith.constant 0 : i32
    %dma_wait3A_138 = tpu.memref_slice %arg13[%dma_wait3A, %dma_wait3A_136, %dma_wait3A_137] : memref<2x128x128xf32, #tpu.memory_space<vmem>> -> memref<1x128x128xf32, #tpu.memory_space<vmem>>
    %dma_wait3A_139 = tpu.memref_squeeze %dma_wait3A_138 : memref<1x128x128xf32, #tpu.memory_space<vmem>> -> memref<128x128xf32, #tpu.memory_space<vmem>>
    %dma_wait3A_140 = arith.constant 0 : i32
    %dma_wait3A_141 = tpu.memref_slice %arg9[%add3A_135, %dma_wait3A_140] : memref<204800x128xf32, #tpu.memory_space<hbm>> -> memref<128x128xf32, #tpu.memory_space<hbm>>
    %dma_wait3A_142 = arith.constant 0 : i32
    %dma_wait3A_143 = tpu.memref_slice %arg9[%add3A_135, %dma_wait3A_142] : memref<204800x128xf32, #tpu.memory_space<hbm>> -> memref<128x128xf32, #tpu.memory_space<hbm>>
    %dma_wait3A_144 = arith.constant 0 : i32
    %dma_wait3A_145 = arith.constant 0 : i32
    %dma_wait3A_146 = tpu.memref_slice %arg13[%dma_wait3A, %dma_wait3A_144, %dma_wait3A_145] : memref<2x128x128xf32, #tpu.memory_space<vmem>> -> memref<1x128x128xf32, #tpu.memory_space<vmem>>
    %dma_wait3A_147 = tpu.memref_squeeze %dma_wait3A_146 : memref<1x128x128xf32, #tpu.memory_space<vmem>> -> memref<128x128xf32, #tpu.memory_space<vmem>>
    tpu.wait_dma2 semaphore(%arg20 : memref<!tpu.dma_semaphore, #tpu.memory_space<semaphore_mem>>) src(%dma_wait3A_147 : memref<128x128xf32, #tpu.memory_space<vmem>>) dst(%dma_wait3A_143 : memref<128x128xf32, #tpu.memory_space<hbm>>)
    %add3A_148 = arith.constant 6272 : i32
    %add3A_149 = arith.addi %mul3A_2, %add3A_148 : i32
    %dma_wait3A_150 = arith.constant 1 : i32
    %dma_wait3A_151 = arith.constant 0 : i32
    %dma_wait3A_152 = arith.constant 0 : i32
    %dma_wait3A_153 = tpu.memref_slice %arg13[%dma_wait3A_150, %dma_wait3A_151, %dma_wait3A_152] : memref<2x128x128xf32, #tpu.memory_space<vmem>> -> memref<1x128x128xf32, #tpu.memory_space<vmem>>
    %dma_wait3A_154 = tpu.memref_squeeze %dma_wait3A_153 : memref<1x128x128xf32, #tpu.memory_space<vmem>> -> memref<128x128xf32, #tpu.memory_space<vmem>>
    %dma_wait3A_155 = arith.constant 0 : i32
    %dma_wait3A_156 = tpu.memref_slice %arg9[%add3A_149, %dma_wait3A_155] : memref<204800x128xf32, #tpu.memory_space<hbm>> -> memref<128x128xf32, #tpu.memory_space<hbm>>
    %dma_wait3A_157 = arith.constant 0 : i32
    %dma_wait3A_158 = tpu.memref_slice %arg9[%add3A_149, %dma_wait3A_157] : memref<204800x128xf32, #tpu.memory_space<hbm>> -> memref<128x128xf32, #tpu.memory_space<hbm>>
    %dma_wait3A_159 = arith.constant 0 : i32
    %dma_wait3A_160 = arith.constant 0 : i32
    %dma_wait3A_161 = tpu.memref_slice %arg13[%dma_wait3A_150, %dma_wait3A_159, %dma_wait3A_160] : memref<2x128x128xf32, #tpu.memory_space<vmem>> -> memref<1x128x128xf32, #tpu.memory_space<vmem>>
    %dma_wait3A_162 = tpu.memref_squeeze %dma_wait3A_161 : memref<1x128x128xf32, #tpu.memory_space<vmem>> -> memref<128x128xf32, #tpu.memory_space<vmem>>
    tpu.wait_dma2 semaphore(%arg21 : memref<!tpu.dma_semaphore, #tpu.memory_space<semaphore_mem>>) src(%dma_wait3A_162 : memref<128x128xf32, #tpu.memory_space<vmem>>) dst(%dma_wait3A_158 : memref<128x128xf32, #tpu.memory_space<hbm>>)
    return
  }
}

</mosaic_0001>

<sc_bundles>
// kernel: _run.3.cloned.1.call-start
scs
__scs_entry_jumppad:
0x0: {  	(pc) =	sbr.rel $0x88, $3  }
0x1: {  	(tag) =	ssettag $0x0;
	lr =	simm.s32 $0x1  }
0x2: {  	[smem:$0x3F9A] =	sst lr;
	_ =	strace $0xD0000000  }
0x3: {  	_ = 	snop  }
0x4: {  	_ = 	snop  }
0x5: {  	_ = 	snop  }
0x6: {  	_ = 	snop  }
0x7: {  	_ = 	snop  }
__scs_overlays_trampoline_lowered:
0x8: {  	[smem:$0x3FA9] =	sst s0  }
0x9: {  	[smem:$0x3FAA] =	sst s1  }
0xa: {  	[smem:$0x3FAB] =	sst s2  }
0xb: {  	[smem:$0x3FAC] =	sst s3  }
0xc: {  	[smem:$0x3FAD] =	sst s4  }
0xd: {  	[smem:$0x3FAE] =	sst s5  }
0xe: {  	[smem:$0x3FAF] =	sst s6  }
0xf: {  	[smem:$0x3FB0] =	sst s7  }
0x10: {  	[smem:$0x3FB1] =	sst s8  }
0x11: {  	[smem:$0x3FB2] =	sst s9;
	s0 =	simm.s32 @!p0 $0x0  }
0x12: {  	s1 =	sld [smem:$0x3F98];
	s0 =	simm.s32 @p0 $0x1  }
0x13: {  	[smem:$0x3FB3] =	sst s0;
	s0 =	simm.s32 @!p1 $0x0  }
0x14: {  	s2 =	sld [smem:$0x3F97];
	s0 =	simm.s32 @p1 $0x1  }
0x15: {  	[smem:$0x3FB4] =	sst s0;
	s0 =	simm.s32 @!p2 $0x0  }
0x16: {  	s3 =	sld [smem:$0x3FDB];
	s0 =	simm.s32 @p2 $0x1  }
0x17: {  	s4 =	simm.s32 $0x1BF5;
	[smem:$0x3FB6] =	sst s0  }
0x18: {  	s0 =	sld [smem:$0x3F99];
	_ =	swait.ge [sflag:s4], $0x0  }
0x19: {  	s7 =	sld [smem:$0x3F9A]  }
0x1a: {  	s8 =	sadd.s32 $0xFFFFE003, lr  }
0x1b: {  	s9 =	sadd.s32 $0xFFFFFEF7, lr;
	s5 =	simm.s32 $0xFFFFFFFF;
	p2 =	slt.u32 s8, $0xFFFFF086  }
0x1c: {  	p1 =	slt.u32 s9, $0xF7A;
	s5 =	simm.s32 @!p2 $0x0  }
0x1d: {  	s5 =	simm.s32 @p1 $0x1;
	p0 =	seq.s32 s7, s2  }
0x1e: {  	s7 =	smul.u32 @!p0 $0xF7A, s2;
	p2 =	seq.s32 @!p0 s5, $0x0  }
0x1f: {  	s9 =	smul.u32 $0xF7A, s1;
	s8 =	simm.s32 @!p0 $0x1BF5;
	p2 =	por !p2, p0  }
0x20: {  	[sflag:s8] =	ssyncset.s32 @!p0 $0xFFFFF086;
	s6 =	sadd.s32 @!p0 s3, s7;
	s7 =	simm.s32 @!p0 $0x108  }
0x21: {  	s3 =	sadd.s32 s3, s9;
	s6 =	sadd.s32 @!p0 $0x88, s6;
	s7 =	simm.s32 @p2 $0x1082  }
0x22: {  	[simem:s7], [sflag:s8] =	dma.local @!p0 [hbm:s6], $0xF7A  }
0x23: {  	s9 =	sor.u32 $0xD0000000, s2;
	s6 =	simm.s32 $0x108;
	_ =	swait.ge @!p0 [sflag:s8], $0x0  }
0x24: {  	s3 =	sadd.s32 $0x88, s3;
	s6 =	simm.s32 @!p1 $0x1082;
	[sflag:s4] =	ssyncset.s32 $0xFFFFF086  }
0x25: {  	[simem:s6], [sflag:s4] =	dma.local [hbm:s3], $0xF7A  }
0x26: {  	[smem:$0x3F9A] =	sst s1;
	(tag) =	ssettag s2;
	_ =	strace s9  }
0x27: {  	s1 =	sld [smem:$0x3FAA]  }
0x28: {  	s2 =	sld [smem:$0x3FAB]  }
0x29: {  	s4 =	sld [smem:$0x3FAD]  }
0x2a: {  	p0 =	seq.s32 s5, $0x0;
	s5 =	sld [smem:$0x3FAE]  }
0x2b: {  	s6 =	sld [smem:$0x3FAF]  }
0x2c: {  	s7 =	sld [smem:$0x3FB0]  }
0x2d: {  	s3 =	simm.s32 $0x108;
	s8 =	sld [smem:$0x3FB1]  }
0x2e: {  	s3 =	simm.s32 @!p0 $0x1082;
	s9 =	sld [smem:$0x3FB2]  }
0x2f: {  	lr =	sadd.s32 s0, s3;
	s0 =	sld [smem:$0x3FA9]  }
0x30: {  	s3 =	sld [smem:$0x3FAC]  }
0x31: {  	[smem:$0x3FB5] =	sst s10  }
0x32: {  	s10 =	sld [smem:$0x3FB3];
	_ =	sdelay $0x3  }
0x33: {  	p0 =	seq.s32 s10, $0x1;
	s10 =	sld [smem:$0x3FB5];
	_ =	sdelay $0x3  }
0x34: {  	[smem:$0x3FB5] =	sst s10  }
0x35: {  	s10 =	sld [smem:$0x3FB4];
	_ =	sdelay $0x3  }
0x36: {  	p1 =	seq.s32 s10, $0x1;
	s10 =	sld [smem:$0x3FB5];
	_ =	sdelay $0x3  }
0x37: {  	[smem:$0x3FB5] =	sst s10  }
0x38: {  	s10 =	sld [smem:$0x3FB6]  }
0x39: {  	_ = 	snop;
	(pc) =	sbr.ind lr, $3  }
0x3a: {  	_ = 	snop  }
0x3b: {  	_ = 	snop  }
0x3c: {  	p2 =	seq.s32 s10, $0x1;
	s10 =	sld [smem:$0x3FB5]  }
0x3d: {  	_ =	shalt  }
0x3e: {  	_ =	shalt  }
0x3f: {  	_ =	shalt  }
0x40: {  	_ =	shalt  }
0x41: {  	_ =	shalt  }
0x42: {  	_ =	shalt  }
0x43: {  	_ =	shalt  }
0x44: {  	_ =	shalt  }
0x45: {  	_ =	shalt  }
0x46: {  	_ =	shalt  }
0x47: {  	_ =	shalt  }
0x48: {  	_ =	shalt  }
0x49: {  	_ =	shalt  }
0x4a: {  	_ =	shalt  }
0x4b: {  	_ =	shalt  }
0x4c: {  	_ =	shalt  }
0x4d: {  	_ =	shalt  }
0x4e: {  	_ =	shalt  }
0x4f: {  	_ =	shalt  }
0x50: {  	_ =	shalt  }
0x51: {  	_ =	shalt  }
0x52: {  	_ =	shalt  }
0x53: {  	_ =	shalt  }
0x54: {  	_ =	shalt  }
0x55: {  	_ =	shalt  }
0x56: {  	_ =	shalt  }
0x57: {  	_ =	shalt  }
0x58: {  	_ =	shalt  }
0x59: {  	_ =	shalt  }
0x5a: {  	_ =	shalt  }
0x5b: {  	_ =	shalt  }
0x5c: {  	_ =	shalt  }
0x5d: {  	_ =	shalt  }
0x5e: {  	_ =	shalt  }
0x5f: {  	_ =	shalt  }
0x60: {  	_ =	shalt  }
0x61: {  	_ =	shalt  }
0x62: {  	_ =	shalt  }
0x63: {  	_ =	shalt  }
0x64: {  	_ =	shalt  }
0x65: {  	_ =	shalt  }
0x66: {  	_ =	shalt  }
0x67: {  	_ =	shalt  }
0x68: {  	_ =	shalt  }
0x69: {  	_ =	shalt  }
0x6a: {  	_ =	shalt  }
0x6b: {  	_ =	shalt  }
0x6c: {  	_ =	shalt  }
0x6d: {  	_ =	shalt  }
0x6e: {  	_ =	shalt  }
0x6f: {  	_ =	shalt  }
0x70: {  	_ =	shalt  }
0x71: {  	_ =	shalt  }
0x72: {  	_ =	shalt  }
0x73: {  	_ =	shalt  }
0x74: {  	_ =	shalt  }
0x75: {  	_ =	shalt  }
0x76: {  	_ =	shalt  }
0x77: {  	_ =	shalt  }
0x78: {  	_ =	shalt  }
0x79: {  	_ =	shalt  }
0x7a: {  	_ =	shalt  }
0x7b: {  	_ =	shalt  }
0x7c: {  	_ =	shalt  }
0x7d: {  	_ =	shalt  }
0x7e: {  	_ =	shalt  }
0x7f: {  	_ =	shalt  }
0x80: {  	_ =	shalt  }
0x81: {  	_ =	shalt  }
0x82: {  	_ =	shalt  }
0x83: {  	_ =	shalt  }
0x84: {  	_ =	shalt  }
0x85: {  	_ =	shalt  }
0x86: {  	_ =	shalt  }
0x87: {  	_ =	shalt  }
.Lfunc_end0:
.L_simem_size_0:
called_computation_lowered:
.L_overlay_start_0:
0x88: {  	s2 =	sld [smem:$0x3FD9]  }
0x89: {  	s3 =	sld [smem:$0x3FFE];
	_ =	sdelay $0x1  }
0x8a: {  	s1 =	srdreg.scid  }
0x8b: {  	s0 =	sand.u32 $0x1, s1  }
0x8c: {  	s18 =	sshll.u32 s0, $0xA;
	s2 =	sadd.s32 s3, s2  }
0x8d: {  	s2 =	sadd.s32 s2, s18  }
0x8e: {  	[smem:$0x3FC1] =	sst s2  }
0x8f: {  	_ = 	snop  }
0x90: {  	s2 =	sld [smem:$0x3FC9]  }
0x91: {  	s19 =	sld [smem:$0x3FC8]  }
0x92: {  	s4 =	sld [smem:$0x3FC7]  }
0x93: {  	s5 =	sld [smem:$0x3FC6]  }
0x94: {  	s6 =	sld [smem:$0x3FC5]  }
0x95: {  	s7 =	sld [smem:$0x3FC4]  }
0x96: {  	s8 =	sld [smem:$0x3FC3]  }
0x97: {  	s9 =	sld [smem:$0x3FD0];
	(tm) =	ssettm $0x1  }
0x98: {  	s10 =	sld [smem:$0x3FFB];
	_ =	sdelay $0x3  }
0x99: {  	_ =	strace s10  }
0x9a: {  	s10 =	sld [smem:$0x3FFC];
	_ =	sdelay $0x3  }
0x9b: {  	_ =	strace s10  }
0x9c: {  	s10 =	sld [smem:$0x3FFD];
	_ =	sdelay $0x3  }
0x9d: {  	_ =	strace s10  }
0x9e: {  	_ =	strace $0x8FFFFFFF  }
0x9f: {  	s20 =	sld [smem:$0x3FDB];
	_ =	sdelay $0x1  }
0xa0: {  	s11 =	simm.s32 $_scs_section_size  }
0xa1: {  	s12 =	simm.s32 $_size__tile_overlayer_lowered;
	s13 =	simm.s32 $_tile_overlayer_lowered  }
0xa2: {  	s23 =	simm.s32 $0x1BFF;
	s22 =	sshll.u32 s13, $0x1;
	s10 =	sadd.s32 s11, s20  }
0xa3: {  	s14 =	simm.s32 $0x0;
	s21 =	sshll.u32 s12, $0x1;
	s12 =	sadd.s32 s22, s10  }
0xa4: {  	[timem:s14], [sflag:s23] =	dma.local [hbm:s12], s21  }
0xa5: {  	_ =	swait.ge [sflag:s23], s21  }
0xa6: {  	s11 =	ssub.s32 $0x0, s21;
	[sflag:s23] =	ssyncset.done $0x0  }
0xa7: {  	[sflag:s23] =	ssyncadd.s32 s11;
	_ =	sdelay $0x1  }
0xa8: {  	s24 =	simm.s32 $0x1B8B  }
0xa9: {  	_ =	swait.ge [sflag:s24], $0x1  }
0xaa: {  	[sflag:s24] =	ssyncset.done $0x0  }
0xab: {  	s25 =	simm.s32 $0x1B8E;
	[sflag:s24] =	ssyncadd.s32 $0xFFFFFFFF  }
0xac: {  	s26 =	simm.s32 $execute0_lowered;
	[smem:$0x3FD2] =	sst s25  }
0xad: {  	s11 =	sshll.u32 s26, $0x1;
	_ =	strace $0x80000046;
	[dreg:$0x1] =	wrdreg $0xFFFFFFFF  }
0xae: {  	s28 =	simm.s32 $_size_execute0_lowered;
	s10 =	sadd.s32 s10, s11;
	[dreg:$0x0] =	wrdreg $0x0  }
0xaf: {  	s11 =	sshll.u32 s28, $0x1;
	[dreg:$0x2] =	wrdreg s10  }
0xb0: {  	[dreg:$0x3] =	wrdreg s11  }
0xb1: {  	[dreg:$0x4] =	wrdreg $0xC0  }
0xb2: {  	_ =	task [dreg:s14], $0x5FFFF  }
0xb3: {  	[dreg:$0x1] =	wrdreg $0xFFFFFFFF  }
0xb4: {  	[dreg:$0x0] =	wrdreg $0x60  }
0xb5: {  	[dreg:$0x2] =	wrdreg s2  }
0xb6: {  	[dreg:$0x3] =	wrdreg s19  }
0xb7: {  	[dreg:$0x4] =	wrdreg s4  }
0xb8: {  	[dreg:$0x5] =	wrdreg s5  }
0xb9: {  	[dreg:$0x6] =	wrdreg s6  }
0xba: {  	[dreg:$0x7] =	wrdreg s7  }
0xbb: {  	[dreg:$0x8] =	wrdreg s8  }
0xbc: {  	[dreg:$0x9] =	wrdreg s9  }
0xbd: {  	[dreg:$0xa] =	wrdreg $0x9  }
0xbe: {  	_ =	task.clear_ibuf [dreg:s14], $0xBFFFF;
	_ =	strace $0x90000046  }
0xbf: {  	s29 =	simm.s32 $0x9;
	_ =	strace $0x80000048  }
0xc0: {  	_ =	swait.ge [sflag:s29], $0x1  }
0xc1: {  	[sflag:s29] =	ssyncadd.s32 $0xFFFFFFFF  }
0xc2: {  	_ =	strace $0x90000048  }
0xc3: {  	_ =	sfence  }
0xc4: {  	s30 =	sld [smem:$0x0];
	_ =	sdelay $0x2  }
0xc5: {  	s31 =	sshll.u32 s1, $0xD;
	s1 =	sshrl.u32 s1, $0x2  }
0xc6: {  	s3 =	sand.u32 $0x4000, s31;
	s1 =	sadd.s32 s1, s30  }
0xc7: {  	s0 =	sor.u32 s3, s0;
	s1 =	sshll.u32 s1, $0x11  }
0xc8: {  	s0 =	sor.u32 s1, s0  }
0xc9: {  	s0 =	sadd.s32 $0x8F2B, s0  }
0xca: {  	[sflag:s0] =	ssyncadd.remote.s32 $0x1  }
0xcb: {  	_ =	sfence.sel $0xFFFF  }
0xcc: {  	[dreg:$0x0] =	wrdreg $0xFFFFFFFF;
	(pc) =	sbr.abs _section_cstart, $3  }
0xcd: {  	[dreg:$0x1] =	wrdreg $0xFFFFFFFF  }
0xce: {  	_ =	task.clear_ibuf [dreg:s14], $0x2FFFF;
	_ =	strace $0x9FFFFFFF  }
0xcf: {  	(tm) =	ssettm $0x7FFFFFFF  }
tec
execute0_lowered:
.L_overlay_start_1:
0x0: {  	(tag) =	ssettag $0x1  }
0x1: {  	s1 =	rddreg [dreg:$0x0]  }
0x2: {  	s2 =	rddreg [dreg:$0x1]  }
0x3: {  	s0 =	rddreg [dreg:$0x2]  }
0x4: {  	s11 =	rddreg [dreg:$0x3];
	v0 =	vlaneseq.u32  }
0x5: {  	s3 =	srdreg.scid;
	s6 =	stileid.u32;
	v2 =	vimm.s32 $0xFEDCBA98;
	v1 =	vimm.s32 $0x76543210;
	v8 =	vimm.s32 $0x32107654  }
0x6: {  	s7 =	rddreg [dreg:$0x7];
	s8 =	simm.s32 $0x0;
	v9 =	vimm.s32 $0xDCFE98BA;
	v10 =	vimm.s32 $0x54761032;
	v11 =	vimm.s32 $0xEFCDAB89;
	s16 =	simm.s32 $0x5  }
0x7: {  	v12 =	vimm.s32 $0x67452301;
	s23 =	simm.s32 $0x1;
	s24 =	simm.s32 $0x13200;
	s28 =	simm.s32 $0xF200;
	v5 =	vunpack.c.l.s4.s8 v2;
	v6 =	vor.u32 $0x30, v0  }
0x8: {  	s29 =	simm.s32 $0x3;
	s30 =	simm.s32 $0x4;
	s31 =	simm.s32 $0x0;
	v19 =	vor.u32 $0x40, v0;
	v62 =	vunpack.c.l.s4.s8 v1;
	v8 =	vunpack.c.l.s4.s8 v8  }
0x9: {  	s3 =	sand.u32 $0x1, s3;
	s4 =	sshll.u32 s6, $0x1;
	[smem:$0x7FF] =	sst s8;
	v9 =	vunpack.c.l.s4.s8 v9;
	v10 =	vunpack.c.l.s4.s8 v10;
	v11 =	vunpack.c.l.s4.s8 v11  }
0xa: {  	s6 =	smul.u32 $0x3200, s6;
	s11 =	sadd.s32 $0x800, s11;
	v13 =	vor.u32 $0x70, v0;
	s4 =	sor.u32 s3, s4;
	v7 =	vunpack.c.0.s8.s32 v5;
	v5 =	vimm.s32 $0xBA98FEDC  }
0xb: {  	v12 =	vunpack.c.l.s4.s8 v12;
	v18 =	vor.u32 $0x50, v0;
	_ =	strace $0x80000047;
	s9 =	ssub.s32 $0x2, s3;
	s3 =	smul.u32 $0x1900, s3;
	[tilespmem:$0x1FF90] =	vst v13;
	v5 =	vunpack.c.l.s4.s8 v5  }
0xc: {  	[dreg:$0x9] =	wrdreg s11;
	[tilespmem:$0x1FFB0] =	vst v18;
	s5 =	smul.u32 $0x1900, s4;
	s10 =	sshrl.u32 s9, $0x1;
	v8 =	vunpack.c.0.s8.s32 v8;
	v9 =	vunpack.c.0.s8.s32 v9;
	v10 =	vunpack.c.0.s8.s32 v10  }
0xd: {  	[tilespmem:$0x1FFC0] =	vst v19;
	s12 =	smul.u32 $0xC8000, s4;
	v11 =	vunpack.c.0.s8.s32 v11;
	v12 =	vunpack.c.0.s8.s32 v12;
	s9 =	ssub.s32 s9, s10;
	s14 =	sadd.s32 s3, s6;
	v5 =	vunpack.c.0.s8.s32 v5  }
0xe: {  	v15 =	vor.u32 $0x10, v0;
	v17 =	vor.u32 $0x20, v0;
	[tilespmem:$0x1FFD0] =	vst v6;
	s6 =	simm.s32 $0x0;
	s5 =	sshrl.u32 s5, $0x3;
	s26 =	smax.u32 s9, $0x1;
	v10 =	vcombine.low v10, v9  }
0xf: {  	[tilespmem:$0x1FFE0] =	vst v17;
	s9 =	simm.s32 $0x7200;
	v11 =	vcombine.low v12, v11;
	s1 =	sadd.s32 s1, s5;
	[dreg:$0xc] =	wrdreg s26;
	v63 =	vcombine.low v8, v5;
	v8 =	vunpack.c.0.s8.s32 v62  }
0x10: {  	[tilespmem:$0x1FFF0] =	vst v15;
	v14 =	vand.u32 $0xF, v7;
	v7 =	vor.u32 $0x60, v0;
	s25 =	sadd.s32 s2, s5;
	s5 =	simm.s32 $0x3200;
	[dreg:$0xa] =	wrdreg s1;
	v5 =	vand.u32 $0xF, v10  }
0x11: {  	s26 =	simm.s32 $0x2;
	[tilespmem:$0x1FFA0] =	vst v7;
	[dreg:$0xb] =	wrdreg s25;
	s25 =	simm.s32 $0xB200;
	v9 =	vcombine.low v14, v8;
	v4 =	vand.u32 $0xF, v63;
	v8 =	vand.u32 $0xF, v11  }
.LBB2_1:
0x12: {  	s1 =	rddreg [dreg:$0x5];
	s2 =	simm.s32 $0x1FB00  }
0x13: {  	[tilespmem:s2], [sflag:$0x5] =	stream.linear.gather [hbm4b:s1+s8], $0x80, $0x38;
	[tilespmem:$0x1FC00] =	vst v63  }
0x14: {  	_ =	swait.ge [sflag:s16], $0x80  }
0x15: {  	[sflag:s16] =	ssyncset.done $0x0  }
0x16: {  	[sflag:s16] =	ssyncadd.s32 $0xFFFFFF80  }
0x17: {  	s13 =	simm.s32 $0x1FB80;
	s11 =	rddreg [dreg:$0x6]  }
0x18: {  	[tilespmem:s13], [sflag:$0x5] =	stream.linear.gather [hbm4b:s11+s8], $0x80, $0x38;
	[tilespmem:$0x1FC00] =	vst v63  }
0x19: {  	_ =	swait.ge [sflag:s16], $0x80  }
0x1a: {  	[sflag:s16] =	ssyncset.done $0x0  }
0x1b: {  	[sflag:s16] =	ssyncadd.s32 $0xFFFFFF80  }
0x1c: {  	s17 =	simm.s32 $0x1FA00;
	s15 =	rddreg [dreg:$0x4]  }
0x1d: {  	[tilespmem:s17], [sflag:$0x5] =	stream.linear.gather [hbm4b:s15+s8], $0x100, $0x38;
	[tilespmem:$0x1FC00] =	vst v63  }
0x1e: {  	_ =	swait.ge [sflag:s16], $0x100  }
0x1f: {  	[sflag:s16] =	ssyncset.done $0x0  }
0x20: {  	[sflag:s16] =	ssyncadd.s32 $0xFFFFFF00  }
0x21: {  	s18 =	rddreg [dreg:$0x3]  }
0x22: {  	[tilespmem:s5], [sflag:$0x5] =	stream.linear.gather [hbm4b:s18+s8], $0x4000, $0x38;
	[tilespmem:$0x1FC00] =	vst v63  }
0x23: {  	_ =	swait.ge [sflag:s16], $0x4000  }
0x24: {  	[sflag:s16] =	ssyncset.done $0x0  }
0x25: {  	s19 =	rddreg [dreg:$0x9];
	[sflag:s16] =	ssyncadd.s32 $0xFFFFC000  }
0x26: {  	[tilespmem:s9], [sflag:$0x5] =	stream.linear.gather [hbm4b:s19+s8], $0x2400, $0x38;
	[tilespmem:$0x1FC00] =	vst v63  }
0x27: {  	_ =	swait.ge [sflag:s16], $0x2400  }
0x28: {  	[sflag:s16] =	ssyncset.done $0x0  }
0x29: {  	s20 =	rddreg [dreg:$0xa];
	[sflag:s16] =	ssyncadd.s32 $0xFFFFDC00  }
0x2a: {  	[tilespmem:s8], [sflag:$0x5] =	stream.linear.gather [hbm4b:s20+s8], $0x1900, $0x38;
	[tilespmem:$0x1FC00] =	vst v63  }
0x2b: {  	_ =	swait.ge [sflag:s16], $0x1900  }
0x2c: {  	[sflag:s16] =	ssyncset.done $0x0  }
0x2d: {  	s22 =	simm.s32 $0x1900;
	s21 =	rddreg [dreg:$0xb];
	[sflag:s16] =	ssyncadd.s32 $0xFFFFE700  }
0x2e: {  	[tilespmem:s22], [sflag:$0x5] =	stream.linear.gather [hbm4b:s21+s8], $0x1900, $0x38;
	[tilespmem:$0x1FC00] =	vst v63  }
0x2f: {  	_ =	swait.ge [sflag:s16], $0x1900  }
0x30: {  	[sflag:s16] =	ssyncset.done $0x0  }
0x31: {  	[sflag:s16] =	ssyncadd.s32 $0xFFFFE700  }
0x32: {  	v40 =	vld [tilespmem:$0x1FA00]  }
0x33: {  	v37 =	vld [tilespmem:$0x1FA10]  }
0x34: {  	v35 =	vld [tilespmem:$0x1FA20]  }
0x35: {  	v33 =	vld [tilespmem:$0x1FA30]  }
0x36: {  	v31 =	vld [tilespmem:$0x1FA40]  }
0x37: {  	v30 =	vld [tilespmem:$0x1FA50]  }
0x38: {  	v29 =	vld [tilespmem:$0x1FA60]  }
0x39: {  	v28 =	vld [tilespmem:$0x1FA70]  }
0x3a: {  	v42 =	vld [tilespmem:$0x1FA80]  }
0x3b: {  	v41 =	vld [tilespmem:$0x1FA90]  }
0x3c: {  	v39 =	vld [tilespmem:$0x1FAA0]  }
0x3d: {  	v38 =	vld [tilespmem:$0x1FAB0]  }
0x3e: {  	v36 =	vld [tilespmem:$0x1FAC0]  }
0x3f: {  	v34 =	vld [tilespmem:$0x1FAD0]  }
0x40: {  	v32 =	vld [tilespmem:$0x1FAE0]  }
0x41: {  	v43 =	vld [tilespmem:$0x1FAF0]  }
0x42: {  	v21 =	vld [tilespmem:$0x1FB00]  }
0x43: {  	v22 =	vld [tilespmem:$0x1FB10]  }
0x44: {  	v24 =	vld [tilespmem:$0x1FB20]  }
0x45: {  	v25 =	vld [tilespmem:$0x1FB30]  }
0x46: {  	v26 =	vld [tilespmem:$0x1FB40]  }
0x47: {  	v27 =	vld [tilespmem:$0x1FB50]  }
0x48: {  	v1 =	vld [tilespmem:$0x1FB60]  }
0x49: {  	v12 =	vld [tilespmem:$0x1FB70]  }
0x4a: {  	v2 =	vld [tilespmem:$0x1FB80]  }
0x4b: {  	v3 =	vld [tilespmem:$0x1FB90]  }
0x4c: {  	v14 =	vld [tilespmem:$0x1FBA0]  }
0x4d: {  	v63 =	vld [tilespmem:$0x1FBB0]  }
0x4e: {  	s1 =	simm.s32 $0x0;
	v16 =	vld [tilespmem:$0x1FBC0]  }
0x4f: {  	v44 =	vld [tilespmem:s1+$0x3270]  }
0x50: {  	v45 =	vld [tilespmem:s1+$0x3200]  }
0x51: {  	v20 =	vld [tilespmem:$0x1FBD0]  }
0x52: {  	v46 =	vld [tilespmem:s1+$0x3210]  }
0x53: {  	v10 =	vld [tilespmem:$0x1FBE0]  }
0x54: {  	v47 =	vld [tilespmem:s1+$0x3220];
	v50 =	vadd.f32 v44, v43  }
0x55: {  	v11 =	vld [tilespmem:$0x1FBF0];
	v52 =	vadd.f32 v45, v40  }
0x56: {  	v48 =	vld [tilespmem:s1+$0x3230];
	v45 =	vadd.f32 v45, v42;
	[tilespmem:s1+$0x19670] =	vst v50  }
0x57: {  	v49 =	vld [tilespmem:s1+$0x3240];
	v60 =	vadd.f32 v46, v37;
	[tilespmem:s1+$0x13200] =	vst v52  }
0x58: {  	v51 =	vld [tilespmem:s1+$0x3250];
	v46 =	vadd.f32 v46, v41;
	[tilespmem:s1+$0x19600] =	vst v45  }
0x59: {  	v53 =	vld [tilespmem:s1+$0x3260];
	v61 =	vadd.f32 v47, v35;
	[tilespmem:s1+$0x13210] =	vst v60  }
0x5a: {  	v44 =	vadd.f32 v44, v28;
	v47 =	vadd.f32 v47, v39;
	[tilespmem:s1+$0x19610] =	vst v46  }
0x5b: {  	v62 =	vadd.f32 v48, v33;
	v54 =	vadd.f32 v48, v38;
	[tilespmem:s1+$0x13220] =	vst v61  }
0x5c: {  	v48 =	vadd.f32 v49, v36;
	v50 =	vadd.f32 v49, v31;
	[tilespmem:s1+$0x19620] =	vst v47  }
0x5d: {  	v49 =	vadd.f32 v51, v30;
	v46 =	vadd.f32 v51, v34;
	[tilespmem:s1+$0x13230] =	vst v62  }
0x5e: {  	s3 =	simm.s32 $0x400;
	s2 =	simm.s32 $0x80;
	v47 =	vadd.f32 v53, v29;
	v45 =	vadd.f32 v53, v32;
	[tilespmem:s1+$0x19630] =	vst v54  }
.LBB2_2:
0x5f: {  	p0 =	sne.s32 s3, $0xFE00;
	v51 =	vld [tilespmem:s2+$0x3270];
	[tilespmem:s1+$0x13240] =	vst v50  }
0x60: {  	v50 =	vld [tilespmem:s2+$0x3200];
	[tilespmem:s1+$0x19640] =	vst v48  }
0x61: {  	v48 =	vld [tilespmem:s2+$0x3210];
	[tilespmem:s1+$0x13250] =	vst v49  }
0x62: {  	v49 =	vld [tilespmem:s2+$0x3220];
	[tilespmem:s1+$0x19650] =	vst v46  }
0x63: {  	v46 =	vld [tilespmem:s2+$0x3230];
	[tilespmem:s1+$0x13260] =	vst v47  }
0x64: {  	v47 =	vld [tilespmem:s2+$0x3240];
	v52 =	vadd.f32 v51, v28;
	v51 =	vadd.f32 v51, v43;
	[tilespmem:s1+$0x19660] =	vst v45  }
0x65: {  	v45 =	vadd.f32 v50, v40;
	v50 =	vadd.f32 v50, v42;
	v53 =	vld [tilespmem:s2+$0x3250];
	[tilespmem:s1+$0x13270] =	vst v44;
	s1 =	smov.u32 s2  }
0x66: {  	v54 =	vadd.f32 v48, v37;
	v55 =	vadd.f32 v48, v41;
	v56 =	vld [tilespmem:s1+$0x3260];
	[tilespmem:s1+$0x19670] =	vst v51;
	v44 =	vmov v52  }
0x67: {  	[tilespmem:s1+$0x13200] =	vst v45;
	v45 =	vadd.f32 v49, v35;
	v51 =	vadd.f32 v49, v39  }
0x68: {  	[tilespmem:s1+$0x19600] =	vst v50;
	v52 =	vadd.f32 v46, v33;
	v57 =	vadd.f32 v46, v38  }
0x69: {  	[tilespmem:s1+$0x13210] =	vst v54;
	v50 =	vadd.f32 v47, v31;
	v48 =	vadd.f32 v47, v36  }
.Ltmp0:
0x6a: {  	[tilespmem:s1+$0x19610] =	vst v55;
	v49 =	vadd.f32 v53, v30;
	v46 =	vadd.f32 v53, v34;
	(pc) =	sbr.rel @p0 .LBB2_2-.Ltmp0, $4  }
0x6b: {  	[tilespmem:s1+$0x13220] =	vst v45;
	v47 =	vadd.f32 v56, v29;
	v45 =	vadd.f32 v56, v32  }
0x6c: {  	[tilespmem:s1+$0x19620] =	vst v51  }
0x6d: {  	[tilespmem:s1+$0x13230] =	vst v52  }
0x6e: {  	s2 =	sshra.s32 s3, $0x2;
	s3 =	sadd.s32 $0x200, s3;
	[tilespmem:s1+$0x19630] =	vst v57  }
0x6f: {  	v51 =	vld [tilespmem:s2+$0x3270];
	[tilespmem:s1+$0x13240] =	vst v50  }
0x70: {  	v56 =	vld [tilespmem:s2+$0x3200];
	[tilespmem:s1+$0x19640] =	vst v48  }
0x71: {  	[tilespmem:s1+$0x13250] =	vst v49  }
0x72: {  	v57 =	vld [tilespmem:s2+$0x3210];
	[tilespmem:s1+$0x19650] =	vst v46  }
0x73: {  	[tilespmem:s1+$0x13260] =	vst v47  }
0x74: {  	v58 =	vld [tilespmem:s2+$0x3220];
	[tilespmem:s1+$0x19660] =	vst v45;
	v52 =	vadd.f32 v51, v43  }
0x75: {  	[tilespmem:s1+$0x13270] =	vst v44;
	v53 =	vadd.f32 v56, v40  }
0x76: {  	v59 =	vld [tilespmem:s2+$0x3230];
	v50 =	vadd.f32 v56, v42;
	[tilespmem:s2+$0x19670] =	vst v52  }
0x77: {  	v56 =	vadd.f32 v57, v37;
	[tilespmem:s2+$0x13200] =	vst v53  }
0x78: {  	v60 =	vld [tilespmem:s2+$0x3240];
	v48 =	vadd.f32 v57, v41;
	[tilespmem:s2+$0x19600] =	vst v50  }
0x79: {  	v57 =	vadd.f32 v58, v35;
	[tilespmem:s2+$0x13210] =	vst v56  }
0x7a: {  	v61 =	vld [tilespmem:s2+$0x3250];
	v49 =	vadd.f32 v58, v39;
	[tilespmem:s2+$0x19610] =	vst v48  }
0x7b: {  	v58 =	vadd.f32 v59, v33;
	[tilespmem:s2+$0x13220] =	vst v57  }
0x7c: {  	v62 =	vld [tilespmem:s2+$0x3260];
	v46 =	vadd.f32 v59, v38;
	[tilespmem:s2+$0x19620] =	vst v49  }
0x7d: {  	v59 =	vadd.f32 v60, v31;
	[tilespmem:s2+$0x13230] =	vst v58  }
0x7e: {  	v47 =	vadd.f32 v60, v36;
	[tilespmem:s2+$0x19630] =	vst v46  }
0x7f: {  	v60 =	vadd.f32 v61, v30;
	[tilespmem:s2+$0x13240] =	vst v59  }
0x80: {  	p1 =	por $0x1, $0x1;
	v45 =	vadd.f32 v61, v34;
	[tilespmem:s2+$0x19640] =	vst v47  }
.Ltmp1:
0x81: {  	v61 =	vadd.f32 v62, v29;
	[tilespmem:s2+$0x13250] =	vst v60;
	(pc) =	sbr.rel @!p1 .LBB2_7-.Ltmp1, $4  }
0x82: {  	v44 =	vadd.f32 v62, v32;
	[tilespmem:s2+$0x19650] =	vst v45  }
0x83: {  	v62 =	vadd.f32 v51, v28;
	[tilespmem:s2+$0x13260] =	vst v61  }
0x84: {  	[tilespmem:s2+$0x19660] =	vst v44  }
0x85: {  	s1 =	simm.s32 $0x0;
	p0 =	por $0x0, $0x0;
	v0 =	vlaneseq.u32;
	[tilespmem:s2+$0x13270] =	vst v62;
	s2 =	simm.s32 $0x0  }
0x86: {  	v44 =	vld [tilespmem:s1+$0x7270]  }
0x87: {  	v45 =	vld [tilespmem:s1+$0x7200];
	_ =	sdelay $0x1  }
0x88: {  	v46 =	vld [tilespmem:s1+$0x7210];
	_ =	sdelay $0x1  }
0x89: {  	v47 =	vld [tilespmem:s1+$0x7220];
	v50 =	vadd.f32 v44, v43  }
0x8a: {  	v52 =	vadd.f32 v45, v40  }
0x8b: {  	v48 =	vld [tilespmem:s1+$0x7230];
	v45 =	vadd.f32 v45, v42;
	[tilespmem:s1+$0x1D670] =	vst v50  }
0x8c: {  	v49 =	vld [tilespmem:s1+$0x7240];
	v59 =	vadd.f32 v46, v37;
	[tilespmem:s1+$0x17200] =	vst v52  }
0x8d: {  	v51 =	vld [tilespmem:s1+$0x7250];
	v46 =	vadd.f32 v46, v41;
	[tilespmem:s1+$0x1D600] =	vst v45  }
0x8e: {  	v53 =	vld [tilespmem:s1+$0x7260];
	p1 =	por $0x1, $0x1;
	v60 =	vadd.f32 v47, v35;
	[tilespmem:s1+$0x17210] =	vst v59  }
.Ltmp2:
0x8f: {  	v44 =	vadd.f32 v44, v28;
	v47 =	vadd.f32 v47, v39;
	[tilespmem:s1+$0x1D610] =	vst v46;
	(pc) =	sbr.rel @!p1 .LBB2_5-.Ltmp2, $4  }
0x90: {  	v61 =	vadd.f32 v48, v33;
	v62 =	vadd.f32 v48, v38;
	[tilespmem:s1+$0x17220] =	vst v60  }
0x91: {  	v48 =	vadd.f32 v49, v31;
	v46 =	vadd.f32 v49, v36;
	[tilespmem:s1+$0x1D620] =	vst v47  }
0x92: {  	s2 =	simm.s32 $0x80;
	v49 =	vadd.f32 v51, v30;
	v47 =	vadd.f32 v51, v34;
	[tilespmem:s1+$0x17230] =	vst v61  }
0x93: {  	s4 =	simm.s32 $0x400;
	p0 =	por $0x1, $0x1;
	s3 =	simm.s32 $0x0;
	v50 =	vadd.f32 v53, v29;
	v45 =	vadd.f32 v53, v32;
	[tilespmem:s1+$0x1D630] =	vst v62  }
.LBB2_6:
0x94: {  	p1 =	sne.s32 s4, $0x8E00;
	v51 =	vld [tilespmem:s2+$0x7270];
	[tilespmem:s3+$0x17240] =	vst v48  }
0x95: {  	v48 =	vld [tilespmem:s2+$0x7200];
	[tilespmem:s3+$0x1D640] =	vst v46  }
0x96: {  	v46 =	vld [tilespmem:s2+$0x7210];
	[tilespmem:s3+$0x17250] =	vst v49  }
0x97: {  	v49 =	vld [tilespmem:s2+$0x7220];
	[tilespmem:s3+$0x1D650] =	vst v47  }
0x98: {  	v47 =	vld [tilespmem:s2+$0x7230];
	[tilespmem:s3+$0x17260] =	vst v50  }
0x99: {  	v50 =	vld [tilespmem:s2+$0x7240];
	v52 =	vadd.f32 v51, v28;
	v51 =	vadd.f32 v51, v43;
	[tilespmem:s3+$0x1D660] =	vst v45  }
0x9a: {  	v45 =	vadd.f32 v48, v40;
	v48 =	vadd.f32 v48, v42;
	v53 =	vld [tilespmem:s2+$0x7250];
	[tilespmem:s3+$0x17270] =	vst v44;
	s3 =	smov.u32 s2  }
0x9b: {  	v54 =	vadd.f32 v46, v37;
	v55 =	vadd.f32 v46, v41;
	v56 =	vld [tilespmem:s3+$0x7260];
	[tilespmem:s3+$0x1D670] =	vst v51;
	v44 =	vmov v52  }
0x9c: {  	[tilespmem:s3+$0x17200] =	vst v45;
	v45 =	vadd.f32 v49, v35;
	v51 =	vadd.f32 v49, v39  }
0x9d: {  	[tilespmem:s3+$0x1D600] =	vst v48;
	v52 =	vadd.f32 v47, v33;
	v57 =	vadd.f32 v47, v38  }
0x9e: {  	[tilespmem:s3+$0x17210] =	vst v54;
	v48 =	vadd.f32 v50, v31;
	v46 =	vadd.f32 v50, v36  }
.Ltmp3:
0x9f: {  	[tilespmem:s3+$0x1D610] =	vst v55;
	v49 =	vadd.f32 v53, v30;
	v47 =	vadd.f32 v53, v34;
	(pc) =	sbr.rel @p1 .LBB2_6-.Ltmp3, $4  }
0xa0: {  	[tilespmem:s3+$0x17220] =	vst v45;
	v50 =	vadd.f32 v56, v29;
	v45 =	vadd.f32 v56, v32  }
0xa1: {  	[tilespmem:s3+$0x1D620] =	vst v51  }
0xa2: {  	[tilespmem:s3+$0x17230] =	vst v52  }
0xa3: {  	s2 =	sshra.s32 s4, $0x2;
	s4 =	sadd.s32 $0x200, s4;
	[tilespmem:s3+$0x1D630] =	vst v57  }
.LBB2_7:
0xa4: {  	v51 =	vld [tilespmem:s2+$0x7270];
	[tilespmem:s3+$0x17240] =	vst @p0 v48  }
0xa5: {  	v62 =	vld [tilespmem:s2+$0x7200];
	[tilespmem:s3+$0x1D640] =	vst @p0 v46  }
0xa6: {  	[tilespmem:s3+$0x17250] =	vst @p0 v49  }
0xa7: {  	v52 =	vld [tilespmem:s2+$0x7210];
	[tilespmem:s3+$0x1D650] =	vst @p0 v47  }
0xa8: {  	[tilespmem:s3+$0x17260] =	vst @p0 v50  }
0xa9: {  	v53 =	vld [tilespmem:s2+$0x7220];
	[tilespmem:s3+$0x1D660] =	vst @p0 v45;
	v43 =	vadd.f32 v51, v43  }
0xaa: {  	[tilespmem:s3+$0x17270] =	vst @p0 v44;
	v40 =	vadd.f32 v62, v40  }
0xab: {  	v54 =	vld [tilespmem:s2+$0x7230];
	v42 =	vadd.f32 v62, v42;
	[tilespmem:s2+$0x1D670] =	vst v43  }
0xac: {  	v37 =	vadd.f32 v52, v37;
	[tilespmem:s2+$0x17200] =	vst v40  }
0xad: {  	v55 =	vld [tilespmem:s2+$0x7240];
	v58 =	vadd.f32 v52, v41;
	[tilespmem:s2+$0x1D600] =	vst v42  }
0xae: {  	v35 =	vadd.f32 v53, v35;
	[tilespmem:s2+$0x17210] =	vst v37  }
0xaf: {  	v56 =	vld [tilespmem:s2+$0x7250];
	v59 =	vadd.f32 v53, v39;
	[tilespmem:s2+$0x1D610] =	vst v58  }
0xb0: {  	v57 =	vld [tilespmem:s2+$0x7260];
	v33 =	vadd.f32 v54, v33;
	[tilespmem:s2+$0x17220] =	vst v35  }
0xb1: {  	v60 =	vadd.f32 v54, v38;
	[tilespmem:s2+$0x1D620] =	vst v59  }
0xb2: {  	v31 =	vadd.f32 v55, v31;
	[tilespmem:s2+$0x17230] =	vst v33  }
0xb3: {  	v61 =	vadd.f32 v55, v36;
	[tilespmem:s2+$0x1D630] =	vst v60  }
0xb4: {  	v30 =	vadd.f32 v56, v30;
	[tilespmem:s2+$0x17240] =	vst v31  }
0xb5: {  	v62 =	vadd.f32 v57, v29;
	[tilespmem:s2+$0x1D640] =	vst v61  }
0xb6: {  	v28 =	vadd.f32 v51, v28;
	[tilespmem:s2+$0x17250] =	vst v30  }
0xb7: {  	v31 =	vadd.f32 v56, v34;
	[tilespmem:s2+$0x17260] =	vst v62  }
0xb8: {  	v30 =	vadd.f32 v57, v32;
	[tilespmem:s2+$0x17270] =	vst v28  }
0xb9: {  	[tilespmem:s2+$0x1D650] =	vst v31  }
0xba: {  	p0 =	por $0x1, $0x1;
	[tilespmem:s2+$0x1D660] =	vst v30  }
.Ltmp4:
0xbb: {  	v29 =	vor.u32 s14, v0;
	v28 =	vld [tilespmem:s1+$0x1900];
	(pc) =	sbr.rel @!p0 .LBB2_9-.Ltmp4, $3  }
0xbc: {  	v31 =	vmulhi.u32 $0x51EB851F, v29;
	_ =	sdelay $0x1  }
0xbd: {  	v30 =	vshrl.u32 v31, $0x6  }
0xbe: {  	s3 =	sadd.s32 $0x10, s14;
	s2 =	simm.s32 $0x40;
	v30 =	vmul.u32 $0xC8, v30  }
.LBB2_8:
0xbf: {  	s4 =	sshra.s32 s2, $0x2;
	p0 =	sne.s32 s2, $0x63C0;
	s2 =	sadd.s32 $0x40, s2;
	v31 =	vmul.u32 $0xC8, v28  }
.Ltmp5:
0xc0: {  	v28 =	vld [tilespmem:s4+$0x1900];
	v30 =	vsub.s32 v29, v30;
	v29 =	vor.u32 s3, v0;
	(pc) =	sbr.rel @p0 .LBB2_8-.Ltmp5, $4  }
0xc1: {  	v32 =	vmulhi.u32 $0x51EB851F, v29;
	v30 =	vadd.s32 v30, v31  }
0xc2: {  	v30 =	vshll.u32 v30, $0x7  }
0xc3: {  	v31 =	vshrl.u32 v32, $0x6;
	[tilespmem:s1+$0x1900] =	vst v30;
	s1 =	smov.u32 s4  }
0xc4: {  	s3 =	sadd.s32 $0x10, s3;
	v30 =	vmul.u32 $0xC8, v31  }
.LBB2_9:
0xc5: {  	v28 =	vmul.u32 $0xC8, v28  }
0xc6: {  	v29 =	vsub.s32 v29, v30  }
0xc7: {  	v28 =	vadd.s32 v29, v28  }
0xc8: {  	v28 =	vshll.u32 v28, $0x7  }
0xc9: {  	s22 =	simm.s32 $0x80;
	[tilespmem:s1+$0x1900] =	vst v28  }
0xca: {  	[tilespmem:s5], [sflag:$0x1] =	stream.indirect.gather [hbm4b:s0+s22], $0x80, s6, s22, $0xb8;
	[tilespmem:$0x1FC00] =	vst v63  }
0xcb: {  	[tilespmem:$0x1FEC0] =	vst v63  }
0xcc: {  	[tilespmem:$0x1FED0] =	vst v10  }
0xcd: {  	[tilespmem:$0x1FEE0] =	vst v3  }
0xce: {  	[tilespmem:$0x1FEF0] =	vst v2  }
0xcf: {  	[tilespmem:$0x1FF00] =	vst v20  }
0xd0: {  	[tilespmem:$0x1FF10] =	vst v16  }
0xd1: {  	[tilespmem:$0x1FF20] =	vst v11  }
0xd2: {  	[tilespmem:$0x1FF30] =	vst v1  }
0xd3: {  	[tilespmem:$0x1FF40] =	vst v12  }
0xd4: {  	[tilespmem:$0x1FF50] =	vst v27  }
0xd5: {  	[tilespmem:$0x1FF60] =	vst v26  }
0xd6: {  	[tilespmem:$0x1FF70] =	vst v24  }
0xd7: {  	s2 =	simm.s32 $0x1900;
	s3 =	simm.s32 $0x1980;
	s4 =	simm.s32 $0x0;
	[tilespmem:$0x1FF80] =	vst v25  }
0xd8: {  	[tilespmem:s9], [sflag:$0x2] =	stream.indirect.gather [hbm4b:s0+s22], $0x80, s22, s22, $0xb8;
	[tilespmem:$0x1FC00] =	vst v63  }
.LBB2_10:
0xd9: {  	_ =	swait.ge [sflag:s23], $0x4000  }
0xda: {  	p0 =	seq.s32 s4, $0x0;
	s1 =	sand.u32 $0xF, s6;
	[sflag:s23] =	ssyncset.done $0x0  }
0xdb: {  	s5 =	simm.s32 @!p0 $0x3;
	s1 =	sshll.u32 s1, $0x2;
	[sflag:s23] =	ssyncadd.s32 $0xFFFFC000  }
0xdc: {  	s1 =	ssub.s32 $0x0, s1;
	_ =	swait.ge @!p0 [sflag:s5], $0x4000  }
0xdd: {  	s1 =	sshra.s32 s1, $0x2;
	[sflag:s5] =	ssyncset.done @!p0 $0x0  }
0xde: {  	s1 =	sadd.s32 s1, s2;
	[sflag:s5] =	ssyncadd.s32 @!p0 $0xFFFFC000  }
0xdf: {  	v28 =	vld [tilespmem:s1+$0x0]  }
0xe0: {  	s15 =	simm.s32 $0x3280  }
0xe1: {  	v31 =	vld [tilespmem:s15+$0x10]  }
0xe2: {  	s9 =	simm.s32 $0x1;
	v33 =	vld [tilespmem:s15+$0x20]  }
0xe3: {  	v30 =	vmov s9;
	v35 =	vld [tilespmem:s15+$0x30]  }
0xe4: {  	s10 =	sand.u32 $0x7, s6;
	v37 =	vld [tilespmem:s15+$0x40];
	v28 =	vperm.xlane v28, v30  }
0xe5: {  	v0 =	vlaneseq.u32;
	s5 =	sshll.u32 s10, $0x3;
	v39 =	vld [tilespmem:s15+$0x50]  }
0xe6: {  	s11 =	ssub.s32 $0x0, s5;
	v41 =	vld [tilespmem:s15+$0x60];
	v32 =	vadd.s32 v0, v28  }
0xe7: {  	v57 =	vld [tilespmem:s15+$0xFFFFFFC0];
	s1 =	sshra.s32 s11, $0x2;
	v34 =	vadd.s32 v15, v28  }
0xe8: {  	v58 =	vld [tilespmem:s15+$0xFFFFFFD0];
	s13 =	sadd.s32 s1, s2;
	v36 =	vadd.s32 v17, v28  }
0xe9: {  	v29 =	vld [tilespmem:s13+$0x0];
	v38 =	vadd.s32 v6, v28  }
0xea: {  	v30 =	vld [tilespmem:s15+$0x0];
	v40 =	vadd.s32 v19, v28  }
0xeb: {  	s17 =	simm.s32 $0x0;
	v42 =	vadd.s32 v18, v28;
	v32 =	vld.idx.msk [tilespmem:v32+s24+$0x0], $0xffff  }
0xec: {  	s5 =	sand.u32 $0xE, s17;
	v44 =	vadd.s32 v7, v28;
	v34 =	vld.idx.msk [tilespmem:v34+s24+$0x0], $0xffff  }
0xed: {  	v43 =	vmov s5;
	v28 =	vadd.s32 v13, v28;
	v36 =	vld.idx.msk [tilespmem:v36+s24+$0x0], $0xffff  }
0xee: {  	v29 =	vperm.xlane v29, v43;
	v38 =	vld.idx.msk [tilespmem:v38+s24+$0x0], $0xffff  }
0xef: {  	v40 =	vld.idx.msk [tilespmem:v40+s24+$0x0], $0xffff  }
0xf0: {  	v43 =	vadd.s32 v0, v29;
	v42 =	vld.idx.msk [tilespmem:v42+s24+$0x0], $0xffff  }
0xf1: {  	v45 =	vadd.s32 v15, v29;
	v46 =	vadd.s32 v17, v29;
	v44 =	vld.idx.msk [tilespmem:v44+s24+$0x0], $0xffff  }
0xf2: {  	v47 =	vadd.s32 v6, v29;
	v48 =	vadd.s32 v19, v29;
	v49 =	vadd.s32 v18, v29;
	v28 =	vld.idx.msk [tilespmem:v28+s24+$0x0], $0xffff  }
0xf3: {  	v51 =	vadd.s32 v7, v29;
	v50 =	vadd.f32 v30, v32;
	v30 =	vld [tilespmem:s15+$0x70];
	v52 =	vadd.f32 v31, v34  }
0xf4: {  	v59 =	vld [tilespmem:s15+$0xFFFFFFE0];
	v29 =	vadd.s32 v13, v29;
	v36 =	vadd.f32 v33, v36;
	v35 =	vadd.f32 v35, v38  }
0xf5: {  	v43 =	vld.idx.msk [tilespmem:v43+s24+$0x0], $0xffff;
	v33 =	vadd.f32 v37, v40;
	v34 =	vadd.f32 v39, v42;
	v38 =	vmul.f32 v50, v50  }
0xf6: {  	v45 =	vld.idx.msk [tilespmem:v45+s24+$0x0], $0xffff;
	v32 =	vadd.f32 v41, v44;
	v39 =	vmul.f32 v52, v52;
	v60 =	vmul.f32 v36, v36  }
0xf7: {  	v44 =	vld.idx.msk [tilespmem:v48+s24+$0x0], $0xffff;
	v61 =	vmul.f32 v35, v35;
	v48 =	vadd.f32 v52, v50;
	v63 =	vadd.f32 v35, v36  }
0xf8: {  	v51 =	vld.idx.msk [tilespmem:v51+s24+$0x0], $0xffff;
	v62 =	vmul.f32 v32, v32;
	v54 =	vadd.f32 v34, v33;
	v31 =	vadd.f32 v30, v28  }
0xf9: {  	v56 =	vld.idx.msk [tilespmem:v29+s24+$0x0], $0xffff;
	v29 =	vadd.f32 v39, v38;
	v28 =	vmul.f32 v33, v33;
	v30 =	vmul.f32 v34, v34  }
0xfa: {  	v37 =	vld.idx.msk [tilespmem:v46+s24+$0x0], $0xffff;
	v60 =	vadd.f32 v61, v60;
	v53 =	vmul.f32 v31, v31;
	v55 =	vadd.f32 v31, v32  }
0xfb: {  	v40 =	vld.idx.msk [tilespmem:v47+s24+$0x0], $0xffff;
	v63 =	vadd.f32 v63, v48;
	v28 =	vadd.f32 v30, v28  }
0xfc: {  	v46 =	vld.idx.msk [tilespmem:v49+s24+$0x0], $0xffff;
	v30 =	vadd.f32 v53, v62;
	v53 =	vadd.f32 v55, v54  }
0xfd: {  	v29 =	vadd.f32 v60, v29;
	v60 =	vld [tilespmem:s15+$0xFFFFFFF0]  }
0xfe: {  	v61 =	vld [tilespmem:s15+$0xFFFFFF80];
	v28 =	vadd.f32 v30, v28;
	v30 =	vadd.f32 v53, v63  }
0xff: {  	v62 =	vld [tilespmem:s15+$0xFFFFFF90]  }
0x100: {  	v16 =	vadd.f32 v59, v51;
	v54 =	vld [tilespmem:s15+$0xFFFFFFA0];
	v28 =	vadd.f32 v28, v29;
	v29 =	vperm.xlane v30, v9  }
0x101: {  	v42 =	vadd.f32 v57, v44;
	v20 =	vadd.f32 v58, v46;
	v55 =	vld [tilespmem:s15+$0xFFFFFFB0]  }
0x102: {  	v10 =	vadd.f32 v60, v56;
	v29 =	vadd.f32 v30, v29;
	v30 =	vperm.xlane v28, v9  }
0x103: {  	v39 =	vadd.f32 v61, v43;
	v43 =	vmul.f32 v42, v42;
	v53 =	vmul.f32 v16, v16  }
0x104: {  	v58 =	vadd.f32 v10, v16;
	v61 =	vadd.f32 v28, v30;
	v28 =	vperm.xlane v29, v4  }
0x105: {  	v57 =	vmul.f32 v10, v10;
	v41 =	vadd.f32 v62, v45;
	v37 =	vadd.f32 v54, v37  }
0x106: {  	v38 =	vadd.f32 v55, v40;
	v40 =	vmul.f32 v39, v39;
	v47 =	vadd.f32 v29, v28  }
0x107: {  	v45 =	vmul.f32 v20, v20;
	v59 =	vadd.f32 v57, v53;
	v62 =	vperm.xlane v61, v4  }
0x108: {  	v48 =	vmul.f32 v41, v41;
	v54 =	vadd.f32 v41, v39;
	v63 =	vperm.xlane v47, v5  }
0x109: {  	v44 =	vmul.f32 v37, v37;
	v60 =	vadd.f32 v38, v37;
	v49 =	vadd.f32 v61, v62  }
0x10a: {  	v46 =	vmul.f32 v38, v38;
	v61 =	vadd.f32 v20, v42;
	v47 =	vadd.f32 v47, v63  }
0x10b: {  	v43 =	vadd.f32 v45, v43;
	v40 =	vadd.f32 v48, v40;
	v62 =	vperm.xlane v49, v5  }
0x10c: {  	v60 =	vadd.f32 v60, v54;
	v61 =	vadd.f32 v58, v61;
	v63 =	vperm.xlane v47, v8  }
0x10d: {  	v44 =	vadd.f32 v46, v44;
	v46 =	vadd.f32 v49, v62  }
0x10e: {  	v47 =	vadd.f32 v63, v47;
	v63 =	vadd.f32 v61, v60  }
0x10f: {  	s18 =	simm.s32 $0x2;
	v62 =	vperm.xlane v46, v8  }
0x110: {  	s1 =	sand.u32 $0xF, s18;
	v43 =	vadd.f32 v59, v43;
	v40 =	vadd.f32 v44, v40;
	v53 =	vperm.xlane v63, v9  }
0x111: {  	s1 =	sshll.u32 s1, $0x2;
	v51 =	vadd.f32 v62, v46;
	v46 =	vmul.f32 $7.812500000e-03, v47  }
0x112: {  	s1 =	ssub.s32 $0x0, s1;
	v40 =	vadd.f32 v43, v40;
	v43 =	vadd.f32 v63, v53  }
0x113: {  	s1 =	sshra.s32 s1, $0x2;
	s15 =	sadd.s32 $0x2, s2;
	v45 =	vmul.f32 $7.812500000e-03, v51;
	v47 =	vmul.f32 v46, v46;
	v23 =	vsub.f32 v52, v46  }
0x114: {  	s19 =	simm.s32 $0x1;
	s1 =	sadd.s32 s1, s15;
	v54 =	vperm.xlane v40, v9;
	v56 =	vperm.xlane v43, v4  }
0x115: {  	s5 =	sand.u32 $0x7, s19;
	v57 =	vld [tilespmem:s1+$0x0];
	v55 =	vsub.f32 v45, v47;
	[tilespmem:$0x1FE40] =	vst v23;
	v23 =	vsub.f32 v36, v46  }
0x116: {  	s5 =	sshll.u32 s5, $0x3;
	v40 =	vadd.f32 v40, v54;
	v43 =	vadd.f32 v43, v56  }
0x117: {  	s21 =	simm.s32 $0x3;
	s20 =	ssub.s32 $0x0, s5;
	v44 =	vadd.f32 $9.999999740e-06, v55;
	[tilespmem:$0x1FE50] =	vst v23;
	v23 =	vsub.f32 v35, v46  }
0x118: {  	s1 =	sshra.s32 s20, $0x2;
	v61 =	vmov s21;
	v58 =	vperm.xlane v40, v4;
	v60 =	vperm.xlane v43, v5  }
0x119: {  	s1 =	sadd.s32 s1, s15;
	v59 =	vshra.s32 v44, $0x1;
	v44 =	vmul.f32 $5.000000000e-01, v44;
	[tilespmem:$0x1FE60] =	vst v23;
	v23 =	vsub.f32 v33, v46  }
0x11a: {  	s17 =	simm.s32 $0x3380;
	v40 =	vadd.f32 v40, v58;
	v45 =	vsub.s32 $0x5F3759DF, v59;
	v51 =	vld [tilespmem:s1+$0x0];
	v43 =	vadd.f32 v43, v60  }
0x11b: {  	v48 =	vperm.xlane v57, v61;
	v49 =	vld [tilespmem:s17+$0x0];
	v44 =	vmul.f32 v45, v44;
	[tilespmem:$0x1FE70] =	vst v23;
	v23 =	vsub.f32 v32, v46  }
0x11c: {  	v52 =	vsub.f32 v34, v46;
	v62 =	vperm.xlane v40, v5;
	v55 =	vld [tilespmem:s17+$0x20];
	v36 =	vperm.xlane v43, v8  }
0x11d: {  	v47 =	vsub.f32 v50, v46;
	v50 =	vadd.s32 v15, v48;
	v63 =	vmul.f32 v45, v44;
	v44 =	vld [tilespmem:s17+$0x10];
	[tilespmem:$0x1FE80] =	vst v23  }
0x11e: {  	v53 =	vadd.s32 v0, v48;
	v34 =	vadd.f32 v40, v62;
	v57 =	vld [tilespmem:s17+$0x30];
	v40 =	vadd.f32 v36, v43  }
0x11f: {  	v59 =	vld [tilespmem:s17+$0x40];
	v33 =	vsub.f32 $1.500000000e+00, v63;
	v43 =	vadd.s32 v17, v48  }
0x120: {  	v61 =	vld [tilespmem:s17+$0x50];
	v40 =	vmul.f32 $7.812500000e-03, v40  }
0x121: {  	v58 =	vld [tilespmem:s17+$0x60];
	v60 =	vmul.f32 v45, v33;
	v45 =	vadd.s32 v6, v48  }
0x122: {  	v31 =	vsub.f32 v31, v46;
	v56 =	vld.idx.msk [tilespmem:v50+s24+$0x0], $0xffff;
	v29 =	vsub.f32 v37, v40  }
0x123: {  	s18 =	simm.s32 $0x2;
	v28 =	vadd.s32 v7, v48;
	v35 =	vperm.xlane v34, v8;
	v23 =	vmul.f32 v60, v47;
	v47 =	vld.idx.msk [tilespmem:v53+s24+$0x0], $0xffff  }
0x124: {  	s22 =	sand.u32 $0xE, s18;
	v36 =	vadd.s32 v19, v48;
	v43 =	vld.idx.msk [tilespmem:v43+s24+$0x0], $0xffff;
	[tilespmem:$0x1FE90] =	vst v29;
	v29 =	vmul.f32 v60, v31  }
0x125: {  	v62 =	vmov s22;
	v34 =	vadd.f32 v35, v34;
	v53 =	vadd.s32 v18, v48  }
0x126: {  	v51 =	vperm.xlane v51, v62;
	v62 =	vld.idx.msk [tilespmem:v45+s24+$0x0], $0xffff;
	[tilespmem:$0x1FEB0] =	vst v29;
	v29 =	vsub.f32 v42, v40  }
0x127: {  	v34 =	vmul.f32 $7.812500000e-03, v34;
	v63 =	vmul.f32 v40, v40;
	v48 =	vadd.s32 v13, v48  }
0x128: {  	[tilespmem:$0x1FEA0] =	vst v29;
	v29 =	vadd.s32 v15, v51;
	v15 =	vld [tilespmem:$0x1FE40]  }
0x129: {  	v63 =	vsub.f32 v34, v63;
	v34 =	vadd.s32 v18, v51;
	v31 =	vld.idx.msk [tilespmem:v36+s24+$0x0], $0xffff  }
0x12a: {  	v30 =	vadd.s32 v17, v51;
	v32 =	vadd.s32 v6, v51;
	v33 =	vadd.s32 v19, v51;
	v53 =	vld.idx.msk [tilespmem:v53+s24+$0x0], $0xffff  }
0x12b: {  	v35 =	vadd.s32 v7, v51;
	v50 =	vsub.f32 v39, v40;
	v54 =	vsub.f32 v41, v40;
	v28 =	vld.idx.msk [tilespmem:v28+s24+$0x0], $0xffff  }
0x12c: {  	v41 =	vsub.f32 v38, v40;
	v37 =	vadd.s32 v0, v51;
	v36 =	vadd.f32 $9.999999740e-06, v63;
	v48 =	vld.idx.msk [tilespmem:v48+s24+$0x0], $0xffff  }
0x12d: {  	v45 =	vadd.f32 v49, v47;
	v47 =	vadd.f32 v44, v56;
	v51 =	vadd.s32 v13, v51;
	v39 =	vld [tilespmem:s17+$0x70]  }
0x12e: {  	v13 =	vadd.f32 v55, v43;
	v34 =	vld.idx.msk [tilespmem:v34+s24+$0x0], $0xffff;
	v38 =	vshra.s32 v36, $0x1;
	v42 =	vmul.f32 $5.000000000e-01, v36  }
0x12f: {  	v63 =	vadd.f32 v47, v45;
	v46 =	vsub.s32 $0x5F3759DF, v38;
	v17 =	vmul.f32 v60, v15;
	v15 =	vld [tilespmem:$0x1FE50]  }
0x130: {  	v55 =	vadd.f32 v57, v62;
	v57 =	vmul.f32 v47, v47;
	v36 =	vld.idx.msk [tilespmem:v30+s24+$0x0], $0xffff;
	v56 =	vmul.f32 v46, v42  }
0x131: {  	v30 =	vld [tilespmem:s17+$0xFFFFFFC0];
	v0 =	vadd.f32 v59, v31;
	v6 =	vadd.f32 v61, v53;
	v53 =	vmul.f32 v45, v45  }
0x132: {  	v38 =	vld.idx.msk [tilespmem:v32+s24+$0x0], $0xffff;
	v7 =	vadd.f32 v58, v28;
	v28 =	vmul.f32 v13, v13;
	v61 =	vmul.f32 v55, v55  }
0x133: {  	v32 =	vld [tilespmem:s17+$0xFFFFFFB0];
	v31 =	vadd.f32 v39, v48;
	v48 =	vmul.f32 v0, v0;
	v44 =	vmul.f32 v6, v6  }
0x134: {  	v62 =	vmul.f32 v7, v7;
	v53 =	vadd.f32 v57, v53;
	v18 =	vmul.f32 v60, v15;
	v15 =	vld [tilespmem:$0x1FE60]  }
0x135: {  	v59 =	vld.idx.msk [tilespmem:v37+s24+$0x0], $0xffff;
	v57 =	vadd.f32 v55, v13;
	v28 =	vadd.f32 v61, v28;
	v43 =	vmul.f32 v31, v31  }
0x136: {  	v37 =	vld.idx.msk [tilespmem:v33+s24+$0x0], $0xffff;
	v56 =	vmul.f32 v46, v56;
	v48 =	vadd.f32 v44, v48;
	v44 =	vadd.f32 v6, v0  }
0x137: {  	v33 =	vld.idx.msk [tilespmem:v35+s24+$0x0], $0xffff;
	v61 =	vadd.f32 v43, v62;
	v43 =	vadd.f32 v31, v7  }
0x138: {  	v56 =	vsub.f32 $1.500000000e+00, v56;
	v35 =	vadd.f32 v57, v63;
	v63 =	vld [tilespmem:s17+$0xFFFFFFA0]  }
0x139: {  	v39 =	vsub.f32 v20, v40;
	v49 =	vadd.f32 v43, v44;
	v20 =	vmul.f32 v60, v15;
	v15 =	vld [tilespmem:$0x1FE70]  }
0x13a: {  	v42 =	vld.idx.msk [tilespmem:v29+s24+$0x0], $0xffff;
	v28 =	vadd.f32 v28, v53;
	v46 =	vmul.f32 v46, v56  }
0x13b: {  	v56 =	vld [tilespmem:s17+$0xFFFFFF80];
	v48 =	vadd.f32 v61, v48;
	v35 =	vadd.f32 v49, v35  }
0x13c: {  	v61 =	vmul.f32 v46, v54;
	v54 =	vsub.f32 v10, v40;
	v10 =	vld [tilespmem:$0x1FE90];
	v57 =	vmul.f32 v46, v41  }
0x13d: {  	v41 =	vld [tilespmem:s17+$0xFFFFFFD0];
	v49 =	vsub.f32 v16, v40;
	v28 =	vadd.f32 v48, v28;
	v44 =	vperm.xlane v35, v9  }
0x13e: {  	v40 =	vadd.f32 v63, v36;
	v36 =	vadd.f32 v32, v38;
	v19 =	vmul.f32 v60, v15;
	v15 =	vld [tilespmem:$0x1FE80]  }
0x13f: {  	v62 =	vld [tilespmem:s17+$0xFFFFFF90];
	v43 =	vmul.f32 v60, v52;
	v29 =	vperm.xlane v28, v9;
	v48 =	vadd.f32 v35, v44  }
0x140: {  	v51 =	vld.idx.msk [tilespmem:v51+s24+$0x0], $0xffff;
	v37 =	vadd.f32 v30, v37;
	v61 =	vmul.f32 v61, v22;
	v63 =	vmul.f32 v36, v36  }
0x141: {  	v52 =	vmul.f32 v46, v10;
	v44 =	vld [tilespmem:s17+$0xFFFFFFF0];
	v28 =	vadd.f32 v28, v29;
	v29 =	vperm.xlane v48, v4  }
0x142: {  	v10 =	vld [tilespmem:$0x1FEA0];
	v35 =	vadd.f32 v56, v59;
	v41 =	vadd.f32 v41, v34;
	v34 =	vmul.f32 v40, v40  }
0x143: {  	v30 =	vperm.xlane v28, v4;
	v29 =	vadd.f32 v48, v29;
	v60 =	vmul.f32 v60, v15  }
0x144: {  	v15 =	vmul.f32 v46, v50;
	v50 =	vmul.f32 v46, v39;
	v39 =	vadd.f32 v62, v42;
	v42 =	vld [tilespmem:s17+$0xFFFFFFE0]  }
0x145: {  	v49 =	vmul.f32 v46, v49;
	v28 =	vadd.f32 v28, v30;
	v30 =	vperm.xlane v29, v5  }
0x146: {  	v59 =	vmul.f32 v35, v35;
	v34 =	vadd.f32 v63, v34;
	v32 =	vadd.f32 v44, v51  }
0x147: {  	v53 =	vmul.f32 v46, v10;
	v29 =	vadd.f32 v29, v30;
	v30 =	vperm.xlane v28, v5  }
0x148: {  	v58 =	vmul.f32 v32, v32;
	v46 =	vmul.f32 v46, v54;
	v51 =	vadd.f32 v39, v35  }
0x149: {  	v62 =	vmul.f32 v39, v39;
	v28 =	vadd.f32 v28, v30;
	v38 =	vadd.f32 v42, v33  }
0x14a: {  	v10 =	vld [tilespmem:$0x1FEB0];
	v30 =	vadd.f32 v41, v37;
	v33 =	vmul.f32 v37, v37;
	v42 =	vmul.f32 v41, v41  }
0x14b: {  	v59 =	vadd.f32 v62, v59;
	v62 =	vadd.f32 v36, v40;
	v56 =	vmul.f32 v38, v38  }
0x14c: {  	v33 =	vadd.f32 v42, v33;
	v42 =	vperm.xlane v29, v8;
	v63 =	vadd.f32 v32, v38  }
0x14d: {  	v51 =	vadd.f32 v62, v51;
	v62 =	vmul.f32 v17, v22;
	v48 =	vadd.f32 v58, v56  }
0x14e: {  	v29 =	vadd.f32 v42, v29;
	v30 =	vadd.f32 v63, v30;
	v63 =	vperm.xlane v28, v8  }
0x14f: {  	v42 =	vadd.f32 v34, v59;
	v56 =	vmul.f32 v10, v12;
	v59 =	vmul.f32 v23, v21  }
0x150: {  	v62 =	vadd.f32 v62, v3;
	v34 =	vmul.f32 v20, v25;
	v10 =	vmul.f32 v57, v25  }
0x151: {  	v44 =	vadd.f32 v48, v33;
	v28 =	vadd.f32 v63, v28;
	v48 =	vmul.f32 $7.812500000e-03, v29  }
0x152: {  	v51 =	vadd.f32 v30, v51;
	v30 =	vmul.f32 v19, v26;
	v29 =	vmul.f32 v43, v27  }
0x153: {  	v42 =	vadd.f32 v44, v42;
	v54 =	vmul.f32 $7.812500000e-03, v28;
	v58 =	vmul.f32 v48, v48  }
0x154: {  	v59 =	vadd.f32 v59, v2;
	v63 =	vmul.f32 v52, v24;
	v43 =	vperm.xlane v51, v9  }
0x155: {  	v44 =	vadd.f32 v56, v11;
	v56 =	vsub.f32 v54, v58;
	v58 =	vperm.xlane v42, v9  }
0x156: {  	v52 =	vmul.f32 v50, v27;
	v51 =	vadd.f32 v51, v43;
	v54 =	vmul.f32 v53, v26  }
0x157: {  	s1 =	simm.s32 $0xB280;
	v53 =	vmul.f32 v49, v1;
	v43 =	vadd.f32 v42, v58;
	v49 =	vadd.f32 $9.999999740e-06, v56  }
0x158: {  	[tilespmem:s1+$0x10] =	vst v62;
	v28 =	vmul.f32 v60, v1;
	v60 =	vmul.f32 v15, v21;
	v50 =	vsub.f32 v45, v48  }
0x159: {  	[tilespmem:s1+$0x0] =	vst v59;
	v26 =	vperm.xlane v43, v4;
	v1 =	vshra.s32 v49, $0x1;
	v49 =	vmul.f32 $5.000000000e-01, v49  }
0x15a: {  	[tilespmem:s1+$0x70] =	vst v44;
	v58 =	vperm.xlane v51, v4;
	v42 =	vsub.f32 v55, v48;
	v55 =	vsub.s32 $0x5F3759DF, v1  }
0x15b: {  	v57 =	vadd.f32 v43, v26;
	v26 =	vmul.f32 v55, v49;
	v49 =	vadd.f32 v63, v14;
	v63 =	vld [tilespmem:$0x1FEC0]  }
0x15c: {  	v16 =	vmovc v21;
	v20 =	vmovc v25;
	v23 =	vmov v24;
	v47 =	vsub.f32 v47, v48;
	v45 =	vsub.f32 v13, v48  }
0x15d: {  	v33 =	vmul.f32 v18, v24;
	v18 =	vmovc v22;
	v60 =	vadd.f32 v60, v2;
	v56 =	vadd.f32 v51, v58  }
0x15e: {  	v59 =	vadd.f32 v61, v3;
	v11 =	vmovc v5;
	v44 =	vsub.f32 v7, v48;
	v51 =	vmul.f32 v46, v12  }
0x15f: {  	s19 =	simm.s32 $0x4;
	v46 =	vsub.f32 v0, v48;
	v43 =	vsub.f32 v6, v48;
	v62 =	vperm.xlane v56, v5;
	[tilespmem:s1+$0xFFFFFF80] =	vst v60  }
0x160: {  	s5 =	sshll.u32 s4, $0x1;
	s20 =	simm.s32 $0x2;
	s21 =	simm.s32 $0xB280;
	v61 =	vperm.xlane v57, v5;
	v60 =	vmul.f32 v55, v26;
	v58 =	vadd.f32 v10, v63;
	v10 =	vmovc v4  }
.LBB2_11:
0x161: {  	v27 =	vld [tilespmem:$0x1FF10]  }
0x162: {  	v26 =	vld [tilespmem:$0x1FF00]  }
0x163: {  	v13 =	vld [tilespmem:$0x1FED0]  }
0x164: {  	s9 =	sand.u32 $0xF, s19;
	v0 =	vld [tilespmem:$0x1FF20]  }
0x165: {  	v1 =	vld [tilespmem:$0x1FFD0];
	s9 =	sshll.u32 s9, $0x2;
	v3 =	vsub.f32 $1.500000000e+00, v60  }
0x166: {  	v31 =	vsub.f32 v31, v48;
	v6 =	vld [tilespmem:$0x1FFB0];
	v56 =	vadd.f32 v56, v62;
	[tilespmem:s1+$0xFFFFFF90] =	vst v59;
	s9 =	ssub.s32 $0x0, s9  }
0x167: {  	s15 =	sadd.s32 $0x2, s15;
	v33 =	vadd.f32 v33, v14;
	v19 =	vld [tilespmem:$0x1FFA0];
	v57 =	vadd.f32 v57, v61;
	[tilespmem:s1+$0xFFFFFFA0] =	vst v49;
	s9 =	sshra.s32 s9, $0x2;
	v55 =	vmul.f32 v55, v3  }
0x168: {  	v34 =	vadd.f32 v34, v63;
	v17 =	vld [tilespmem:$0x1FF90];
	[tilespmem:s1+$0xFFFFFFB0] =	vst v58;
	v4 =	vperm.xlane v56, v8;
	s9 =	sadd.s32 s9, s15  }
0x169: {  	s22 =	sand.u32 $0x7, s20;
	v5 =	vperm.xlane v57, v8;
	v54 =	vadd.f32 v54, v27;
	v25 =	vld [tilespmem:s9+$0x0];
	v31 =	vmul.f32 v55, v31;
	[tilespmem:s1+$0x20] =	vst v33  }
0x16a: {  	v21 =	vld [tilespmem:$0x1FF50];
	s22 =	sshll.u32 s22, $0x3;
	v52 =	vadd.f32 v52, v26;
	v49 =	vadd.f32 v4, v56;
	[tilespmem:s1+$0x30] =	vst v34  }
0x16b: {  	s22 =	ssub.s32 $0x0, s22;
	v53 =	vadd.f32 v53, v13;
	v59 =	vadd.f32 v5, v57;
	v5 =	vld [tilespmem:$0x1FFF0];
	[tilespmem:s1+$0xFFFFFFC0] =	vst v54;
	v31 =	vmul.f32 v31, v12  }
0x16c: {  	s17 =	sadd.s32 $0x100, s17;
	s22 =	sshra.s32 s22, $0x2;
	v51 =	vadd.f32 v51, v0;
	v30 =	vadd.f32 v30, v27;
	v27 =	vld [tilespmem:$0x1FEE0];
	[tilespmem:s1+$0xFFFFFFD0] =	vst v52;
	v49 =	vmul.f32 $7.812500000e-03, v49  }
0x16d: {  	s10 =	smov.u32 s18;
	s22 =	sadd.s32 s22, s15;
	[tilespmem:s1+$0xFFFFFFE0] =	vst v53;
	v52 =	vld [tilespmem:s17+$0x0];
	v31 =	vadd.f32 v31, v0  }
0x16e: {  	v53 =	vld [tilespmem:s22+$0x0];
	[tilespmem:s1+$0xFFFFFFF0] =	vst v51;
	s22 =	sadd.s32 $0x3, s10;
	s1 =	sadd.s32 $0x100, s1;
	v56 =	vsub.f32 v35, v49  }
0x16f: {  	s18 =	sadd.s32 $0x2, s18;
	v51 =	vld [tilespmem:s17+$0x10];
	v62 =	vmov s22;
	v35 =	vsub.f32 v40, v49;
	v40 =	vsub.f32 v36, v49;
	[tilespmem:s1+$0x70] =	vst v31  }
0x170: {  	s11 =	sand.u32 $0xE, s18;
	v36 =	vsub.f32 v37, v49;
	v37 =	vsub.f32 v41, v49;
	v33 =	vperm.xlane v25, v62;
	v41 =	vld [tilespmem:s17+$0x20]  }
0x171: {  	v24 =	vmov s11;
	v4 =	vlaneseq.u32;
	v58 =	vld [tilespmem:s17+$0x30]  }
0x172: {  	v60 =	vmul.f32 $7.812500000e-03, v59;
	v61 =	vmul.f32 v49, v49;
	v31 =	vadd.s32 v4, v33;
	v62 =	vld [tilespmem:s17+$0x40]  }
0x173: {  	v15 =	vmov v14;
	v57 =	vadd.s32 v5, v33;
	v2 =	vld [tilespmem:s17+$0x50];
	v48 =	vperm.xlane v53, v24  }
0x174: {  	v14 =	vmovc v12;
	v50 =	vmul.f32 v55, v50;
	v63 =	vsub.f32 v60, v61;
	v12 =	vadd.s32 v19, v33;
	v24 =	vld [tilespmem:$0x1FFE0]  }
0x175: {  	v53 =	vadd.s32 v4, v48;
	v60 =	vadd.s32 v1, v48;
	v4 =	vld [tilespmem:$0x1FFC0];
	v1 =	vadd.s32 v1, v33  }
0x176: {  	v54 =	vadd.s32 v5, v48;
	v0 =	vadd.s32 v6, v48;
	v5 =	vld [tilespmem:s17+$0x60];
	v6 =	vadd.s32 v6, v33  }
0x177: {  	v47 =	vmul.f32 v55, v47;
	v42 =	vmul.f32 v55, v42;
	v34 =	vadd.f32 $9.999999740e-06, v63;
	v31 =	vld.idx.msk [tilespmem:v31+s24+$0x0], $0xffff  }
0x178: {  	v43 =	vmul.f32 v55, v43;
	v44 =	vmul.f32 v55, v44;
	v57 =	vld.idx.msk [tilespmem:v57+s24+$0x0], $0xffff  }
0x179: {  	v7 =	vshra.s32 v34, $0x1;
	v34 =	vmul.f32 $5.000000000e-01, v34;
	v12 =	vld.idx.msk [tilespmem:v12+s24+$0x0], $0xffff;
	v25 =	vadd.s32 v24, v33  }
0x17a: {  	v39 =	vsub.f32 v39, v49;
	v7 =	vsub.s32 $0x5F3759DF, v7;
	v59 =	vadd.s32 v24, v48;
	v1 =	vld.idx.msk [tilespmem:v1+s24+$0x0], $0xffff  }
0x17b: {  	v24 =	vmul.f32 v7, v34;
	v63 =	vadd.s32 v4, v48;
	v4 =	vadd.s32 v4, v33;
	v6 =	vld.idx.msk [tilespmem:v6+s24+$0x0], $0xffff  }
0x17c: {  	v61 =	vadd.s32 v17, v33;
	v3 =	vadd.s32 v19, v48;
	v48 =	vadd.s32 v17, v48;
	v17 =	vld [tilespmem:$0x1FF60]  }
0x17d: {  	v38 =	vsub.f32 v38, v49;
	v32 =	vsub.f32 v32, v49;
	v33 =	vmul.f32 v7, v24;
	v0 =	vld.idx.msk [tilespmem:v0+s24+$0x0], $0xffff  }
0x17e: {  	v49 =	vld.idx.msk [tilespmem:v25+s24+$0x0], $0xffff;
	v25 =	vmul.f32 v55, v45;
	v45 =	vmul.f32 v55, v46;
	v46 =	vadd.f32 v29, v26  }
0x17f: {  	v29 =	vmul.f32 v50, v16;
	v50 =	vadd.f32 v28, v13;
	v28 =	vsub.f32 $1.500000000e+00, v33;
	v26 =	vld [tilespmem:$0x1FEF0]  }
0x180: {  	v34 =	vmul.f32 v42, v20;
	v42 =	vadd.f32 v52, v31;
	v55 =	vmul.f32 v47, v18;
	v4 =	vld.idx.msk [tilespmem:v4+s24+$0x0], $0xffff  }
0x181: {  	v47 =	vadd.f32 v51, v57;
	v33 =	vmul.f32 v25, v23;
	[tilespmem:s21+$0x40] =	vst v30;
	v7 =	vmul.f32 v7, v28;
	v25 =	vld [tilespmem:$0x1FF30]  }
0x182: {  	v30 =	vmul.f32 v45, v17;
	v61 =	vld.idx.msk [tilespmem:v61+s24+$0x0], $0xffff  }
0x183: {  	v31 =	vld [tilespmem:s17+$0x70];
	[tilespmem:s21+$0x50] =	vst v46;
	v46 =	vadd.f32 v58, v1;
	v58 =	vadd.f32 v47, v42;
	v1 =	vmul.f32 v7, v56  }
0x184: {  	v3 =	vld.idx.msk [tilespmem:v3+s24+$0x0], $0xffff;
	v13 =	vadd.f32 v29, v26;
	v29 =	vmul.f32 v43, v21;
	v45 =	vadd.f32 v41, v49  }
0x185: {  	v52 =	vld.idx.msk [tilespmem:v53+s24+$0x0], $0xffff;
	v49 =	vadd.f32 v2, v6;
	v2 =	vmul.f32 v42, v42;
	v6 =	vmul.f32 v47, v47  }
0x186: {  	v51 =	vld.idx.msk [tilespmem:v60+s24+$0x0], $0xffff;
	v28 =	vmul.f32 v44, v25;
	v43 =	vadd.f32 v62, v4;
	v44 =	vadd.f32 v5, v12  }
0x187: {  	v4 =	vld.idx.msk [tilespmem:v59+s24+$0x0], $0xffff;
	v5 =	vmul.f32 v45, v45;
	v12 =	vmul.f32 v46, v46;
	v59 =	vadd.f32 v46, v45  }
0x188: {  	v53 =	vld.idx.msk [tilespmem:v63+s24+$0x0], $0xffff;
	v56 =	vmul.f32 v49, v49;
	v2 =	vadd.f32 v6, v2;
	v31 =	vadd.f32 v31, v61  }
0x189: {  	v41 =	vld.idx.msk [tilespmem:v54+s24+$0x0], $0xffff;
	v54 =	vmul.f32 v43, v43;
	v57 =	vmul.f32 v44, v44;
	v61 =	vadd.f32 v49, v43  }
0x18a: {  	[tilespmem:s1+$0x0] =	vst v13;
	v13 =	vld [tilespmem:s17+$0xFFFFFF90];
	v5 =	vadd.f32 v12, v5;
	v24 =	vmul.f32 v31, v31;
	v62 =	vadd.f32 v31, v44  }
0x18b: {  	v6 =	vmul.f32 v7, v39;
	v12 =	vld [tilespmem:s17+$0xFFFFFF80];
	v60 =	vadd.f32 v59, v58;
	v39 =	vadd.f32 v56, v54  }
0x18c: {  	v58 =	vmul.f32 v7, v40;
	v40 =	vld [tilespmem:s17+$0xFFFFFFA0];
	v24 =	vadd.f32 v24, v57;
	v61 =	vadd.f32 v62, v61  }
0x18d: {  	[tilespmem:s21+$0x60] =	vst v50;
	v50 =	vmul.f32 v7, v37;
	v2 =	vadd.f32 v5, v2;
	v5 =	vmul.f32 v7, v36;
	v36 =	vld [tilespmem:s17+$0xFFFFFFB0]  }
0x18e: {  	v48 =	vld.idx.msk [tilespmem:v48+s24+$0x0], $0xffff;
	v56 =	vmul.f32 v7, v35;
	v62 =	vadd.f32 v24, v39;
	v54 =	vadd.f32 v61, v60  }
0x18f: {  	v55 =	vadd.f32 v55, v27;
	v57 =	vmul.f32 v7, v38;
	v38 =	vld [tilespmem:s17+$0xFFFFFFC0];
	v7 =	vmul.f32 v7, v32  }
0x190: {  	v35 =	vadd.f32 v12, v52;
	v12 =	vld [tilespmem:s17+$0xFFFFFFD0];
	v2 =	vadd.f32 v62, v2;
	v59 =	vperm.xlane v54, v9  }
0x191: {  	v39 =	vadd.f32 v13, v41;
	v13 =	vld [tilespmem:s17+$0xFFFFFFE0];
	v60 =	vmul.f32 v56, v23;
	v40 =	vadd.f32 v40, v4  }
0x192: {  	v24 =	vld [tilespmem:s17+$0xFFFFFFF0];
	v36 =	vadd.f32 v36, v51;
	v56 =	vadd.f32 v54, v59;
	v59 =	vperm.xlane v2, v9  }
0x193: {  	[tilespmem:s1+$0x10] =	vst v55;
	v51 =	vmul.f32 v35, v35;
	v52 =	vmul.f32 v39, v39;
	v55 =	vadd.f32 v39, v35  }
0x194: {  	v37 =	vadd.f32 v38, v53;
	v2 =	vadd.f32 v2, v59;
	v61 =	vperm.xlane v56, v10  }
0x195: {  	v51 =	vadd.f32 v52, v51;
	v41 =	vadd.f32 v12, v0;
	v0 =	vmul.f32 v40, v40  }
0x196: {  	v38 =	vadd.f32 v13, v3;
	v62 =	vadd.f32 v56, v61;
	v13 =	vperm.xlane v2, v10  }
0x197: {  	v12 =	vmul.f32 v36, v36;
	v32 =	vadd.f32 v24, v48;
	v4 =	vmul.f32 v37, v37  }
0x198: {  	v24 =	vadd.f32 v36, v40;
	v2 =	vadd.f32 v2, v13;
	v13 =	vperm.xlane v62, v11  }
0x199: {  	v48 =	vmul.f32 v41, v41;
	v53 =	vmul.f32 v38, v38;
	v59 =	vadd.f32 v41, v37  }
0x19a: {  	v0 =	vadd.f32 v12, v0;
	v3 =	vadd.f32 v62, v13;
	v13 =	vperm.xlane v2, v11  }
0x19b: {  	v54 =	vmul.f32 v32, v32;
	v24 =	vadd.f32 v24, v55;
	v61 =	vadd.f32 v32, v38  }
0x19c: {  	v4 =	vadd.f32 v48, v4;
	v2 =	vadd.f32 v2, v13;
	v12 =	vperm.xlane v3, v8  }
0x19d: {  	v56 =	vadd.f32 v61, v59;
	v13 =	vadd.f32 v54, v53  }
0x19e: {  	v63 =	vld [tilespmem:$0x1FEC0];
	v54 =	vmul.f32 v5, v17;
	v3 =	vadd.f32 v12, v3;
	v17 =	vperm.xlane v2, v8  }
0x19f: {  	v1 =	vmul.f32 v1, v16;
	v0 =	vadd.f32 v0, v51;
	v59 =	vadd.f32 v56, v24  }
0x1a0: {  	v4 =	vadd.f32 v13, v4;
	v2 =	vadd.f32 v17, v2;
	v48 =	vmul.f32 $7.812500000e-03, v3  }
0x1a1: {  	v1 =	vadd.f32 v1, v26;
	v58 =	vmul.f32 v58, v20;
	v5 =	vperm.xlane v59, v9  }
0x1a2: {  	v0 =	vadd.f32 v4, v0;
	v2 =	vmul.f32 $7.812500000e-03, v2;
	v61 =	vmul.f32 v48, v48  }
0x1a3: {  	v6 =	vmul.f32 v6, v18;
	v58 =	vadd.f32 v58, v63;
	v12 =	vmovc v14;
	v3 =	vadd.f32 v59, v5  }
0x1a4: {  	v51 =	vmul.f32 v7, v12;
	v7 =	vperm.xlane v0, v9;
	v2 =	vsub.f32 v2, v61  }
0x1a5: {  	v52 =	vmul.f32 v50, v21;
	v59 =	vadd.f32 v6, v27;
	v50 =	vsub.f32 v42, v48  }
0x1a6: {  	v53 =	vmul.f32 v57, v25;
	v0 =	vadd.f32 v0, v7;
	v2 =	vadd.f32 $9.999999740e-06, v2  }
0x1a7: {  	p1 =	slt.u32 s18, $0x7E;
	v47 =	vsub.f32 v47, v48;
	v45 =	vsub.f32 v45, v48;
	v62 =	vperm.xlane v3, v10  }
.Ltmp6:
0x1a8: {  	v24 =	vperm.xlane v0, v10;
	v7 =	vshra.s32 v2, $0x1;
	v2 =	vmul.f32 $5.000000000e-01, v2;
	(pc) =	sbr.rel @p1 .LBB2_11-.Ltmp6, $4  }
0x1a9: {  	v42 =	vsub.f32 v46, v48;
	v56 =	vadd.f32 v3, v62;
	v55 =	vsub.s32 $0x5F3759DF, v7  }
0x1aa: {  	v46 =	vsub.f32 v43, v48;
	v57 =	vadd.f32 v0, v24;
	v25 =	vmul.f32 v55, v2  }
0x1ab: {  	[tilespmem:s1+$0xFFFFFF80] =	vst v1;
	v43 =	vsub.f32 v49, v48;
	v44 =	vsub.f32 v44, v48;
	v62 =	vperm.xlane v56, v11  }
0x1ac: {  	s19 =	sadd.s32 $0x2, s19;
	s20 =	sadd.s32 $0x1, s20;
	s21 =	smov.u32 s1;
	v14 =	vmovc v15;
	v49 =	vadd.f32 v60, v15;
	v61 =	vperm.xlane v57, v11;
	v60 =	vmul.f32 v55, v25  }
0x1ad: {  	v0 =	vadd.f32 v56, v62;
	[tilespmem:s1+$0xFFFFFF90] =	vst v59  }
0x1ae: {  	v1 =	vadd.f32 v57, v61;
	v57 =	vld [tilespmem:$0x1FF10]  }
0x1af: {  	[tilespmem:s1+$0xFFFFFFA0] =	vst v49;
	v2 =	vperm.xlane v0, v8  }
0x1b0: {  	v62 =	vsub.f32 $1.500000000e+00, v60;
	v26 =	vld [tilespmem:$0x1FF00];
	[tilespmem:s1+$0xFFFFFFB0] =	vst v58  }
0x1b1: {  	v59 =	vadd.f32 v33, v14;
	v3 =	vperm.xlane v1, v8;
	v58 =	vld [tilespmem:$0x1FED0];
	v0 =	vadd.f32 v2, v0  }
0x1b2: {  	v4 =	vsub.f32 v31, v48;
	v13 =	vadd.f32 v34, v63;
	v19 =	vld [tilespmem:$0x1FF20];
	v2 =	vmul.f32 v55, v62  }
0x1b3: {  	[tilespmem:s1+$0x20] =	vst v59;
	v1 =	vadd.f32 v3, v1;
	v0 =	vmul.f32 $7.812500000e-03, v0;
	v5 =	vadd.f32 v54, v57  }
0x1b4: {  	[tilespmem:s1+$0x30] =	vst v13;
	v4 =	vmul.f32 v2, v4;
	v13 =	vadd.f32 v30, v57  }
0x1b5: {  	v17 =	vmovc v12;
	v1 =	vmul.f32 $7.812500000e-03, v1;
	v6 =	vadd.f32 v52, v26;
	v61 =	vmul.f32 v0, v0;
	[tilespmem:s1+$0xFFFFFFC0] =	vst v5  }
0x1b6: {  	v7 =	vadd.f32 v53, v58;
	v4 =	vmul.f32 v4, v17;
	[tilespmem:s21+$0x40] =	vst v13  }
0x1b7: {  	v12 =	vadd.f32 v51, v19;
	[tilespmem:s1+$0xFFFFFFD0] =	vst v6;
	v1 =	vsub.f32 v1, v61  }
0x1b8: {  	[tilespmem:s1+$0xFFFFFFE0] =	vst v7;
	v4 =	vadd.f32 v4, v19  }
0x1b9: {  	s19 =	sadd.s32 $0x100, s1;
	v60 =	vmul.f32 v2, v50;
	[tilespmem:s1+$0xFFFFFFF0] =	vst v12;
	v1 =	vadd.f32 $9.999999740e-06, v1  }
0x1ba: {  	[tilespmem:s19+$0x70] =	vst v4  }
0x1bb: {  	v24 =	vmovc v16;
	v30 =	vmul.f32 v60, v16;
	v16 =	vld [tilespmem:$0x1FEF0];
	v56 =	vshra.s32 v1, $0x1;
	v1 =	vmul.f32 $5.000000000e-01, v1  }
0x1bc: {  	v3 =	vsub.s32 $0x5F3759DF, v56  }
0x1bd: {  	v1 =	vmul.f32 v3, v1  }
0x1be: {  	v62 =	vsub.f32 v37, v0  }
0x1bf: {  	v37 =	vsub.f32 v38, v0;
	v38 =	vadd.f32 v29, v26;
	v1 =	vmul.f32 v3, v1  }
0x1c0: {  	v13 =	vadd.f32 v30, v16  }
0x1c1: {  	[tilespmem:s21+$0x50] =	vst v38;
	v1 =	vsub.f32 $1.500000000e+00, v1  }
0x1c2: {  	[tilespmem:s19+$0x0] =	vst v13  }
0x1c3: {  	v22 =	vmov v17;
	v6 =	vsub.f32 v35, v0;
	v17 =	vld [tilespmem:$0x1FEE0];
	v1 =	vmul.f32 v3, v1  }
0x1c4: {  	v61 =	vmul.f32 v2, v47  }
0x1c5: {  	v31 =	vsub.f32 v39, v0;
	v28 =	vadd.f32 v28, v58;
	v6 =	vmul.f32 v1, v6  }
0x1c6: {  	v7 =	vsub.f32 v40, v0;
	v12 =	vsub.f32 v36, v0;
	v29 =	vmul.f32 v61, v18  }
0x1c7: {  	v36 =	vsub.f32 v41, v0;
	v30 =	vmul.f32 v1, v31;
	v6 =	vmul.f32 v6, v24  }
0x1c8: {  	v39 =	vmul.f32 v1, v7;
	v7 =	vmul.f32 v1, v12;
	v12 =	vadd.f32 v29, v17  }
0x1c9: {  	v0 =	vsub.f32 v32, v0;
	[tilespmem:s21+$0x60] =	vst v28;
	v13 =	vmul.f32 v30, v18;
	v6 =	vadd.f32 v6, v16  }
0x1ca: {  	v7 =	vmul.f32 v7, v20;
	[tilespmem:s19+$0x10] =	vst v12  }
0x1cb: {  	v0 =	vmul.f32 v1, v0;
	v4 =	vmul.f32 v39, v23;
	v12 =	vadd.f32 v13, v17;
	v13 =	vld [tilespmem:$0x1FF60];
	[tilespmem:s19+$0xFFFFFF80] =	vst v6  }
0x1cc: {  	v41 =	vmul.f32 v2, v42;
	v6 =	vadd.f32 v7, v63;
	v7 =	vmul.f32 v2, v45;
	v16 =	vld [tilespmem:$0x1FF50]  }
0x1cd: {  	v42 =	vmul.f32 v2, v43;
	v0 =	vmul.f32 v0, v22;
	v4 =	vadd.f32 v4, v14;
	[tilespmem:s19+$0xFFFFFF90] =	vst v12  }
0x1ce: {  	v5 =	vmul.f32 v1, v62;
	v12 =	vld [tilespmem:$0x1FF30];
	v7 =	vmul.f32 v7, v23  }
0x1cf: {  	v28 =	vmul.f32 v1, v36;
	v0 =	vadd.f32 v0, v19;
	[tilespmem:s19+$0xFFFFFFA0] =	vst v4;
	v4 =	vmul.f32 v41, v20  }
0x1d0: {  	[tilespmem:s19+$0xFFFFFFB0] =	vst v6;
	v6 =	vmul.f32 v2, v46;
	v5 =	vmul.f32 v5, v13;
	v45 =	vadd.f32 v7, v14  }
0x1d1: {  	v3 =	vmul.f32 v1, v37;
	[tilespmem:s19+$0xFFFFFFF0] =	vst v0;
	v46 =	vadd.f32 v4, v63;
	v40 =	vmul.f32 v28, v16  }
0x1d2: {  	v43 =	vmul.f32 v2, v44;
	v44 =	vmul.f32 v6, v13;
	v5 =	vadd.f32 v5, v57;
	[tilespmem:s19+$0x20] =	vst v45  }
0x1d3: {  	[tilespmem:s19+$0x30] =	vst v46;
	v3 =	vmul.f32 v3, v12;
	v1 =	vadd.f32 v40, v26  }
0x1d4: {  	v2 =	vadd.f32 v44, v57;
	[tilespmem:s19+$0xFFFFFFC0] =	vst v5;
	v5 =	vmul.f32 v42, v16  }
0x1d5: {  	v3 =	vadd.f32 v3, v58;
	[tilespmem:s19+$0xFFFFFFD0] =	vst v1;
	v1 =	vmul.f32 v43, v12  }
0x1d6: {  	p1 =	seq.s32 s4, $0x18;
	[tilespmem:s19+$0x40] =	vst v2;
	v47 =	vadd.f32 v5, v26  }
0x1d7: {  	s9 =	sshll.u32 @!p1 s4, $0x8;
	[tilespmem:s19+$0xFFFFFFE0] =	vst v3;
	v1 =	vadd.f32 v1, v58  }
0x1d8: {  	s20 =	sshll.u32 s4, $0xF;
	s15 =	sand.u32 @!p1 $0x3FFFFF00, s9;
	[tilespmem:s19+$0x50] =	vst v47  }
0x1d9: {  	s10 =	simm.s32 @!p1 $0x3200;
	s9 =	simm.s32 @!p1 $0x80;
	s1 =	sadd.s32 @!p1 $0x100, s15;
	[tilespmem:s19+$0x60] =	vst v1  }
0x1da: {  	[tilespmem:s10], [sflag:$0x1] =	stream.indirect.gather @!p1 [hbm4b:s0+s9], $0x80, s1, s9, $0xb8;
	[tilespmem:$0x1FC00] =	vst v63  }
0x1db: {  	s1 =	sadd.s32 s12, s20  }
0x1dc: {  	s1 =	sshrl.u32 s1, $0x3  }
0x1dd: {  	s1 =	sadd.s32 s7, s1  }
0x1de: {  	[hbm4b:s1+s8] =	stream.linear.scatter [tilespmem:s25], [sflag:$0x3], $0x4000, $0x38;
	[tilespmem:$0x1FC00] =	vst v63  }
0x1df: {  	_ =	swait.ge [sflag:s26], $0x4000  }
0x1e0: {  	[sflag:s26] =	ssyncset.done $0x0  }
0x1e1: {  	s10 =	simm.s32 @!p0 $0x4;
	[sflag:s26] =	ssyncadd.s32 $0xFFFFC000  }
0x1e2: {  	s21 =	simm.s32 $0x0;
	_ =	swait.ge @!p0 [sflag:s10], $0x4000  }
0x1e3: {  	s22 =	sand.u32 $0xF, s21;
	v23 =	vld [tilespmem:$0x1FFF0]  }
0x1e4: {  	s9 =	sshll.u32 s22, $0x2;
	v21 =	vld [tilespmem:$0x1FFE0]  }
0x1e5: {  	v27 =	vmov v19;
	s9 =	ssub.s32 $0x0, s9;
	v19 =	vld [tilespmem:$0x1FFD0]  }
0x1e6: {  	v25 =	vmov v18;
	s9 =	sshra.s32 s9, $0x2;
	s1 =	sand.u32 $0x7, s21;
	[sflag:s10] =	ssyncset.done @!p0 $0x0;
	v18 =	vld [tilespmem:$0x1FFC0]  }
0x1e7: {  	s9 =	sadd.s32 s9, s3;
	s1 =	sshll.u32 s1, $0x3;
	v17 =	vld [tilespmem:$0x1FFB0];
	[sflag:s10] =	ssyncadd.s32 @!p0 $0xFFFFC000  }
0x1e8: {  	s1 =	ssub.s32 $0x0, s1;
	v49 =	vld [tilespmem:s9+$0x0]  }
0x1e9: {  	s1 =	sshra.s32 s1, $0x2;
	v20 =	vld [tilespmem:$0x1FFA0]  }
0x1ea: {  	s1 =	sadd.s32 s1, s3;
	v16 =	vld [tilespmem:$0x1FF90]  }
0x1eb: {  	s17 =	simm.s32 $0x0;
	s10 =	simm.s32 $0x1;
	v50 =	vld [tilespmem:s1+$0x0]  }
0x1ec: {  	v51 =	vmov s10;
	v52 =	vld [tilespmem:s17+$0x7280]  }
0x1ed: {  	v53 =	vld [tilespmem:s17+$0x7290];
	v0 =	vperm.xlane v49, v51  }
0x1ee: {  	v56 =	vlaneseq.u32;
	v57 =	vld [tilespmem:s17+$0x72A0]  }
0x1ef: {  	v7 =	vld [tilespmem:s17+$0x72B0];
	v55 =	vadd.s32 v56, v0  }
0x1f0: {  	v13 =	vld [tilespmem:s17+$0x72C0];
	v6 =	vadd.s32 v23, v0  }
0x1f1: {  	v29 =	vld [tilespmem:s17+$0x72D0];
	v12 =	vadd.s32 v21, v0  }
0x1f2: {  	s11 =	simm.s32 $0x0;
	v31 =	vld [tilespmem:s17+$0x72E0];
	v28 =	vadd.s32 v19, v0  }
0x1f3: {  	s1 =	sand.u32 $0xE, s11;
	v48 =	vld [tilespmem:s17+$0x72F0];
	v30 =	vadd.s32 v18, v0  }
0x1f4: {  	v59 =	vmov s1;
	v58 =	vadd.s32 v17, v0;
	v4 =	vld.idx.msk [tilespmem:v55+s24+$0x0], $0xffff  }
0x1f5: {  	v1 =	vperm.xlane v50, v59;
	v60 =	vadd.s32 v20, v0;
	v6 =	vld.idx.msk [tilespmem:v6+s24+$0x0], $0xffff  }
0x1f6: {  	v0 =	vadd.s32 v16, v0;
	v12 =	vld.idx.msk [tilespmem:v12+s24+$0x0], $0xffff  }
0x1f7: {  	v33 =	vadd.s32 v56, v1;
	v28 =	vld.idx.msk [tilespmem:v28+s24+$0x0], $0xffff  }
0x1f8: {  	v46 =	vadd.s32 v18, v1;
	v30 =	vld.idx.msk [tilespmem:v30+s24+$0x0], $0xffff  }
0x1f9: {  	v61 =	vadd.s32 v23, v1;
	v62 =	vadd.s32 v21, v1;
	v49 =	vadd.s32 v20, v1;
	v32 =	vld.idx.msk [tilespmem:v58+s24+$0x0], $0xffff  }
0x1fa: {  	v45 =	vadd.s32 v19, v1;
	v47 =	vadd.s32 v17, v1;
	v1 =	vadd.s32 v16, v1;
	v63 =	vld.idx.msk [tilespmem:v60+s24+$0x0], $0xffff  }
0x1fb: {  	v0 =	vld.idx.msk [tilespmem:v0+s24+$0x0], $0xffff  }
0x1fc: {  	v42 =	vld.idx.msk [tilespmem:v33+s24+$0x0], $0xffff  }
0x1fd: {  	v36 =	vld.idx.msk [tilespmem:v46+s24+$0x0], $0xffff  }
0x1fe: {  	v41 =	vld.idx.msk [tilespmem:v49+s24+$0x0], $0xffff;
	v2 =	vadd.f32 v52, v4  }
0x1ff: {  	v1 =	vld.idx.msk [tilespmem:v1+s24+$0x0], $0xffff;
	v3 =	vadd.f32 v53, v6;
	v5 =	vadd.f32 v57, v12  }
0x200: {  	v46 =	vld [tilespmem:s17+$0x7220];
	v7 =	vadd.f32 v7, v28;
	v33 =	vadd.f32 v13, v30  }
0x201: {  	v49 =	vld [tilespmem:s17+$0x7250];
	v34 =	vadd.f32 v29, v32;
	v13 =	vmul.f32 v2, v2;
	v28 =	vmul.f32 v3, v3  }
0x202: {  	v6 =	vld.idx.msk [tilespmem:v61+s24+$0x0], $0xffff;
	v32 =	vadd.f32 v31, v63;
	v30 =	vmul.f32 v5, v5;
	v50 =	vmul.f32 v7, v7  }
0x203: {  	v12 =	vld.idx.msk [tilespmem:v62+s24+$0x0], $0xffff;
	v31 =	vadd.f32 v48, v0;
	v51 =	vmul.f32 v33, v33;
	v52 =	vmul.f32 v34, v34  }
0x204: {  	v29 =	vld.idx.msk [tilespmem:v45+s24+$0x0], $0xffff;
	v54 =	vmul.f32 v32, v32;
	v55 =	vadd.f32 v3, v2;
	v57 =	vadd.f32 v7, v5  }
0x205: {  	v62 =	vld [tilespmem:s17+$0x7210];
	v58 =	vmul.f32 v31, v31;
	v59 =	vadd.f32 v34, v33;
	v60 =	vadd.f32 v31, v32  }
0x206: {  	v48 =	vld [tilespmem:s17+$0x7240];
	v13 =	vadd.f32 v28, v13;
	v28 =	vadd.f32 v50, v30  }
0x207: {  	v53 =	vld.idx.msk [tilespmem:v47+s24+$0x0], $0xffff;
	v0 =	vadd.f32 v52, v51;
	v61 =	vadd.f32 v58, v54  }
0x208: {  	v30 =	vld [tilespmem:s17+$0x7200];
	v63 =	vadd.f32 v57, v55;
	v45 =	vadd.f32 v60, v59  }
0x209: {  	v50 =	vld [tilespmem:s17+$0x7260];
	v13 =	vadd.f32 v28, v13  }
0x20a: {  	v28 =	vld [tilespmem:s17+$0x7230];
	v0 =	vadd.f32 v61, v0;
	v47 =	vadd.f32 v45, v63  }
0x20b: {  	v51 =	vld [tilespmem:s17+$0x7270];
	v6 =	vadd.f32 v62, v6;
	v36 =	vadd.f32 v48, v36  }
0x20c: {  	v12 =	vadd.f32 v46, v12;
	v0 =	vadd.f32 v0, v13;
	v13 =	vperm.xlane v47, v9  }
0x20d: {  	v52 =	vmul.f32 v6, v6;
	v55 =	vmul.f32 v36, v36;
	v42 =	vadd.f32 v30, v42  }
0x20e: {  	v30 =	vadd.f32 v49, v53;
	v53 =	vmul.f32 v12, v12;
	v4 =	vadd.f32 v47, v13  }
0x20f: {  	v13 =	vperm.xlane v0, v9;
	v40 =	vadd.f32 v28, v29;
	v44 =	vmul.f32 v42, v42  }
0x210: {  	v29 =	vadd.f32 v50, v41;
	v28 =	vadd.f32 v51, v1;
	v57 =	vmul.f32 v30, v30  }
0x211: {  	v59 =	vadd.f32 v6, v42;
	v0 =	vadd.f32 v0, v13;
	v13 =	vperm.xlane v4, v10  }
0x212: {  	v61 =	vadd.f32 v30, v36;
	v54 =	vmul.f32 v40, v40;
	v58 =	vmul.f32 v29, v29  }
0x213: {  	v60 =	vadd.f32 v40, v12;
	v4 =	vadd.f32 v4, v13;
	v13 =	vperm.xlane v0, v10  }
0x214: {  	v62 =	vmul.f32 v28, v28;
	v63 =	vadd.f32 v28, v29;
	v44 =	vadd.f32 v52, v44  }
0x215: {  	v1 =	vadd.f32 v57, v55;
	v0 =	vadd.f32 v0, v13;
	v13 =	vperm.xlane v4, v11  }
0x216: {  	s13 =	simm.s32 $0x2;
	v37 =	vadd.f32 v54, v53;
	v49 =	vadd.f32 v62, v58  }
0x217: {  	s1 =	sand.u32 $0xF, s13;
	v50 =	vadd.f32 v60, v59;
	v4 =	vadd.f32 v4, v13;
	v13 =	vperm.xlane v0, v11  }
0x218: {  	s1 =	sshll.u32 s1, $0x2;
	v51 =	vadd.f32 v63, v61;
	v37 =	vadd.f32 v37, v44  }
0x219: {  	s1 =	ssub.s32 $0x0, s1;
	v1 =	vadd.f32 v49, v1;
	v0 =	vadd.f32 v0, v13;
	v13 =	vperm.xlane v4, v8  }
0x21a: {  	s21 =	sadd.s32 $0x2, s3;
	s1 =	sshra.s32 s1, $0x2;
	v52 =	vadd.f32 v51, v50  }
0x21b: {  	s1 =	sadd.s32 s1, s21;
	v1 =	vadd.f32 v1, v37;
	v4 =	vadd.f32 v13, v4;
	v13 =	vperm.xlane v0, v8  }
0x21c: {  	v55 =	vld [tilespmem:s1+$0x0]  }
0x21d: {  	s20 =	simm.s32 $0x3;
	v54 =	vperm.xlane v1, v9;
	v0 =	vadd.f32 v13, v0;
	v13 =	vperm.xlane v52, v9  }
0x21e: {  	s18 =	simm.s32 $0x1;
	v59 =	vmov s20;
	v4 =	vmul.f32 $7.812500000e-03, v4  }
0x21f: {  	s9 =	sand.u32 $0x7, s18;
	v1 =	vadd.f32 v1, v54;
	v0 =	vmul.f32 $7.812500000e-03, v0;
	v13 =	vadd.f32 v52, v13  }
0x220: {  	s9 =	sshll.u32 s9, $0x3;
	v53 =	vmul.f32 v4, v4;
	v2 =	vsub.f32 v2, v4;
	v3 =	vsub.f32 v3, v4  }
0x221: {  	s19 =	ssub.s32 $0x0, s9;
	v37 =	vperm.xlane v55, v59;
	v5 =	vsub.f32 v5, v4;
	v7 =	vsub.f32 v7, v4  }
0x222: {  	s1 =	sshra.s32 s19, $0x2;
	v41 =	vsub.f32 v33, v4;
	v0 =	vsub.f32 v0, v53;
	v35 =	vperm.xlane v13, v10  }
0x223: {  	s1 =	sadd.s32 s1, s21;
	v38 =	vperm.xlane v1, v10;
	v49 =	vsub.f32 v34, v4;
	v32 =	vsub.f32 v32, v4  }
0x224: {  	v39 =	vld [tilespmem:s1+$0x0];
	v63 =	vadd.s32 v23, v37;
	v0 =	vadd.f32 $9.999999740e-06, v0;
	v13 =	vadd.f32 v13, v35  }
0x225: {  	v4 =	vsub.f32 v31, v4;
	v31 =	vadd.s32 v19, v37;
	v1 =	vadd.f32 v1, v38  }
0x226: {  	s18 =	simm.s32 $0x100;
	s1 =	simm.s32 $0x2;
	v57 =	vshra.s32 v0, $0x1;
	v0 =	vmul.f32 $5.000000000e-01, v0;
	v58 =	vperm.xlane v13, v11  }
0x227: {  	v46 =	vld [tilespmem:s18+$0x72B0];
	s22 =	sand.u32 $0xE, s1;
	v60 =	vperm.xlane v1, v11;
	v35 =	vsub.s32 $0x5F3759DF, v57  }
0x228: {  	v44 =	vld [tilespmem:s18+$0x7290];
	v59 =	vmov s22;
	v0 =	vmul.f32 v35, v0;
	v13 =	vadd.f32 v13, v58  }
0x229: {  	v39 =	vperm.xlane v39, v59;
	v54 =	vld.idx.msk [tilespmem:v63+s24+$0x0], $0xffff;
	v1 =	vadd.f32 v1, v60;
	v60 =	vadd.s32 v17, v37  }
0x22a: {  	v62 =	vadd.s32 v56, v37;
	v31 =	vld.idx.msk [tilespmem:v31+s24+$0x0], $0xffff;
	v0 =	vmul.f32 v35, v0;
	v61 =	vperm.xlane v13, v8  }
0x22b: {  	v43 =	vld [tilespmem:s18+$0x72A0];
	v48 =	vadd.s32 v56, v39;
	v56 =	vadd.s32 v21, v39;
	v55 =	vperm.xlane v1, v8  }
0x22c: {  	v50 =	vld [tilespmem:s18+$0x72C0];
	v57 =	vadd.s32 v21, v37;
	v0 =	vsub.f32 $1.500000000e+00, v0;
	v13 =	vadd.f32 v61, v13  }
0x22d: {  	v52 =	vadd.s32 v23, v39;
	v38 =	vld [tilespmem:s18+$0x7280];
	v58 =	vadd.s32 v18, v37;
	v1 =	vadd.f32 v55, v1  }
0x22e: {  	v47 =	vadd.f32 v44, v54;
	v53 =	vld.idx.msk [tilespmem:v60+s24+$0x0], $0xffff;
	v0 =	vmul.f32 v35, v0;
	v13 =	vmul.f32 $7.812500000e-03, v13  }
0x22f: {  	v60 =	vadd.s32 v17, v39;
	v46 =	vadd.f32 v46, v31;
	v1 =	vmul.f32 $7.812500000e-03, v1;
	v35 =	vld [tilespmem:s18+$0x72D0]  }
0x230: {  	v33 =	vmul.f32 v0, v2;
	v2 =	vld.idx.msk [tilespmem:v62+s24+$0x0], $0xffff;
	v61 =	vmul.f32 v13, v13;
	v62 =	vadd.s32 v20, v37  }
0x231: {  	v55 =	vsub.f32 v42, v13;
	v6 =	vsub.f32 v6, v13;
	v42 =	vld.idx.msk [tilespmem:v57+s24+$0x0], $0xffff;
	v37 =	vadd.s32 v16, v37  }
0x232: {  	v12 =	vsub.f32 v12, v13;
	v34 =	vmul.f32 v0, v4;
	v4 =	vsub.f32 v40, v13;
	v40 =	vld.idx.msk [tilespmem:v58+s24+$0x0], $0xffff  }
0x233: {  	v36 =	vsub.f32 v36, v13;
	v57 =	vadd.s32 v19, v39;
	v30 =	vsub.f32 v30, v13  }
0x234: {  	v51 =	vld [tilespmem:s18+$0x72E0];
	v58 =	vadd.s32 v18, v39;
	v29 =	vsub.f32 v29, v13;
	v1 =	vsub.f32 v1, v61  }
0x235: {  	v3 =	vmul.f32 v0, v3;
	v13 =	vsub.f32 v28, v13;
	v44 =	vadd.f32 v35, v53;
	v59 =	vld.idx.msk [tilespmem:v62+s24+$0x0], $0xffff  }
0x236: {  	v61 =	vadd.s32 v20, v39;
	v1 =	vadd.f32 $9.999999740e-06, v1;
	v37 =	vld.idx.msk [tilespmem:v37+s24+$0x0], $0xffff;
	v45 =	vadd.f32 v38, v2  }
0x237: {  	v62 =	vld [tilespmem:s18+$0x72F0];
	v43 =	vadd.f32 v43, v42;
	v42 =	vadd.f32 v50, v40;
	v40 =	vmul.f32 v47, v47  }
0x238: {  	v63 =	vshra.s32 v1, $0x1;
	v1 =	vmul.f32 $5.000000000e-01, v1;
	v35 =	vmul.f32 v45, v45  }
0x239: {  	v52 =	vld.idx.msk [tilespmem:v52+s24+$0x0], $0xffff;
	v39 =	vadd.s32 v16, v39;
	v53 =	vmul.f32 v46, v46;
	v38 =	vsub.s32 $0x5F3759DF, v63  }
0x23a: {  	v50 =	vld.idx.msk [tilespmem:v48+s24+$0x0], $0xffff;
	v63 =	vmul.f32 v42, v42;
	v1 =	vmul.f32 v38, v1;
	v35 =	vadd.f32 v40, v35  }
0x23b: {  	v40 =	vld.idx.msk [tilespmem:v57+s24+$0x0], $0xffff;
	v57 =	vadd.f32 v46, v43;
	v48 =	vadd.f32 v51, v59;
	v51 =	vmul.f32 v43, v43  }
0x23c: {  	v54 =	vld.idx.msk [tilespmem:v56+s24+$0x0], $0xffff;
	v31 =	vadd.f32 v62, v37;
	v62 =	vmul.f32 v44, v44;
	v59 =	vadd.f32 v47, v45  }
0x23d: {  	v60 =	vld.idx.msk [tilespmem:v60+s24+$0x0], $0xffff;
	v1 =	vmul.f32 v38, v1;
	v37 =	vadd.f32 v44, v42;
	v56 =	vmul.f32 v48, v48  }
0x23e: {  	v28 =	vld [tilespmem:s18+$0x7240];
	v51 =	vadd.f32 v53, v51;
	v53 =	vmul.f32 v31, v31;
	v2 =	vadd.f32 v62, v63  }
0x23f: {  	v5 =	vmul.f32 v0, v5;
	v61 =	vld.idx.msk [tilespmem:v61+s24+$0x0], $0xffff;
	v1 =	vsub.f32 $1.500000000e+00, v1;
	v63 =	vadd.f32 v57, v59  }
0x240: {  	v7 =	vmul.f32 v0, v7;
	v62 =	vld.idx.msk [tilespmem:v39+s24+$0x0], $0xffff;
	v53 =	vadd.f32 v53, v56;
	v56 =	vadd.f32 v31, v48  }
0x241: {  	v1 =	vmul.f32 v38, v1;
	v38 =	vld [tilespmem:s18+$0x7200];
	v35 =	vadd.f32 v51, v35;
	v51 =	vmul.f32 v0, v49  }
0x242: {  	v37 =	vadd.f32 v56, v37;
	v56 =	vmul.f32 v0, v41;
	v0 =	vmul.f32 v0, v32;
	v32 =	vld [tilespmem:s18+$0x7220]  }
0x243: {  	v3 =	vmul.f32 v3, v25;
	v41 =	vld [tilespmem:s18+$0x7210];
	v2 =	vadd.f32 v53, v2  }
0x244: {  	v49 =	vld [tilespmem:s18+$0x7230];
	v53 =	vmul.f32 v1, v55;
	v6 =	vmul.f32 v1, v6;
	v37 =	vadd.f32 v37, v63  }
0x245: {  	v57 =	vld [tilespmem:s18+$0x7250];
	v12 =	vmul.f32 v1, v12;
	v55 =	vmul.f32 v1, v36;
	v2 =	vadd.f32 v2, v35  }
0x246: {  	v63 =	vmul.f32 v1, v30;
	v30 =	vld [tilespmem:s18+$0x7260];
	v39 =	vperm.xlane v37, v9  }
0x247: {  	v58 =	vld.idx.msk [tilespmem:v58+s24+$0x0], $0xffff;
	v35 =	vadd.f32 v38, v50;
	v36 =	vperm.xlane v2, v9;
	v38 =	vadd.f32 v32, v54  }
0x248: {  	v23 =	vmovc v25;
	v4 =	vmul.f32 v1, v4;
	v59 =	vadd.f32 v37, v39;
	v39 =	vadd.f32 v41, v52  }
0x249: {  	v6 =	vmul.f32 v6, v23;
	v32 =	vld [tilespmem:s18+$0x7270];
	v2 =	vadd.f32 v2, v36;
	v36 =	vadd.f32 v49, v40  }
0x24a: {  	v49 =	vmul.f32 v35, v35;
	v41 =	vadd.f32 v57, v60;
	v54 =	vperm.xlane v59, v10  }
0x24b: {  	v40 =	vadd.f32 v30, v61;
	v50 =	vmul.f32 v39, v39;
	v52 =	vperm.xlane v2, v10  }
0x24c: {  	v37 =	vadd.f32 v28, v58;
	v57 =	vmul.f32 v36, v36;
	v58 =	vmul.f32 v41, v41  }
0x24d: {  	v60 =	vmul.f32 v40, v40;
	v28 =	vadd.f32 v59, v54;
	v54 =	vmul.f32 v38, v38  }
0x24e: {  	v2 =	vadd.f32 v2, v52;
	v32 =	vadd.f32 v32, v62;
	v52 =	vmul.f32 v37, v37  }
0x24f: {  	v25 =	vld [tilespmem:$0x1FF80];
	v59 =	vadd.f32 v39, v35;
	v49 =	vadd.f32 v50, v49;
	v30 =	vperm.xlane v28, v11  }
0x250: {  	v50 =	vadd.f32 v57, v54;
	v54 =	vmul.f32 v32, v32;
	v57 =	vadd.f32 v36, v38  }
0x251: {  	v61 =	vmul.f32 v1, v29;
	v52 =	vadd.f32 v58, v52;
	v62 =	vadd.f32 v32, v40  }
0x252: {  	v28 =	vadd.f32 v28, v30;
	v30 =	vperm.xlane v2, v11;
	v29 =	vadd.f32 v54, v60  }
0x253: {  	v1 =	vmul.f32 v1, v13;
	v13 =	vadd.f32 v57, v59;
	v50 =	vadd.f32 v50, v49  }
0x254: {  	v16 =	vld [tilespmem:$0x1FF30];
	v4 =	vmul.f32 v4, v25;
	v2 =	vadd.f32 v2, v30;
	v30 =	vadd.f32 v41, v37  }
0x255: {  	v26 =	vld [tilespmem:$0x1FF60];
	v54 =	vmul.f32 v33, v24;
	v58 =	vperm.xlane v28, v8;
	v29 =	vadd.f32 v29, v52  }
0x256: {  	v30 =	vadd.f32 v62, v30;
	v60 =	vperm.xlane v2, v8;
	v62 =	vmul.f32 v34, v22  }
0x257: {  	v57 =	vmovc v22;
	v28 =	vadd.f32 v58, v28;
	v22 =	vmov v24;
	v24 =	vld [tilespmem:$0x1FF70];
	v34 =	vmul.f32 v7, v25  }
0x258: {  	v59 =	vmul.f32 v53, v22;
	v2 =	vadd.f32 v60, v2;
	v58 =	vadd.f32 v62, v27;
	v27 =	vld [tilespmem:$0x1FF50]  }
0x259: {  	v53 =	vmul.f32 v61, v16;
	v49 =	vmul.f32 $7.812500000e-03, v28;
	v13 =	vadd.f32 v30, v13;
	v60 =	vld [tilespmem:$0x1FEF0]  }
0x25a: {  	v30 =	vmul.f32 v56, v26;
	v62 =	vld [tilespmem:$0x1FEE0];
	v2 =	vmul.f32 $7.812500000e-03, v2  }
0x25b: {  	v50 =	vadd.f32 v29, v50;
	v7 =	vmul.f32 v49, v49;
	v52 =	vperm.xlane v13, v9  }
0x25c: {  	v28 =	vmul.f32 v0, v16;
	v47 =	vsub.f32 v47, v49;
	v33 =	vmul.f32 v5, v24  }
0x25d: {  	v12 =	vmul.f32 v12, v24;
	v0 =	vsub.f32 v2, v7;
	v2 =	vadd.f32 v13, v52  }
0x25e: {  	v13 =	vperm.xlane v50, v9;
	v29 =	vmul.f32 v51, v27;
	v7 =	vadd.f32 v54, v60  }
0x25f: {  	v3 =	vadd.f32 v3, v62;
	v54 =	vmul.f32 v55, v26;
	v52 =	vmul.f32 v63, v27  }
0x260: {  	v51 =	vmul.f32 v1, v57;
	v5 =	vadd.f32 v50, v13;
	v50 =	vsub.f32 v45, v49  }
0x261: {  	v13 =	vperm.xlane v2, v10;
	v0 =	vadd.f32 $9.999999740e-06, v0;
	v45 =	vsub.f32 v43, v49  }
0x262: {  	v63 =	vld [tilespmem:$0x1FEC0];
	v43 =	vsub.f32 v46, v49;
	v46 =	vsub.f32 v42, v49;
	v55 =	vperm.xlane v5, v10  }
0x263: {  	v42 =	vsub.f32 v44, v49;
	v61 =	vshra.s32 v0, $0x1;
	v0 =	vmul.f32 $5.000000000e-01, v0  }
0x264: {  	[tilespmem:s17+$0xF2F0] =	vst v58;
	v56 =	vadd.f32 v2, v13;
	v57 =	vadd.f32 v5, v55;
	v55 =	vsub.s32 $0x5F3759DF, v61  }
0x265: {  	v44 =	vsub.f32 v48, v49;
	[tilespmem:s17+$0xF280] =	vst v7;
	v5 =	vadd.f32 v59, v60;
	v0 =	vmul.f32 v55, v0  }
0x266: {  	s5 =	sor.u32 $0x1, s5;
	v48 =	vadd.f32 v12, v14;
	[tilespmem:s17+$0xF290] =	vst v3;
	v61 =	vperm.xlane v56, v11;
	v59 =	vadd.f32 v6, v62  }
0x267: {  	s19 =	simm.s32 $0x400;
	s20 =	simm.s32 $0x4;
	s22 =	simm.s32 $0x2;
	v58 =	vadd.f32 v4, v63;
	[tilespmem:s17+$0xF200] =	vst v5;
	v62 =	vperm.xlane v57, v11;
	v60 =	vmul.f32 v55, v0  }
.LBB2_13:
0x268: {  	v21 =	vld [tilespmem:$0x1FF10]  }
0x269: {  	v19 =	vld [tilespmem:$0x1FF00]  }
0x26a: {  	v17 =	vld [tilespmem:$0x1FED0];
	_ =	sdelay $0x1  }
0x26b: {  	s9 =	sand.u32 $0xF, s20;
	[tilespmem:s17+$0xF210] =	vst v59  }
0x26c: {  	s10 =	sand.u32 $0x7, s22;
	s9 =	sshll.u32 s9, $0x2;
	v3 =	vsub.f32 $1.500000000e+00, v60;
	[tilespmem:s17+$0xF220] =	vst v48;
	v1 =	vadd.f32 v54, v21  }
0x26d: {  	v16 =	vld [tilespmem:$0x1FF40];
	s10 =	sshll.u32 s10, $0x3;
	[tilespmem:s17+$0xF230] =	vst v58;
	s9 =	ssub.s32 $0x0, s9;
	v5 =	vadd.f32 v52, v19  }
0x26e: {  	v12 =	vsub.f32 v31, v49;
	s21 =	sadd.s32 $0x2, s21;
	s10 =	ssub.s32 $0x0, s10;
	s9 =	sshra.s32 s9, $0x2;
	v3 =	vmul.f32 v55, v3;
	v6 =	vadd.f32 v53, v17;
	[tilespmem:s17+$0xF240] =	vst v1  }
0x26f: {  	v0 =	vadd.f32 v56, v61;
	s10 =	sshra.s32 s10, $0x2;
	v55 =	vld [tilespmem:$0x1FF20];
	s9 =	sadd.s32 s9, s21;
	[tilespmem:s17+$0xF250] =	vst v5  }
0x270: {  	v2 =	vadd.f32 v57, v62;
	v58 =	vadd.f32 v33, v14;
	s10 =	sadd.s32 s10, s21;
	v57 =	vld [tilespmem:s9+$0x0];
	v12 =	vmul.f32 v3, v12;
	[tilespmem:s17+$0xF260] =	vst v6  }
0x271: {  	s11 =	smov.u32 s1;
	s1 =	sadd.s32 $0x2, s1;
	v31 =	vadd.f32 v34, v63;
	v6 =	vld [tilespmem:s10+$0x0]  }
0x272: {  	s19 =	sadd.s32 $0x400, s19;
	s13 =	sand.u32 $0xE, s1;
	v61 =	vld [tilespmem:$0x1FFE0];
	v4 =	vperm.xlane v0, v8;
	[tilespmem:s17+$0xF2A0] =	vst v58;
	v12 =	vmul.f32 v12, v16  }
0x273: {  	s11 =	sadd.s32 $0x3, s11;
	v7 =	vperm.xlane v2, v8;
	v54 =	vmov s13;
	s13 =	sshra.s32 s19, $0x2;
	v30 =	vadd.f32 v30, v21;
	v21 =	vld [tilespmem:$0x1FF30];
	[tilespmem:s17+$0xF2B0] =	vst v31  }
0x274: {  	v60 =	vmov s11;
	v0 =	vadd.f32 v4, v0;
	v5 =	vld [tilespmem:s13+$0x7280];
	v12 =	vadd.f32 v12, v55  }
0x275: {  	v2 =	vadd.f32 v7, v2;
	v4 =	vperm.xlane v57, v60;
	v60 =	vld [tilespmem:$0x1FFB0]  }
0x276: {  	v14 =	vlaneseq.u32;
	v0 =	vmul.f32 $7.812500000e-03, v0;
	v1 =	vperm.xlane v6, v54;
	v6 =	vld [tilespmem:s13+$0x7290];
	[tilespmem:s18+$0xF2F0] =	vst v12  }
0x277: {  	v7 =	vmul.f32 v3, v50;
	v2 =	vmul.f32 $7.812500000e-03, v2;
	v56 =	vadd.f32 v51, v55;
	v31 =	vld [tilespmem:s13+$0x72A0]  }
0x278: {  	v48 =	vsub.f32 v35, v0;
	v35 =	vsub.f32 v37, v0;
	v34 =	vadd.s32 v61, v4;
	v50 =	vld [tilespmem:s13+$0x72B0]  }
0x279: {  	v37 =	vsub.f32 v40, v0;
	v12 =	vadd.s32 v14, v4;
	v40 =	vadd.s32 v14, v1;
	v14 =	vld [tilespmem:$0x1FFF0]  }
0x27a: {  	v59 =	vmul.f32 v0, v0;
	v39 =	vsub.f32 v39, v0;
	v58 =	vadd.s32 v18, v4;
	v53 =	vld [tilespmem:s13+$0x72C0]  }
0x27b: {  	v38 =	vsub.f32 v38, v0;
	v49 =	vsub.f32 v36, v0;
	[tilespmem:s17+$0xF270] =	vst v56;
	v56 =	vld [tilespmem:s13+$0x72D0]  }
0x27c: {  	v36 =	vsub.f32 v41, v0;
	v2 =	vsub.f32 v2, v59;
	v59 =	vld [tilespmem:s13+$0x72E0]  }
0x27d: {  	v0 =	vsub.f32 v32, v0;
	v55 =	vadd.s32 v60, v1;
	v60 =	vadd.s32 v60, v4;
	v32 =	vld.idx.msk [tilespmem:v34+s24+$0x0], $0xffff  }
0x27e: {  	v41 =	vadd.s32 v14, v1;
	v33 =	vadd.s32 v14, v4;
	v14 =	vld [tilespmem:$0x1FFD0]  }
0x27f: {  	v2 =	vadd.f32 $9.999999740e-06, v2;
	v51 =	vadd.s32 v61, v1;
	v57 =	vadd.s32 v20, v1;
	v58 =	vld.idx.msk [tilespmem:v58+s24+$0x0], $0xffff  }
0x280: {  	v34 =	vmul.f32 v3, v45;
	v45 =	vmul.f32 v3, v46;
	v46 =	vadd.f32 v29, v19;
	v19 =	vld [tilespmem:$0x1FEF0]  }
0x281: {  	v54 =	vadd.s32 v18, v1;
	v61 =	vshra.s32 v2, $0x1;
	v2 =	vmul.f32 $5.000000000e-01, v2;
	v12 =	vld.idx.msk [tilespmem:v12+s24+$0x0], $0xffff  }
0x282: {  	v13 =	vmul.f32 v3, v47;
	v61 =	vsub.s32 $0x5F3759DF, v61;
	v60 =	vld.idx.msk [tilespmem:v60+s24+$0x0], $0xffff  }
0x283: {  	v2 =	vmul.f32 v61, v2;
	v52 =	vadd.s32 v14, v1;
	v47 =	vadd.s32 v14, v4;
	v14 =	vld [tilespmem:$0x1FF90]  }
0x284: {  	v42 =	vmul.f32 v3, v42;
	v62 =	vld.idx.msk [tilespmem:v33+s24+$0x0], $0xffff;
	v33 =	vadd.s32 v20, v4  }
0x285: {  	v2 =	vmul.f32 v61, v2;
	v57 =	vld.idx.msk [tilespmem:v57+s24+$0x0], $0xffff  }
0x286: {  	v29 =	vmul.f32 v42, v27;
	v42 =	vadd.f32 v53, v58;
	v53 =	vld.idx.msk [tilespmem:v54+s24+$0x0], $0xffff  }
0x287: {  	v43 =	vmul.f32 v3, v43;
	v2 =	vsub.f32 $1.500000000e+00, v2;
	v54 =	vld.idx.msk [tilespmem:v55+s24+$0x0], $0xffff  }
0x288: {  	v7 =	vmul.f32 v7, v22;
	v13 =	vmul.f32 v13, v23;
	v4 =	vadd.s32 v14, v4;
	v63 =	vld.idx.msk [tilespmem:v47+s24+$0x0], $0xffff  }
0x289: {  	v3 =	vmul.f32 v3, v44;
	v2 =	vmul.f32 v61, v2;
	v1 =	vadd.s32 v14, v1;
	v44 =	vld.idx.msk [tilespmem:v33+s24+$0x0], $0xffff  }
0x28a: {  	v33 =	vmul.f32 v34, v24;
	v34 =	vmul.f32 v43, v25;
	v43 =	vadd.f32 v5, v12;
	v12 =	vld.idx.msk [tilespmem:v40+s24+$0x0], $0xffff  }
0x28b: {  	v14 =	vadd.f32 v28, v17;
	[tilespmem:s17+$0xF2C0] =	vst v30;
	v28 =	vmul.f32 v3, v21;
	v3 =	vld.idx.msk [tilespmem:v41+s24+$0x0], $0xffff  }
0x28c: {  	v38 =	vmul.f32 v2, v38;
	v30 =	vmul.f32 v45, v26;
	v5 =	vld [tilespmem:s13+$0x72F0]  }
0x28d: {  	v47 =	vadd.f32 v6, v62;
	v45 =	vadd.f32 v31, v32;
	v6 =	vmul.f32 v2, v48;
	v4 =	vld.idx.msk [tilespmem:v4+s24+$0x0], $0xffff  }
0x28e: {  	v48 =	vadd.f32 v56, v60;
	v40 =	vmul.f32 v43, v43;
	[tilespmem:s17+$0xF2D0] =	vst v46;
	v46 =	vadd.f32 v50, v63  }
0x28f: {  	v7 =	vadd.f32 v7, v19;
	v32 =	vld.idx.msk [tilespmem:v51+s24+$0x0], $0xffff;
	v41 =	vmul.f32 v47, v47;
	v51 =	vmul.f32 v45, v45  }
0x290: {  	v56 =	vadd.f32 v47, v43;
	v60 =	vadd.f32 v48, v42;
	v50 =	vld.idx.msk [tilespmem:v52+s24+$0x0], $0xffff;
	v52 =	vmul.f32 v46, v46  }
0x291: {  	v49 =	vmul.f32 v2, v49;
	v40 =	vadd.f32 v41, v40;
	v44 =	vadd.f32 v59, v44;
	v1 =	vld.idx.msk [tilespmem:v1+s24+$0x0], $0xffff  }
0x292: {  	v41 =	vadd.f32 v52, v51;
	v51 =	vmul.f32 v2, v39;
	v39 =	vld [tilespmem:s13+$0x7200];
	v31 =	vadd.f32 v5, v4  }
0x293: {  	v17 =	vld [tilespmem:$0x1FEE0];
	[tilespmem:s18+$0xF280] =	vst v7;
	v58 =	vadd.f32 v46, v45;
	v4 =	vmul.f32 v42, v42;
	v5 =	vmul.f32 v48, v48  }
0x294: {  	v7 =	vld [tilespmem:s13+$0x7210];
	v55 =	vmul.f32 v44, v44;
	[tilespmem:s17+$0xF2E0] =	vst v14;
	s17 =	smov.u32 s18;
	s18 =	smov.u32 s13;
	v59 =	vmul.f32 v31, v31;
	v61 =	vadd.f32 v31, v44  }
0x295: {  	v14 =	vld [tilespmem:s18+$0x7220];
	v62 =	vadd.f32 v58, v56;
	v56 =	vmul.f32 v2, v35;
	v4 =	vadd.f32 v5, v4  }
0x296: {  	v58 =	vmul.f32 v2, v36;
	v36 =	vld [tilespmem:s18+$0x7230];
	v5 =	vadd.f32 v59, v55;
	v63 =	vadd.f32 v61, v60  }
0x297: {  	v40 =	vadd.f32 v41, v40;
	v55 =	vmul.f32 v2, v37;
	v37 =	vld [tilespmem:s18+$0x7240];
	v35 =	vadd.f32 v39, v12  }
0x298: {  	v0 =	vmul.f32 v2, v0;
	v12 =	vld [tilespmem:s18+$0x7250];
	v4 =	vadd.f32 v5, v4;
	v5 =	vadd.f32 v63, v62  }
0x299: {  	v52 =	vadd.f32 v13, v17;
	v39 =	vadd.f32 v7, v3;
	v3 =	vld [tilespmem:s18+$0x7260];
	v60 =	vmul.f32 v38, v24  }
0x29a: {  	v38 =	vadd.f32 v14, v32;
	v59 =	vld [tilespmem:s18+$0x7270];
	v4 =	vadd.f32 v4, v40;
	v13 =	vperm.xlane v5, v9  }
0x29b: {  	v36 =	vadd.f32 v36, v50;
	v14 =	vmul.f32 v35, v35;
	v50 =	vmul.f32 v39, v39  }
0x29c: {  	v7 =	vmul.f32 v51, v23;
	v5 =	vadd.f32 v5, v13;
	v13 =	vperm.xlane v4, v9  }
0x29d: {  	v51 =	vmul.f32 v36, v36;
	v14 =	vadd.f32 v50, v14;
	v37 =	vadd.f32 v37, v53  }
0x29e: {  	v41 =	vadd.f32 v12, v54;
	v4 =	vadd.f32 v4, v13;
	v13 =	vperm.xlane v5, v10  }
0x29f: {  	v12 =	vmul.f32 v38, v38;
	v40 =	vadd.f32 v3, v57;
	v32 =	vadd.f32 v59, v1  }
0x2a0: {  	v53 =	vadd.f32 v39, v35;
	v61 =	vadd.f32 v5, v13;
	v62 =	vperm.xlane v4, v10  }
0x2a1: {  	v57 =	vadd.f32 v36, v38;
	v1 =	vmul.f32 v37, v37;
	v2 =	vmul.f32 v41, v41  }
0x2a2: {  	[tilespmem:s17+$0xF290] =	vst v52;
	v52 =	vmul.f32 v32, v32;
	v4 =	vadd.f32 v4, v62;
	v63 =	vperm.xlane v61, v11  }
0x2a3: {  	v59 =	vadd.f32 v41, v37;
	v12 =	vadd.f32 v51, v12;
	v13 =	vmul.f32 v40, v40  }
0x2a4: {  	v1 =	vadd.f32 v2, v1;
	v3 =	vadd.f32 v61, v63;
	v54 =	vperm.xlane v4, v11  }
0x2a5: {  	v12 =	vadd.f32 v12, v14;
	v62 =	vadd.f32 v52, v13  }
0x2a6: {  	v13 =	vadd.f32 v57, v53;
	v4 =	vadd.f32 v4, v54;
	v51 =	vperm.xlane v3, v8  }
0x2a7: {  	v6 =	vmul.f32 v6, v22;
	v61 =	vadd.f32 v32, v40;
	v1 =	vadd.f32 v62, v1  }
0x2a8: {  	v54 =	vmul.f32 v56, v26;
	v3 =	vadd.f32 v51, v3;
	v56 =	vperm.xlane v4, v8  }
0x2a9: {  	v52 =	vmul.f32 v58, v27;
	v57 =	vadd.f32 v61, v59;
	v62 =	vadd.f32 v1, v12  }
0x2aa: {  	v63 =	vmul.f32 v49, v25;
	v59 =	vadd.f32 v56, v4;
	v49 =	vmul.f32 $7.812500000e-03, v3  }
0x2ab: {  	v53 =	vmul.f32 v55, v21;
	v61 =	vadd.f32 v57, v13;
	v58 =	vperm.xlane v62, v9  }
0x2ac: {  	v5 =	vadd.f32 v6, v19;
	v55 =	vmul.f32 $7.812500000e-03, v59;
	v56 =	vmul.f32 v49, v49  }
0x2ad: {  	v51 =	vmul.f32 v0, v16;
	v57 =	vperm.xlane v61, v9;
	v0 =	vadd.f32 v62, v58  }
0x2ae: {  	v50 =	vsub.f32 v43, v49;
	v1 =	vsub.f32 v55, v56  }
0x2af: {  	v47 =	vsub.f32 v47, v49;
	v59 =	vadd.f32 v61, v57  }
0x2b0: {  	v58 =	vld [tilespmem:$0x1FEC0];
	v45 =	vsub.f32 v45, v49;
	v1 =	vadd.f32 $9.999999740e-06, v1  }
0x2b1: {  	p0 =	slt.u32 s1, $0x7E;
	v43 =	vsub.f32 v46, v49;
	v46 =	vsub.f32 v42, v49;
	v3 =	vperm.xlane v59, v10  }
.Ltmp7:
0x2b2: {  	v61 =	vperm.xlane v0, v10;
	v62 =	vshra.s32 v1, $0x1;
	v1 =	vmul.f32 $5.000000000e-01, v1;
	(pc) =	sbr.rel @p0 .LBB2_13-.Ltmp7, $4  }
0x2b3: {  	v42 =	vsub.f32 v48, v49;
	v56 =	vadd.f32 v59, v3;
	v55 =	vsub.s32 $0x5F3759DF, v62  }
0x2b4: {  	v44 =	vsub.f32 v44, v49;
	v57 =	vadd.f32 v0, v61;
	v4 =	vmul.f32 v55, v1  }
0x2b5: {  	v14 =	vmovc v15;
	v48 =	vadd.f32 v60, v15;
	v58 =	vadd.f32 v63, v58;
	v61 =	vperm.xlane v56, v11  }
0x2b6: {  	s20 =	sadd.s32 $0x2, s20;
	s22 =	sadd.s32 $0x1, s22;
	[tilespmem:s17+$0xF200] =	vst v5;
	v63 =	vld [tilespmem:$0x1FEC0];
	v59 =	vadd.f32 v7, v17;
	v62 =	vperm.xlane v57, v11;
	v60 =	vmul.f32 v55, v4  }
0x2b7: {  	v0 =	vadd.f32 v56, v61;
	_ =	sdelay $0x1  }
0x2b8: {  	v1 =	vadd.f32 v57, v62;
	v2 =	vperm.xlane v0, v8;
	_ =	sdelay $0x1  }
0x2b9: {  	v3 =	vperm.xlane v1, v8;
	v0 =	vadd.f32 v2, v0;
	_ =	sdelay $0x1  }
0x2ba: {  	v1 =	vadd.f32 v3, v1;
	v0 =	vmul.f32 $7.812500000e-03, v0;
	_ =	sdelay $0x1  }
0x2bb: {  	v1 =	vmul.f32 $7.812500000e-03, v1;
	v2 =	vmul.f32 v0, v0;
	_ =	sdelay $0x1  }
0x2bc: {  	v1 =	vsub.f32 v1, v2;
	v2 =	vsub.f32 $1.500000000e+00, v60  }
0x2bd: {  	[tilespmem:s17+$0xF210] =	vst v59  }
0x2be: {  	v2 =	vmul.f32 v55, v2;
	v55 =	vld [tilespmem:$0x1FF10];
	[tilespmem:s17+$0xF220] =	vst v48  }
0x2bf: {  	v4 =	vsub.f32 v31, v49;
	v49 =	vld [tilespmem:$0x1FF00];
	_ =	sdelay $0x3  }
0x2c0: {  	[tilespmem:s17+$0xF230] =	vst v58;
	v5 =	vadd.f32 v54, v55  }
0x2c1: {  	v48 =	vld [tilespmem:$0x1FED0];
	v6 =	vadd.f32 v52, v49  }
0x2c2: {  	v52 =	vld [tilespmem:$0x1FF20];
	[tilespmem:s17+$0xF240] =	vst v5  }
0x2c3: {  	[tilespmem:s17+$0xF250] =	vst v6  }
0x2c4: {  	v56 =	vld [tilespmem:$0x1FF40];
	_ =	sdelay $0x1  }
0x2c5: {  	v7 =	vadd.f32 v53, v48  }
0x2c6: {  	v13 =	vadd.f32 v34, v63;
	v4 =	vmul.f32 v2, v4  }
0x2c7: {  	v5 =	vadd.f32 v33, v14;
	[tilespmem:s17+$0xF260] =	vst v7  }
0x2c8: {  	[tilespmem:s17+$0xF2B0] =	vst v13;
	v13 =	vadd.f32 v30, v55;
	v4 =	vmul.f32 v4, v56  }
0x2c9: {  	[tilespmem:s17+$0xF2A0] =	vst v5;
	v12 =	vadd.f32 v51, v52  }
0x2ca: {  	[tilespmem:s17+$0xF2C0] =	vst v13;
	v4 =	vadd.f32 v4, v52  }
0x2cb: {  	v1 =	vadd.f32 $9.999999740e-06, v1;
	[tilespmem:s17+$0xF270] =	vst v12  }
0x2cc: {  	[tilespmem:s18+$0xF2F0] =	vst v4  }
0x2cd: {  	v3 =	vshra.s32 v1, $0x1;
	v1 =	vmul.f32 $5.000000000e-01, v1;
	v61 =	vld [tilespmem:$0x1FEF0]  }
0x2ce: {  	v57 =	vmul.f32 v2, v50;
	v3 =	vsub.s32 $0x5F3759DF, v3  }
0x2cf: {  	v1 =	vmul.f32 v3, v1  }
0x2d0: {  	v60 =	vmul.f32 v57, v22  }
0x2d1: {  	v1 =	vmul.f32 v3, v1;
	v4 =	vadd.f32 v29, v49  }
0x2d2: {  	v13 =	vadd.f32 v60, v61  }
0x2d3: {  	v1 =	vsub.f32 $1.500000000e+00, v1;
	[tilespmem:s17+$0xF2D0] =	vst v4  }
0x2d4: {  	v59 =	vsub.f32 v41, v0;
	[tilespmem:s18+$0xF280] =	vst v13  }
0x2d5: {  	v14 =	vsub.f32 v39, v0;
	v6 =	vsub.f32 v35, v0;
	v1 =	vmul.f32 v3, v1;
	v62 =	vld [tilespmem:$0x1FEE0]  }
0x2d6: {  	v58 =	vmul.f32 v2, v47;
	v28 =	vadd.f32 v28, v48;
	v5 =	vsub.f32 v37, v0  }
0x2d7: {  	v7 =	vsub.f32 v38, v0;
	v6 =	vmul.f32 v1, v6;
	v14 =	vmul.f32 v1, v14  }
0x2d8: {  	v5 =	vmul.f32 v1, v5;
	v12 =	vsub.f32 v36, v0;
	v29 =	vmul.f32 v58, v23  }
0x2d9: {  	v3 =	vsub.f32 v40, v0;
	v6 =	vmul.f32 v6, v22;
	v4 =	vmul.f32 v1, v7  }
0x2da: {  	v7 =	vmul.f32 v1, v12;
	v13 =	vmul.f32 v14, v23;
	v12 =	vadd.f32 v29, v62  }
0x2db: {  	v0 =	vsub.f32 v32, v0;
	v4 =	vmul.f32 v4, v24;
	v6 =	vadd.f32 v6, v61;
	[tilespmem:s17+$0xF2E0] =	vst v28  }
0x2dc: {  	v7 =	vmul.f32 v7, v25;
	v14 =	vmul.f32 v1, v59;
	[tilespmem:s18+$0xF290] =	vst v12;
	v12 =	vadd.f32 v13, v62  }
0x2dd: {  	v5 =	vmul.f32 v5, v26;
	v0 =	vmul.f32 v1, v0;
	v4 =	vadd.f32 v4, v15;
	[tilespmem:s18+$0xF200] =	vst v6  }
0x2de: {  	v3 =	vmul.f32 v1, v3;
	v6 =	vadd.f32 v7, v63;
	v1 =	vmul.f32 v14, v27;
	[tilespmem:s18+$0xF210] =	vst v12  }
0x2df: {  	v5 =	vadd.f32 v5, v55;
	v0 =	vmul.f32 v0, v56;
	v12 =	vld [tilespmem:$0x1FF30];
	[tilespmem:s18+$0xF220] =	vst v4;
	v4 =	vmul.f32 v2, v43  }
0x2e0: {  	v7 =	vmul.f32 v2, v45;
	v1 =	vadd.f32 v1, v49;
	[tilespmem:s18+$0xF230] =	vst v6;
	v6 =	vmul.f32 v2, v46  }
0x2e1: {  	v0 =	vadd.f32 v0, v52;
	[tilespmem:s18+$0xF240] =	vst v5;
	v5 =	vmul.f32 v2, v42;
	v4 =	vmul.f32 v4, v25  }
0x2e2: {  	[tilespmem:s18+$0xF250] =	vst v1;
	v1 =	vmul.f32 v2, v44;
	v2 =	vmul.f32 v6, v26  }
0x2e3: {  	[tilespmem:s18+$0xF270] =	vst v0;
	v5 =	vmul.f32 v5, v27;
	v0 =	vadd.f32 v4, v63  }
0x2e4: {  	v2 =	vadd.f32 v2, v55;
	v3 =	vmul.f32 v3, v12  }
0x2e5: {  	v1 =	vmul.f32 v1, v12;
	[tilespmem:s18+$0xF2B0] =	vst v0;
	v0 =	vadd.f32 v5, v49  }
0x2e6: {  	v7 =	vmul.f32 v7, v24;
	[tilespmem:s18+$0xF2C0] =	vst v2;
	v3 =	vadd.f32 v3, v48  }
0x2e7: {  	v1 =	vadd.f32 v1, v48;
	[tilespmem:s18+$0xF2D0] =	vst v0  }
0x2e8: {  	[tilespmem:s18+$0xF260] =	vst v3;
	v3 =	vadd.f32 v7, v15  }
0x2e9: {  	s1 =	sadd.s32 @!p1 $0x180, s15;
	s4 =	sadd.s32 $0x1, s4;
	[tilespmem:s18+$0xF2E0] =	vst v1  }
0x2ea: {  	s9 =	simm.s32 @!p1 $0x80;
	s10 =	simm.s32 @!p1 $0x7200;
	p0 =	sne.s32 s4, $0x19;
	[tilespmem:s18+$0xF2A0] =	vst v3  }
0x2eb: {  	[tilespmem:s10], [sflag:$0x2] =	stream.indirect.gather @!p1 [hbm4b:s0+s9], $0x80, s1, s9, $0xb8;
	[tilespmem:$0x1FC00] =	vst v63  }
.Ltmp8:
0x2ec: {  	s22 =	sshll.u32 s5, $0xE;
	v14 =	vmov v15;
	v15 =	vld [tilespmem:$0x1FFF0];
	(pc) =	sbr.rel @p0 .LBB2_10-.Ltmp8, $4  }
0x2ed: {  	s1 =	sadd.s32 s12, s22;
	v17 =	vld [tilespmem:$0x1FFE0]  }
0x2ee: {  	v19 =	vmov v18;
	v6 =	vld [tilespmem:$0x1FFD0];
	s1 =	sshrl.u32 s1, $0x3  }
0x2ef: {  	s2 =	sadd.s32 $0x100, s2;
	s3 =	sadd.s32 $0x100, s3;
	v21 =	vmovc v22;
	v22 =	vmovc v23;
	v4 =	vmov v10;
	v5 =	vmov v11;
	v11 =	vmov v52;
	v18 =	vld [tilespmem:$0x1FFB0];
	s1 =	sadd.s32 s7, s1  }
0x2f0: {  	v2 =	vmovc v61;
	v7 =	vmovc v20;
	v1 =	vmov v12;
	v12 =	vmov v56;
	v13 =	vld [tilespmem:$0x1FF90];
	v3 =	vmov v62;
	[hbm4b:s1+s8] =	stream.linear.scatter [tilespmem:s28], [sflag:$0x4], $0x4000, $0x38  }
0x2f1: {  	_ =	swait.ge [sflag:s29], $0x4000  }
0x2f2: {  	[sflag:s29] =	ssyncset.done $0x0  }
0x2f3: {  	[sflag:s29] =	ssyncadd.s32 $0xFFFFC000  }
0x2f4: {  	_ =	swait.ge [sflag:s30], $0x4000  }
0x2f5: {  	s31 =	sadd.s32 $0x1, s31;
	s1 =	rddreg [dreg:$0xc]  }
0x2f6: {  	p0 =	sne.s32 s31, s1  }
.Ltmp9:
0x2f7: {  	_ = 	snop;
	(pc) =	sbr.rel @p0 .LBB2_1-.Ltmp9, $4  }
.Ltmp10:
0x2f8: {  	_ = 	snop;
	(pc) =	sbr.rel @!p0 .LBB2_16-.Ltmp10, $4  }
0x2f9: {  	_ = 	snop  }
0x2fa: {  	[sflag:s30] =	ssyncset.done $0x0  }
0x2fb: {  	s5 =	simm.s32 $0x3200;
	s9 =	simm.s32 $0x7200;
	[sflag:s30] =	ssyncadd.s32 $0xFFFFC000  }
0x2fc: {  	_ = 	snop  }
.LBB2_5:
.Ltmp11:
0x2fd: {  	(pc) =	sbr.rel .LBB2_7-.Ltmp11, $2  }
0x2fe: {  	_ =	sdelay $0x2  }
0x2ff: {  	s3 =	simm.s32 $0x0  }
.LBB2_16:
0x300: {  	_ =	sfence.sel $0x180000  }
0x301: {  	[bflag:$0x0] =	sbarrier.arrive $0xFFFF  }
0x302: {  	_ =	strace $0x90000047  }
0x303: {  	s0 =	stileid.u32;
	[bflag:$0x2] =	sbarrier.arrive $0xFFFF  }
0x304: {  	p0 =	sne.s32 s0, $0x0;
	s0 =	rddreg [dreg:$0x8]  }
0x305: {  	s0 =	sadd.s32 @!p0 $0x100000, s0  }
0x306: {  	[sflag:s0] =	ssyncadd.tile.s32 @!p0 $0x1;
	_ =	shalt  }
.Lfunc_end2:
_tile_overlayer_lowered:
.L_overlay_start_2:
0x307: {  	(tag) =	ssettag $0x2  }
0x308: {  	s0 =	rddreg [dreg:$0x0];
	s2 =	stileid.u32  }
0x309: {  	s1 =	rddreg [dreg:$0x1];
	p0 =	sne.s32 s2, $0x0  }
0x30a: {  	s3 =	rddreg [dreg:$0x2];
	[bflag:$0x3] =	sbarrier.arrive $0xFFFF;
	s2 =	simm.s32 @!p0 $0x1C05  }
0x30b: {  	[timem:s3], [sflag:s2] =	dma.local @!p0 [hbm:s0], s1  }
0x30c: {  	s0 =	simm.s32 @!p0 $0x5  }
0x30d: {  	_ =	swait.ge @!p0 [sflag:s0], s1  }
0x30e: {  	s1 =	ssub.s32 @!p0 $0x0, s1;
	[sflag:s0] =	ssyncset.done @!p0 $0x0  }
0x30f: {  	[sflag:s0] =	ssyncadd.s32 @!p0 s1  }
0x310: {  	[bflag:$0x3] =	sbarrier.arrive $0xFFFF  }
0x311: {  	_ =	shalt  }

</sc_bundles>
